<compile_context>
chip_gen: v7x
topology: tpu7x:2x2x1
jax: 0.10.2.dev20260603
libtpu: 0.0.44.dev20260713+nightly
codegen_flags: <defaults>
</compile_context>

<pallas_src>
import jax
import jax.numpy as jnp
from jax import lax
from jax.experimental import pallas as pl
from jax.experimental.pallas import tpu as pltpu
from jax.experimental.pallas import tpu_sc as plsc

N = 10000
E = 320000
F = 128
NC, NS, L = 2, 16, 16
NW = NC * NS
K = 128
CPW = 80
E_PAD = NW * CPW * K
NPAD = 10240
RPT = NPAD // NS
NB = 2
NH = 2
HCH = CPW // NH


def _make_agg(with_deg: bool):
    out_types = [jax.ShapeDtypeStruct((NC, NPAD, F), jnp.float32)]
    if with_deg:
        out_types.append(jax.ShapeDtypeStruct((NC * NPAD,), jnp.float32))
    scratch = [
        pltpu.VMEM((HCH, K), jnp.int32),
        pltpu.VMEM((HCH, K), jnp.int32),
        pltpu.VMEM((NB, K, F), jnp.float32),
        pltpu.VMEM((RPT,), jnp.float32),
        pltpu.VMEM_SHARED((NPAD, F), jnp.float32),
        pltpu.VMEM_SHARED((NPAD,), jnp.float32),
    ] + [pltpu.SemaphoreType.DMA] * (2 * NB)
    mesh = plsc.VectorSubcoreMesh(
        core_axis_name="c", subcore_axis_name="s", num_cores=NC, num_subcores=NS)

    def body(feat, srcc, dstc, *rest):
        if with_deg:
            acc_out, deg_out, src_v, dst_v, rows, dbuf, acc, deg_sp, *sems = rest
        else:
            acc_out, src_v, dst_v, rows, dbuf, acc, deg_sp, *sems = rest
        gsems, ssems = sems[:NB], sems[NB:]
        c = lax.axis_index("c")
        s = lax.axis_index("s")
        w = c * NS + s

        z16 = jnp.zeros((L,), jnp.float32)

        @pl.loop(0, K)
        def _(i):
            for jj in range(F // L):
                rows[0, i, pl.ds(jj * L, L)] = z16

        for t in range(RPT // K):
            pltpu.sync_copy(rows.at[0], acc.at[pl.ds(s * RPT + t * K, K)])

        @pl.loop(0, RPT // L)
        def _(i):
            dbuf[pl.ds(i * L, L)] = z16

        pltpu.sync_copy(dbuf, deg_sp.at[pl.ds(s * RPT, RPT)])

        if with_deg:
            one16 = jnp.ones((L,), jnp.float32)
            for jj in range(K // L):
                dbuf[pl.ds(jj * L, L)] = one16

        plsc.subcore_barrier()

        for h in range(NH):
            pltpu.sync_copy(srcc.at[pl.ds(w * CPW + h * HCH, HCH)], src_v)
            pltpu.sync_copy(dstc.at[pl.ds(w * CPW + h * HCH, HCH)], dst_v)

            for b in range(NB):
                pltpu.async_copy(feat.at[src_v.at[b]], rows.at[b], gsems[b])

            @pl.loop(0, HCH // NB)
            def _(t):
                for b in range(NB):
                    j = t * NB + b

                    @pl.when(t > 0)
                    def _():
                        pltpu.make_async_copy(
                            rows.at[b], acc.at[dst_v.at[j]], ssems[b]).wait()
                        pltpu.async_copy(feat.at[src_v.at[j]], rows.at[b],
                                         gsems[b])
                for b in range(NB):
                    j = t * NB + b
                    pltpu.make_async_copy(
                        feat.at[src_v.at[j]], rows.at[b], gsems[b]).wait()
                    pltpu.async_copy(rows.at[b], acc.at[dst_v.at[j]],
                                     ssems[b], add=True)
                    if with_deg:
                        pltpu.sync_copy(dbuf.at[pl.ds(0, K)],
                                        deg_sp.at[dst_v.at[j]], add=True)

            for b in range(NB):
                pltpu.make_async_copy(
                    rows.at[b], acc.at[dst_v.at[HCH - NB + b]],
                    ssems[b]).wait()

        plsc.subcore_barrier()

        pltpu.sync_copy(acc.at[pl.ds(s * RPT, RPT)],
                        acc_out.at[c, pl.ds(s * RPT, RPT)])
        if with_deg:
            pltpu.sync_copy(deg_sp.at[pl.ds(s * RPT, RPT)],
                            deg_out.at[pl.ds(c * NPAD + s * RPT, RPT)])

    return pl.kernel(body,
                     out_type=tuple(out_types) if with_deg else out_types[0],
                     mesh=mesh, scratch_types=scratch)


_agg_deg = _make_agg(True)
_agg = _make_agg(False)


R = 1000
G = N // R


def _tc1_body(x_r, p_r, d_r, w1s_r, w1n_r, b1_r, w2s_r, w2n_r, b2_r,
              y2_r, z_r):
    deg = d_r[0] + d_r[1]
    inv = 1.0 / jnp.maximum(deg, 1.0)
    mean = (p_r[0] + p_r[1]) * inv
    h = (jnp.dot(x_r[...], w1s_r[...], preferred_element_type=jnp.float32)
         + jnp.dot(mean, w1n_r[...], preferred_element_type=jnp.float32)
         + b1_r[...])
    h = jnp.maximum(h, 0.0)
    y2_r[...] = jnp.dot(h, w2n_r[...], preferred_element_type=jnp.float32)
    z_r[...] = (jnp.dot(h, w2s_r[...], preferred_element_type=jnp.float32)
                + b2_r[...])


_tc1 = pl.pallas_call(
    _tc1_body,
    grid=(G,),
    in_specs=[
        pl.BlockSpec((R, F), lambda i: (i, 0)),
        pl.BlockSpec((NC, R, F), lambda i: (0, i, 0)),
        pl.BlockSpec((NC, R, 1), lambda i: (0, i, 0)),
        pl.BlockSpec((128, 256), lambda i: (0, 0)),
        pl.BlockSpec((128, 256), lambda i: (0, 0)),
        pl.BlockSpec((1, 256), lambda i: (0, 0)),
        pl.BlockSpec((256, 128), lambda i: (0, 0)),
        pl.BlockSpec((256, 128), lambda i: (0, 0)),
        pl.BlockSpec((1, 128), lambda i: (0, 0)),
    ],
    out_specs=[pl.BlockSpec((R, F), lambda i: (i, 0)),
               pl.BlockSpec((R, F), lambda i: (i, 0))],
    out_shape=[jax.ShapeDtypeStruct((N, F), jnp.float32),
               jax.ShapeDtypeStruct((N, F), jnp.float32)],
)


def _tc2_body(z_r, p_r, d_r, o_r):
    deg = d_r[0] + d_r[1]
    inv = 1.0 / jnp.maximum(deg, 1.0)
    o_r[...] = z_r[...] + (p_r[0] + p_r[1]) * inv


_tc2 = pl.pallas_call(
    _tc2_body,
    grid=(G,),
    in_specs=[
        pl.BlockSpec((R, F), lambda i: (i, 0)),
        pl.BlockSpec((NC, R, F), lambda i: (0, i, 0)),
        pl.BlockSpec((NC, R, 1), lambda i: (0, i, 0)),
    ],
    out_specs=pl.BlockSpec((R, F), lambda i: (i, 0)),
    out_shape=jax.ShapeDtypeStruct((N, F), jnp.float32),
)


def kernel(x, edge_index, W1_self, W1_neigh, b1, W2_self, W2_neigh, b2):
    ei = edge_index.astype(jnp.int32)
    src, dst = ei[0], ei[1]
    pad = E_PAD - E
    srcc = jnp.concatenate([src, jnp.zeros((pad,), jnp.int32)]).reshape(E_PAD // K, K)
    dstc = jnp.concatenate([dst, jnp.full((pad,), N, jnp.int32)]).reshape(E_PAD // K, K)

    acc1, degp = _agg_deg(x, srcc, dstc)
    degp3 = degp.reshape(NC, NPAD, 1)
    y2, z = _tc1(x, acc1, degp3, W1_self, W1_neigh, b1.reshape(1, -1),
                 W2_self, W2_neigh, b2.reshape(1, -1))
    acc2 = _agg(y2, srcc, dstc)
    return _tc2(z, acc2, degp3)

# --- scband reference (transcript-rebuilt; emitter-appended) ---
"""Pipeline reference for scband-sage-net-13597866459152 (READ-ONLY COPY).

The authoritative reference and input builder live on the scoring server;
editing this copy changes nothing except your own understanding.
"""

import jax, jax.numpy as jnp
import numpy as np


def sage_layer(x, edge_index, W_self, W_neigh, b):
    num_nodes = x.shape[0]
    src = edge_index[0]
    dst = edge_index[1]
    msgs = jnp.take(x, src, axis=0)
    summed = jax.ops.segment_sum(msgs, dst, num_segments=num_nodes)
    deg = jax.ops.segment_sum(jnp.ones((src.shape[0],), dtype=x.dtype), dst, num_segments=num_nodes)
    mean = summed / jnp.maximum(deg, 1.0)[:, None]
    return x @ W_self + mean @ W_neigh + b


def setup_inputs(seed: int = 0) -> dict:
    key = jax.random.key(seed)
    ks = jax.random.split(key, 8)
    N, E = 10000, 320000
    in_c, hid_c, out_c = 128, 256, 128
    x = jax.random.normal(ks[0], (N, in_c), dtype=jnp.float32)
    edge_index = jax.random.randint(ks[1], (2, E), 0, N, dtype=jnp.int64)
    W1_self = jax.random.normal(ks[2], (in_c, hid_c), dtype=jnp.float32) * 0.05
    W1_neigh = jax.random.normal(ks[3], (in_c, hid_c), dtype=jnp.float32) * 0.05
    b1 = jnp.zeros((hid_c,), dtype=jnp.float32)
    W2_self = jax.random.normal(ks[4], (hid_c, out_c), dtype=jnp.float32) * 0.05
    W2_neigh = jax.random.normal(ks[5], (hid_c, out_c), dtype=jnp.float32) * 0.05
    b2 = jnp.zeros((out_c,), dtype=jnp.float32)
    return {"x": x, "edge_index": edge_index, "W1_self": W1_self, "W1_neigh": W1_neigh, "b1": b1, "W2_self": W2_self, "W2_neigh": W2_neigh, "b2": b2}


def reference(x, edge_index, W1_self, W1_neigh, b1, W2_self, W2_neigh, b2):
    h = sage_layer(x, edge_index, W1_self, W1_neigh, b1)
    h = jax.nn.relu(h)
    out = sage_layer(h, edge_index, W2_self, W2_neigh, b2)
    return out

if __name__ == "__main__":
    import jax
    _d = setup_inputs()
    print(jax.jit(kernel)(*tuple(_d.values())))

</pallas_src>

<mosaic_0001>
#map = affine_map<(d0, d1) -> (0, 0)>
#map1 = affine_map<(d0, d1) -> (0, 0, 0)>
#map2 = affine_map<(d0, d1) -> (0)>
module attributes {stable_mosaic.version = 14 : i64} {
  func.func @body(%arg0: i32, %arg1: i32, %arg2: memref<10000x128xf32, #tpu.memory_space<hbm>>, %arg3: memref<2560x128xi32, #tpu.memory_space<hbm>>, %arg4: memref<2560x128xi32, #tpu.memory_space<hbm>>, %arg5: memref<2x10240x128xf32, #tpu.memory_space<hbm>>, %arg6: memref<20480xf32, #tpu.memory_space<hbm>>, %arg7: memref<40x128xi32, #tpu.memory_space<vmem>>, %arg8: memref<40x128xi32, #tpu.memory_space<vmem>>, %arg9: memref<2x128x128xf32, #tpu.memory_space<vmem>>, %arg10: memref<640xf32, #tpu.memory_space<vmem>>, %arg11: memref<10240x128xf32, #tpu.memory_space<vmem_shared>>, %arg12: memref<10240xf32, #tpu.memory_space<vmem_shared>>, %arg13: memref<!tpu.dma_semaphore, #tpu.memory_space<semaphore_mem>>, %arg14: memref<!tpu.dma_semaphore, #tpu.memory_space<semaphore_mem>>, %arg15: memref<!tpu.dma_semaphore, #tpu.memory_space<semaphore_mem>>, %arg16: memref<!tpu.dma_semaphore, #tpu.memory_space<semaphore_mem>>) attributes {dimension_semantics = [#tpu.dimension_semantics<core_parallel>, #tpu.dimension_semantics<subcore_parallel>], iteration_bounds = array<i64: 2, 16>, scalar_prefetch = 0 : i64, scratch_operands = 10 : i64, tpu.core_type = #tpu.core_type<sc_vector_subcore>, window_params = [{transform_indices = #map}, {transform_indices = #map}, {transform_indices = #map}, {transform_indices = #map1}, {transform_indices = #map2}]} {
    %mul3A = arith.constant 16 : i32
    %mul3A_0 = arith.muli %arg0, %mul3A : i32
    %add3A = arith.addi %mul3A_0, %arg1 : i32
    %broadcast_in_dim3A = arith.constant 0.000000e+00 : f32
    %broadcast_in_dim3A_1 = vector.broadcast %broadcast_in_dim3A : f32 to vector<16xf32>
    %scan3A = arith.constant 0 : i32
    %scan3A_2 = arith.constant 128 : i32
    %scan3A_3 = arith.addi %scan3A, %scan3A_2 : i32
    %scan3A_4 = arith.constant 1 : i32
    scf.for %scan3A_202 = %scan3A to %scan3A_3 step %scan3A_4  : i32 {
      %mul3A_203 = arith.constant 1 : i32
      %mul3A_204 = arith.muli %scan3A_202, %mul3A_203 : i32
      %add3A_205 = arith.constant 0 : i32
      %add3A_206 = arith.addi %add3A_205, %mul3A_204 : i32
      %swap3A_207 = arith.constant 0 : i32
      %swap3A_208 = arith.index_cast %swap3A_207 : i32 to index
      %swap3A_209 = arith.index_cast %add3A_206 : i32 to index
      %swap3A_210 = arith.constant 0 : index
      %swap3A_211 = tpu.vector_load %arg9[%swap3A_208, %swap3A_209, %swap3A_210] {strides = array<i32>} : memref<2x128x128xf32, #tpu.memory_space<vmem>>, vector<1x1x16xf32>,
      %swap3A_212 = vector.shape_cast %swap3A_211 : vector<1x1x16xf32> to vector<16xf32>
      %swap3A_213 = vector.shape_cast %broadcast_in_dim3A_1 : vector<16xf32> to vector<1x1x16xf32>
      tpu.vector_store %arg9[%swap3A_208, %swap3A_209, %swap3A_210], %swap3A_213 {strides = array<i32>} : memref<2x128x128xf32, #tpu.memory_space<vmem>>, vector<1x1x16xf32>,
      %swap3A_214 = arith.constant 0 : i32
      %swap3A_215 = arith.index_cast %swap3A_214 : i32 to index
      %swap3A_216 = arith.index_cast %add3A_206 : i32 to index
      %swap3A_217 = arith.constant 16 : index
      %swap3A_218 = tpu.vector_load %arg9[%swap3A_215, %swap3A_216, %swap3A_217] {strides = array<i32>} : memref<2x128x128xf32, #tpu.memory_space<vmem>>, vector<1x1x16xf32>,
      %swap3A_219 = vector.shape_cast %swap3A_218 : vector<1x1x16xf32> to vector<16xf32>
      %swap3A_220 = vector.shape_cast %broadcast_in_dim3A_1 : vector<16xf32> to vector<1x1x16xf32>
      tpu.vector_store %arg9[%swap3A_215, %swap3A_216, %swap3A_217], %swap3A_220 {strides = array<i32>} : memref<2x128x128xf32, #tpu.memory_space<vmem>>, vector<1x1x16xf32>,
      %swap3A_221 = arith.constant 0 : i32
      %swap3A_222 = arith.index_cast %swap3A_221 : i32 to index
      %swap3A_223 = arith.index_cast %add3A_206 : i32 to index
      %swap3A_224 = arith.constant 32 : index
      %swap3A_225 = tpu.vector_load %arg9[%swap3A_222, %swap3A_223, %swap3A_224] {strides = array<i32>} : memref<2x128x128xf32, #tpu.memory_space<vmem>>, vector<1x1x16xf32>,
      %swap3A_226 = vector.shape_cast %swap3A_225 : vector<1x1x16xf32> to vector<16xf32>
      %swap3A_227 = vector.shape_cast %broadcast_in_dim3A_1 : vector<16xf32> to vector<1x1x16xf32>
      tpu.vector_store %arg9[%swap3A_222, %swap3A_223, %swap3A_224], %swap3A_227 {strides = array<i32>} : memref<2x128x128xf32, #tpu.memory_space<vmem>>, vector<1x1x16xf32>,
      %swap3A_228 = arith.constant 0 : i32
      %swap3A_229 = arith.index_cast %swap3A_228 : i32 to index
      %swap3A_230 = arith.index_cast %add3A_206 : i32 to index
      %swap3A_231 = arith.constant 48 : index
      %swap3A_232 = tpu.vector_load %arg9[%swap3A_229, %swap3A_230, %swap3A_231] {strides = array<i32>} : memref<2x128x128xf32, #tpu.memory_space<vmem>>, vector<1x1x16xf32>,
      %swap3A_233 = vector.shape_cast %swap3A_232 : vector<1x1x16xf32> to vector<16xf32>
      %swap3A_234 = vector.shape_cast %broadcast_in_dim3A_1 : vector<16xf32> to vector<1x1x16xf32>
      tpu.vector_store %arg9[%swap3A_229, %swap3A_230, %swap3A_231], %swap3A_234 {strides = array<i32>} : memref<2x128x128xf32, #tpu.memory_space<vmem>>, vector<1x1x16xf32>,
      %swap3A_235 = arith.constant 0 : i32
      %swap3A_236 = arith.index_cast %swap3A_235 : i32 to index
      %swap3A_237 = arith.index_cast %add3A_206 : i32 to index
      %swap3A_238 = arith.constant 64 : index
      %swap3A_239 = tpu.vector_load %arg9[%swap3A_236, %swap3A_237, %swap3A_238] {strides = array<i32>} : memref<2x128x128xf32, #tpu.memory_space<vmem>>, vector<1x1x16xf32>,
      %swap3A_240 = vector.shape_cast %swap3A_239 : vector<1x1x16xf32> to vector<16xf32>
      %swap3A_241 = vector.shape_cast %broadcast_in_dim3A_1 : vector<16xf32> to vector<1x1x16xf32>
      tpu.vector_store %arg9[%swap3A_236, %swap3A_237, %swap3A_238], %swap3A_241 {strides = array<i32>} : memref<2x128x128xf32, #tpu.memory_space<vmem>>, vector<1x1x16xf32>,
      %swap3A_242 = arith.constant 0 : i32
      %swap3A_243 = arith.index_cast %swap3A_242 : i32 to index
      %swap3A_244 = arith.index_cast %add3A_206 : i32 to index
      %swap3A_245 = arith.constant 80 : index
      %swap3A_246 = tpu.vector_load %arg9[%swap3A_243, %swap3A_244, %swap3A_245] {strides = array<i32>} : memref<2x128x128xf32, #tpu.memory_space<vmem>>, vector<1x1x16xf32>,
      %swap3A_247 = vector.shape_cast %swap3A_246 : vector<1x1x16xf32> to vector<16xf32>
      %swap3A_248 = vector.shape_cast %broadcast_in_dim3A_1 : vector<16xf32> to vector<1x1x16xf32>
      tpu.vector_store %arg9[%swap3A_243, %swap3A_244, %swap3A_245], %swap3A_248 {strides = array<i32>} : memref<2x128x128xf32, #tpu.memory_space<vmem>>, vector<1x1x16xf32>,
      %swap3A_249 = arith.constant 0 : i32
      %swap3A_250 = arith.index_cast %swap3A_249 : i32 to index
      %swap3A_251 = arith.index_cast %add3A_206 : i32 to index
      %swap3A_252 = arith.constant 96 : index
      %swap3A_253 = tpu.vector_load %arg9[%swap3A_250, %swap3A_251, %swap3A_252] {strides = array<i32>} : memref<2x128x128xf32, #tpu.memory_space<vmem>>, vector<1x1x16xf32>,
      %swap3A_254 = vector.shape_cast %swap3A_253 : vector<1x1x16xf32> to vector<16xf32>
      %swap3A_255 = vector.shape_cast %broadcast_in_dim3A_1 : vector<16xf32> to vector<1x1x16xf32>
      tpu.vector_store %arg9[%swap3A_250, %swap3A_251, %swap3A_252], %swap3A_255 {strides = array<i32>} : memref<2x128x128xf32, #tpu.memory_space<vmem>>, vector<1x1x16xf32>,
      %swap3A_256 = arith.constant 0 : i32
      %swap3A_257 = arith.index_cast %swap3A_256 : i32 to index
      %swap3A_258 = arith.index_cast %add3A_206 : i32 to index
      %swap3A_259 = arith.constant 112 : index
      %swap3A_260 = tpu.vector_load %arg9[%swap3A_257, %swap3A_258, %swap3A_259] {strides = array<i32>} : memref<2x128x128xf32, #tpu.memory_space<vmem>>, vector<1x1x16xf32>,
      %swap3A_261 = vector.shape_cast %swap3A_260 : vector<1x1x16xf32> to vector<16xf32>
      %swap3A_262 = vector.shape_cast %broadcast_in_dim3A_1 : vector<16xf32> to vector<1x1x16xf32>
      tpu.vector_store %arg9[%swap3A_257, %swap3A_258, %swap3A_259], %swap3A_262 {strides = array<i32>} : memref<2x128x128xf32, #tpu.memory_space<vmem>>, vector<1x1x16xf32>,
    }
    %scan3A_5 = arith.constant 128 : i32
    %mul3A_6 = arith.constant 640 : i32
    %mul3A_7 = arith.muli %arg1, %mul3A_6 : i32
    %add3A_8 = arith.constant 0 : i32
    %add3A_9 = arith.addi %mul3A_7, %add3A_8 : i32
    %run_scoped3A = arith.constant 0 : i32
    "tpu.region"() ({
      %run_scoped3A_202 = tpu.sem_alloc : memref<!tpu.dma_semaphore, #tpu.memory_space<semaphore_mem>>
      %dma_start3A_203 = arith.constant 0 : i32
      %dma_start3A_204 = arith.constant 0 : i32
      %dma_start3A_205 = tpu.memref_slice %arg9[%run_scoped3A, %dma_start3A_203, %dma_start3A_204] : memref<2x128x128xf32, #tpu.memory_space<vmem>> -> memref<1x128x128xf32, #tpu.memory_space<vmem>>
      %dma_start3A_206 = tpu.memref_squeeze %dma_start3A_205 : memref<1x128x128xf32, #tpu.memory_space<vmem>> -> memref<128x128xf32, #tpu.memory_space<vmem>>
      %dma_start3A_207 = arith.constant 0 : i32
      %dma_start3A_208 = tpu.memref_slice %arg11[%add3A_9, %dma_start3A_207] : memref<10240x128xf32, #tpu.memory_space<vmem_shared>> -> memref<128x128xf32, #tpu.memory_space<vmem_shared>>
      %dma_start3A_209 = arith.constant 0 : i32
      %dma_start3A_210 = tpu.memref_slice %arg11[%add3A_9, %dma_start3A_209] : memref<10240x128xf32, #tpu.memory_space<vmem_shared>> -> memref<128x128xf32, #tpu.memory_space<vmem_shared>>
      %dma_start3A_211 = arith.constant 0 : i32
      %dma_start3A_212 = arith.constant 0 : i32
      %dma_start3A_213 = tpu.memref_slice %arg9[%run_scoped3A, %dma_start3A_211, %dma_start3A_212] : memref<2x128x128xf32, #tpu.memory_space<vmem>> -> memref<1x128x128xf32, #tpu.memory_space<vmem>>
      %dma_start3A_214 = tpu.memref_squeeze %dma_start3A_213 : memref<1x128x128xf32, #tpu.memory_space<vmem>> -> memref<128x128xf32, #tpu.memory_space<vmem>>
      tpu.enqueue_dma source(%dma_start3A_214 : memref<128x128xf32, #tpu.memory_space<vmem>>) target(%dma_start3A_210 : memref<128x128xf32, #tpu.memory_space<vmem_shared>>) target_semaphore(%run_scoped3A_202 : memref<!tpu.dma_semaphore, #tpu.memory_space<semaphore_mem>>)
      %dma_wait3A_215 = arith.constant 0 : i32
      %dma_wait3A_216 = arith.constant 0 : i32
      %dma_wait3A_217 = tpu.memref_slice %arg9[%run_scoped3A, %dma_wait3A_215, %dma_wait3A_216] : memref<2x128x128xf32, #tpu.memory_space<vmem>> -> memref<1x128x128xf32, #tpu.memory_space<vmem>>
      %dma_wait3A_218 = tpu.memref_squeeze %dma_wait3A_217 : memref<1x128x128xf32, #tpu.memory_space<vmem>> -> memref<128x128xf32, #tpu.memory_space<vmem>>
      %dma_wait3A_219 = arith.constant 0 : i32
      %dma_wait3A_220 = tpu.memref_slice %arg11[%add3A_9, %dma_wait3A_219] : memref<10240x128xf32, #tpu.memory_space<vmem_shared>> -> memref<128x128xf32, #tpu.memory_space<vmem_shared>>
      %dma_wait3A_221 = arith.constant 0 : i32
      %dma_wait3A_222 = tpu.memref_slice %arg11[%add3A_9, %dma_wait3A_221] : memref<10240x128xf32, #tpu.memory_space<vmem_shared>> -> memref<128x128xf32, #tpu.memory_space<vmem_shared>>
      %dma_wait3A_223 = arith.constant 0 : i32
      %dma_wait3A_224 = arith.constant 0 : i32
      %dma_wait3A_225 = tpu.memref_slice %arg9[%run_scoped3A, %dma_wait3A_223, %dma_wait3A_224] : memref<2x128x128xf32, #tpu.memory_space<vmem>> -> memref<1x128x128xf32, #tpu.memory_space<vmem>>
      %dma_wait3A_226 = tpu.memref_squeeze %dma_wait3A_225 : memref<1x128x128xf32, #tpu.memory_space<vmem>> -> memref<128x128xf32, #tpu.memory_space<vmem>>
      tpu.wait_dma2 semaphore(%run_scoped3A_202 : memref<!tpu.dma_semaphore, #tpu.memory_space<semaphore_mem>>) src(%dma_wait3A_226 : memref<128x128xf32, #tpu.memory_space<vmem>>) dst(%dma_wait3A_222 : memref<128x128xf32, #tpu.memory_space<vmem_shared>>)
      tpu.yield
    }) : () -> ()
    %mul3A_10 = arith.constant 640 : i32
    %mul3A_11 = arith.muli %arg1, %mul3A_10 : i32
    %add3A_12 = arith.constant 128 : i32
    %add3A_13 = arith.addi %mul3A_11, %add3A_12 : i32
    %run_scoped3A_14 = arith.constant 0 : i32
    "tpu.region"() ({
      %run_scoped3A_202 = tpu.sem_alloc : memref<!tpu.dma_semaphore, #tpu.memory_space<semaphore_mem>>
      %dma_start3A_203 = arith.constant 0 : i32
      %dma_start3A_204 = arith.constant 0 : i32
      %dma_start3A_205 = tpu.memref_slice %arg9[%run_scoped3A_14, %dma_start3A_203, %dma_start3A_204] : memref<2x128x128xf32, #tpu.memory_space<vmem>> -> memref<1x128x128xf32, #tpu.memory_space<vmem>>
      %dma_start3A_206 = tpu.memref_squeeze %dma_start3A_205 : memref<1x128x128xf32, #tpu.memory_space<vmem>> -> memref<128x128xf32, #tpu.memory_space<vmem>>
      %dma_start3A_207 = arith.constant 0 : i32
      %dma_start3A_208 = tpu.memref_slice %arg11[%add3A_13, %dma_start3A_207] : memref<10240x128xf32, #tpu.memory_space<vmem_shared>> -> memref<128x128xf32, #tpu.memory_space<vmem_shared>>
      %dma_start3A_209 = arith.constant 0 : i32
      %dma_start3A_210 = tpu.memref_slice %arg11[%add3A_13, %dma_start3A_209] : memref<10240x128xf32, #tpu.memory_space<vmem_shared>> -> memref<128x128xf32, #tpu.memory_space<vmem_shared>>
      %dma_start3A_211 = arith.constant 0 : i32
      %dma_start3A_212 = arith.constant 0 : i32
      %dma_start3A_213 = tpu.memref_slice %arg9[%run_scoped3A_14, %dma_start3A_211, %dma_start3A_212] : memref<2x128x128xf32, #tpu.memory_space<vmem>> -> memref<1x128x128xf32, #tpu.memory_space<vmem>>
      %dma_start3A_214 = tpu.memref_squeeze %dma_start3A_213 : memref<1x128x128xf32, #tpu.memory_space<vmem>> -> memref<128x128xf32, #tpu.memory_space<vmem>>
      tpu.enqueue_dma source(%dma_start3A_214 : memref<128x128xf32, #tpu.memory_space<vmem>>) target(%dma_start3A_210 : memref<128x128xf32, #tpu.memory_space<vmem_shared>>) target_semaphore(%run_scoped3A_202 : memref<!tpu.dma_semaphore, #tpu.memory_space<semaphore_mem>>)
      %dma_wait3A_215 = arith.constant 0 : i32
      %dma_wait3A_216 = arith.constant 0 : i32
      %dma_wait3A_217 = tpu.memref_slice %arg9[%run_scoped3A_14, %dma_wait3A_215, %dma_wait3A_216] : memref<2x128x128xf32, #tpu.memory_space<vmem>> -> memref<1x128x128xf32, #tpu.memory_space<vmem>>
      %dma_wait3A_218 = tpu.memref_squeeze %dma_wait3A_217 : memref<1x128x128xf32, #tpu.memory_space<vmem>> -> memref<128x128xf32, #tpu.memory_space<vmem>>
      %dma_wait3A_219 = arith.constant 0 : i32
      %dma_wait3A_220 = tpu.memref_slice %arg11[%add3A_13, %dma_wait3A_219] : memref<10240x128xf32, #tpu.memory_space<vmem_shared>> -> memref<128x128xf32, #tpu.memory_space<vmem_shared>>
      %dma_wait3A_221 = arith.constant 0 : i32
      %dma_wait3A_222 = tpu.memref_slice %arg11[%add3A_13, %dma_wait3A_221] : memref<10240x128xf32, #tpu.memory_space<vmem_shared>> -> memref<128x128xf32, #tpu.memory_space<vmem_shared>>
      %dma_wait3A_223 = arith.constant 0 : i32
      %dma_wait3A_224 = arith.constant 0 : i32
      %dma_wait3A_225 = tpu.memref_slice %arg9[%run_scoped3A_14, %dma_wait3A_223, %dma_wait3A_224] : memref<2x128x128xf32, #tpu.memory_space<vmem>> -> memref<1x128x128xf32, #tpu.memory_space<vmem>>
      %dma_wait3A_226 = tpu.memref_squeeze %dma_wait3A_225 : memref<1x128x128xf32, #tpu.memory_space<vmem>> -> memref<128x128xf32, #tpu.memory_space<vmem>>
      tpu.wait_dma2 semaphore(%run_scoped3A_202 : memref<!tpu.dma_semaphore, #tpu.memory_space<semaphore_mem>>) src(%dma_wait3A_226 : memref<128x128xf32, #tpu.memory_space<vmem>>) dst(%dma_wait3A_222 : memref<128x128xf32, #tpu.memory_space<vmem_shared>>)
      tpu.yield
    }) : () -> ()
    %mul3A_15 = arith.constant 640 : i32
    %mul3A_16 = arith.muli %arg1, %mul3A_15 : i32
    %add3A_17 = arith.constant 256 : i32
    %add3A_18 = arith.addi %mul3A_16, %add3A_17 : i32
    %run_scoped3A_19 = arith.constant 0 : i32
    "tpu.region"() ({
      %run_scoped3A_202 = tpu.sem_alloc : memref<!tpu.dma_semaphore, #tpu.memory_space<semaphore_mem>>
      %dma_start3A_203 = arith.constant 0 : i32
      %dma_start3A_204 = arith.constant 0 : i32
      %dma_start3A_205 = tpu.memref_slice %arg9[%run_scoped3A_19, %dma_start3A_203, %dma_start3A_204] : memref<2x128x128xf32, #tpu.memory_space<vmem>> -> memref<1x128x128xf32, #tpu.memory_space<vmem>>
      %dma_start3A_206 = tpu.memref_squeeze %dma_start3A_205 : memref<1x128x128xf32, #tpu.memory_space<vmem>> -> memref<128x128xf32, #tpu.memory_space<vmem>>
      %dma_start3A_207 = arith.constant 0 : i32
      %dma_start3A_208 = tpu.memref_slice %arg11[%add3A_18, %dma_start3A_207] : memref<10240x128xf32, #tpu.memory_space<vmem_shared>> -> memref<128x128xf32, #tpu.memory_space<vmem_shared>>
      %dma_start3A_209 = arith.constant 0 : i32
      %dma_start3A_210 = tpu.memref_slice %arg11[%add3A_18, %dma_start3A_209] : memref<10240x128xf32, #tpu.memory_space<vmem_shared>> -> memref<128x128xf32, #tpu.memory_space<vmem_shared>>
      %dma_start3A_211 = arith.constant 0 : i32
      %dma_start3A_212 = arith.constant 0 : i32
      %dma_start3A_213 = tpu.memref_slice %arg9[%run_scoped3A_19, %dma_start3A_211, %dma_start3A_212] : memref<2x128x128xf32, #tpu.memory_space<vmem>> -> memref<1x128x128xf32, #tpu.memory_space<vmem>>
      %dma_start3A_214 = tpu.memref_squeeze %dma_start3A_213 : memref<1x128x128xf32, #tpu.memory_space<vmem>> -> memref<128x128xf32, #tpu.memory_space<vmem>>
      tpu.enqueue_dma source(%dma_start3A_214 : memref<128x128xf32, #tpu.memory_space<vmem>>) target(%dma_start3A_210 : memref<128x128xf32, #tpu.memory_space<vmem_shared>>) target_semaphore(%run_scoped3A_202 : memref<!tpu.dma_semaphore, #tpu.memory_space<semaphore_mem>>)
      %dma_wait3A_215 = arith.constant 0 : i32
      %dma_wait3A_216 = arith.constant 0 : i32
      %dma_wait3A_217 = tpu.memref_slice %arg9[%run_scoped3A_19, %dma_wait3A_215, %dma_wait3A_216] : memref<2x128x128xf32, #tpu.memory_space<vmem>> -> memref<1x128x128xf32, #tpu.memory_space<vmem>>
      %dma_wait3A_218 = tpu.memref_squeeze %dma_wait3A_217 : memref<1x128x128xf32, #tpu.memory_space<vmem>> -> memref<128x128xf32, #tpu.memory_space<vmem>>
      %dma_wait3A_219 = arith.constant 0 : i32
      %dma_wait3A_220 = tpu.memref_slice %arg11[%add3A_18, %dma_wait3A_219] : memref<10240x128xf32, #tpu.memory_space<vmem_shared>> -> memref<128x128xf32, #tpu.memory_space<vmem_shared>>
      %dma_wait3A_221 = arith.constant 0 : i32
      %dma_wait3A_222 = tpu.memref_slice %arg11[%add3A_18, %dma_wait3A_221] : memref<10240x128xf32, #tpu.memory_space<vmem_shared>> -> memref<128x128xf32, #tpu.memory_space<vmem_shared>>
      %dma_wait3A_223 = arith.constant 0 : i32
      %dma_wait3A_224 = arith.constant 0 : i32
      %dma_wait3A_225 = tpu.memref_slice %arg9[%run_scoped3A_19, %dma_wait3A_223, %dma_wait3A_224] : memref<2x128x128xf32, #tpu.memory_space<vmem>> -> memref<1x128x128xf32, #tpu.memory_space<vmem>>
      %dma_wait3A_226 = tpu.memref_squeeze %dma_wait3A_225 : memref<1x128x128xf32, #tpu.memory_space<vmem>> -> memref<128x128xf32, #tpu.memory_space<vmem>>
      tpu.wait_dma2 semaphore(%run_scoped3A_202 : memref<!tpu.dma_semaphore, #tpu.memory_space<semaphore_mem>>) src(%dma_wait3A_226 : memref<128x128xf32, #tpu.memory_space<vmem>>) dst(%dma_wait3A_222 : memref<128x128xf32, #tpu.memory_space<vmem_shared>>)
      tpu.yield
    }) : () -> ()
    %mul3A_20 = arith.constant 640 : i32
    %mul3A_21 = arith.muli %arg1, %mul3A_20 : i32
    %add3A_22 = arith.constant 384 : i32
    %add3A_23 = arith.addi %mul3A_21, %add3A_22 : i32
    %run_scoped3A_24 = arith.constant 0 : i32
    "tpu.region"() ({
      %run_scoped3A_202 = tpu.sem_alloc : memref<!tpu.dma_semaphore, #tpu.memory_space<semaphore_mem>>
      %dma_start3A_203 = arith.constant 0 : i32
      %dma_start3A_204 = arith.constant 0 : i32
      %dma_start3A_205 = tpu.memref_slice %arg9[%run_scoped3A_24, %dma_start3A_203, %dma_start3A_204] : memref<2x128x128xf32, #tpu.memory_space<vmem>> -> memref<1x128x128xf32, #tpu.memory_space<vmem>>
      %dma_start3A_206 = tpu.memref_squeeze %dma_start3A_205 : memref<1x128x128xf32, #tpu.memory_space<vmem>> -> memref<128x128xf32, #tpu.memory_space<vmem>>
      %dma_start3A_207 = arith.constant 0 : i32
      %dma_start3A_208 = tpu.memref_slice %arg11[%add3A_23, %dma_start3A_207] : memref<10240x128xf32, #tpu.memory_space<vmem_shared>> -> memref<128x128xf32, #tpu.memory_space<vmem_shared>>
      %dma_start3A_209 = arith.constant 0 : i32
      %dma_start3A_210 = tpu.memref_slice %arg11[%add3A_23, %dma_start3A_209] : memref<10240x128xf32, #tpu.memory_space<vmem_shared>> -> memref<128x128xf32, #tpu.memory_space<vmem_shared>>
      %dma_start3A_211 = arith.constant 0 : i32
      %dma_start3A_212 = arith.constant 0 : i32
      %dma_start3A_213 = tpu.memref_slice %arg9[%run_scoped3A_24, %dma_start3A_211, %dma_start3A_212] : memref<2x128x128xf32, #tpu.memory_space<vmem>> -> memref<1x128x128xf32, #tpu.memory_space<vmem>>
      %dma_start3A_214 = tpu.memref_squeeze %dma_start3A_213 : memref<1x128x128xf32, #tpu.memory_space<vmem>> -> memref<128x128xf32, #tpu.memory_space<vmem>>
      tpu.enqueue_dma source(%dma_start3A_214 : memref<128x128xf32, #tpu.memory_space<vmem>>) target(%dma_start3A_210 : memref<128x128xf32, #tpu.memory_space<vmem_shared>>) target_semaphore(%run_scoped3A_202 : memref<!tpu.dma_semaphore, #tpu.memory_space<semaphore_mem>>)
      %dma_wait3A_215 = arith.constant 0 : i32
      %dma_wait3A_216 = arith.constant 0 : i32
      %dma_wait3A_217 = tpu.memref_slice %arg9[%run_scoped3A_24, %dma_wait3A_215, %dma_wait3A_216] : memref<2x128x128xf32, #tpu.memory_space<vmem>> -> memref<1x128x128xf32, #tpu.memory_space<vmem>>
      %dma_wait3A_218 = tpu.memref_squeeze %dma_wait3A_217 : memref<1x128x128xf32, #tpu.memory_space<vmem>> -> memref<128x128xf32, #tpu.memory_space<vmem>>
      %dma_wait3A_219 = arith.constant 0 : i32
      %dma_wait3A_220 = tpu.memref_slice %arg11[%add3A_23, %dma_wait3A_219] : memref<10240x128xf32, #tpu.memory_space<vmem_shared>> -> memref<128x128xf32, #tpu.memory_space<vmem_shared>>
      %dma_wait3A_221 = arith.constant 0 : i32
      %dma_wait3A_222 = tpu.memref_slice %arg11[%add3A_23, %dma_wait3A_221] : memref<10240x128xf32, #tpu.memory_space<vmem_shared>> -> memref<128x128xf32, #tpu.memory_space<vmem_shared>>
      %dma_wait3A_223 = arith.constant 0 : i32
      %dma_wait3A_224 = arith.constant 0 : i32
      %dma_wait3A_225 = tpu.memref_slice %arg9[%run_scoped3A_24, %dma_wait3A_223, %dma_wait3A_224] : memref<2x128x128xf32, #tpu.memory_space<vmem>> -> memref<1x128x128xf32, #tpu.memory_space<vmem>>
      %dma_wait3A_226 = tpu.memref_squeeze %dma_wait3A_225 : memref<1x128x128xf32, #tpu.memory_space<vmem>> -> memref<128x128xf32, #tpu.memory_space<vmem>>
      tpu.wait_dma2 semaphore(%run_scoped3A_202 : memref<!tpu.dma_semaphore, #tpu.memory_space<semaphore_mem>>) src(%dma_wait3A_226 : memref<128x128xf32, #tpu.memory_space<vmem>>) dst(%dma_wait3A_222 : memref<128x128xf32, #tpu.memory_space<vmem_shared>>)
      tpu.yield
    }) : () -> ()
    %mul3A_25 = arith.constant 640 : i32
    %mul3A_26 = arith.muli %arg1, %mul3A_25 : i32
    %add3A_27 = arith.constant 512 : i32
    %add3A_28 = arith.addi %mul3A_26, %add3A_27 : i32
    %run_scoped3A_29 = arith.constant 0 : i32
    "tpu.region"() ({
      %run_scoped3A_202 = tpu.sem_alloc : memref<!tpu.dma_semaphore, #tpu.memory_space<semaphore_mem>>
      %dma_start3A_203 = arith.constant 0 : i32
      %dma_start3A_204 = arith.constant 0 : i32
      %dma_start3A_205 = tpu.memref_slice %arg9[%run_scoped3A_29, %dma_start3A_203, %dma_start3A_204] : memref<2x128x128xf32, #tpu.memory_space<vmem>> -> memref<1x128x128xf32, #tpu.memory_space<vmem>>
      %dma_start3A_206 = tpu.memref_squeeze %dma_start3A_205 : memref<1x128x128xf32, #tpu.memory_space<vmem>> -> memref<128x128xf32, #tpu.memory_space<vmem>>
      %dma_start3A_207 = arith.constant 0 : i32
      %dma_start3A_208 = tpu.memref_slice %arg11[%add3A_28, %dma_start3A_207] : memref<10240x128xf32, #tpu.memory_space<vmem_shared>> -> memref<128x128xf32, #tpu.memory_space<vmem_shared>>
      %dma_start3A_209 = arith.constant 0 : i32
      %dma_start3A_210 = tpu.memref_slice %arg11[%add3A_28, %dma_start3A_209] : memref<10240x128xf32, #tpu.memory_space<vmem_shared>> -> memref<128x128xf32, #tpu.memory_space<vmem_shared>>
      %dma_start3A_211 = arith.constant 0 : i32
      %dma_start3A_212 = arith.constant 0 : i32
      %dma_start3A_213 = tpu.memref_slice %arg9[%run_scoped3A_29, %dma_start3A_211, %dma_start3A_212] : memref<2x128x128xf32, #tpu.memory_space<vmem>> -> memref<1x128x128xf32, #tpu.memory_space<vmem>>
      %dma_start3A_214 = tpu.memref_squeeze %dma_start3A_213 : memref<1x128x128xf32, #tpu.memory_space<vmem>> -> memref<128x128xf32, #tpu.memory_space<vmem>>
      tpu.enqueue_dma source(%dma_start3A_214 : memref<128x128xf32, #tpu.memory_space<vmem>>) target(%dma_start3A_210 : memref<128x128xf32, #tpu.memory_space<vmem_shared>>) target_semaphore(%run_scoped3A_202 : memref<!tpu.dma_semaphore, #tpu.memory_space<semaphore_mem>>)
      %dma_wait3A_215 = arith.constant 0 : i32
      %dma_wait3A_216 = arith.constant 0 : i32
      %dma_wait3A_217 = tpu.memref_slice %arg9[%run_scoped3A_29, %dma_wait3A_215, %dma_wait3A_216] : memref<2x128x128xf32, #tpu.memory_space<vmem>> -> memref<1x128x128xf32, #tpu.memory_space<vmem>>
      %dma_wait3A_218 = tpu.memref_squeeze %dma_wait3A_217 : memref<1x128x128xf32, #tpu.memory_space<vmem>> -> memref<128x128xf32, #tpu.memory_space<vmem>>
      %dma_wait3A_219 = arith.constant 0 : i32
      %dma_wait3A_220 = tpu.memref_slice %arg11[%add3A_28, %dma_wait3A_219] : memref<10240x128xf32, #tpu.memory_space<vmem_shared>> -> memref<128x128xf32, #tpu.memory_space<vmem_shared>>
      %dma_wait3A_221 = arith.constant 0 : i32
      %dma_wait3A_222 = tpu.memref_slice %arg11[%add3A_28, %dma_wait3A_221] : memref<10240x128xf32, #tpu.memory_space<vmem_shared>> -> memref<128x128xf32, #tpu.memory_space<vmem_shared>>
      %dma_wait3A_223 = arith.constant 0 : i32
      %dma_wait3A_224 = arith.constant 0 : i32
      %dma_wait3A_225 = tpu.memref_slice %arg9[%run_scoped3A_29, %dma_wait3A_223, %dma_wait3A_224] : memref<2x128x128xf32, #tpu.memory_space<vmem>> -> memref<1x128x128xf32, #tpu.memory_space<vmem>>
      %dma_wait3A_226 = tpu.memref_squeeze %dma_wait3A_225 : memref<1x128x128xf32, #tpu.memory_space<vmem>> -> memref<128x128xf32, #tpu.memory_space<vmem>>
      tpu.wait_dma2 semaphore(%run_scoped3A_202 : memref<!tpu.dma_semaphore, #tpu.memory_space<semaphore_mem>>) src(%dma_wait3A_226 : memref<128x128xf32, #tpu.memory_space<vmem>>) dst(%dma_wait3A_222 : memref<128x128xf32, #tpu.memory_space<vmem_shared>>)
      tpu.yield
    }) : () -> ()
    %scan3A_30 = arith.constant 0 : i32
    %scan3A_31 = arith.constant 40 : i32
    %scan3A_32 = arith.addi %scan3A_30, %scan3A_31 : i32
    %scan3A_33 = arith.constant 1 : i32
    scf.for %scan3A_202 = %scan3A_30 to %scan3A_32 step %scan3A_33  : i32 {
      %mul3A_203 = arith.constant 1 : i32
      %mul3A_204 = arith.muli %scan3A_202, %mul3A_203 : i32
      %add3A_205 = arith.constant 0 : i32
      %add3A_206 = arith.addi %add3A_205, %mul3A_204 : i32
      %mul3A_207 = arith.constant 16 : i32
      %mul3A_208 = arith.muli %add3A_206, %mul3A_207 : i32
      %swap3A_209 = arith.index_cast %mul3A_208 : i32 to index
      %swap3A_210 = tpu.vector_load %arg10[%swap3A_209] {strides = array<i32>} : memref<640xf32, #tpu.memory_space<vmem>>, vector<16xf32>,
      %swap3A_211 = vector.shape_cast %swap3A_210 : vector<16xf32> to vector<16xf32>
      %swap3A_212 = vector.shape_cast %broadcast_in_dim3A_1 : vector<16xf32> to vector<16xf32>
      tpu.vector_store %arg10[%swap3A_209], %swap3A_212 {strides = array<i32>} : memref<640xf32, #tpu.memory_space<vmem>>, vector<16xf32>,
    }
    %scan3A_34 = arith.constant 40 : i32
    %mul3A_35 = arith.constant 640 : i32
    %mul3A_36 = arith.muli %arg1, %mul3A_35 : i32
    "tpu.region"() ({
      %run_scoped3A_202 = tpu.sem_alloc : memref<!tpu.dma_semaphore, #tpu.memory_space<semaphore_mem>>
      %dma_start3A_203 = tpu.memref_slice %arg12[%mul3A_36] : memref<10240xf32, #tpu.memory_space<vmem_shared>> -> memref<640xf32, #tpu.memory_space<vmem_shared>>
      %dma_start3A_204 = tpu.memref_slice %arg12[%mul3A_36] : memref<10240xf32, #tpu.memory_space<vmem_shared>> -> memref<640xf32, #tpu.memory_space<vmem_shared>>
      tpu.enqueue_dma source(%arg10 : memref<640xf32, #tpu.memory_space<vmem>>) target(%dma_start3A_204 : memref<640xf32, #tpu.memory_space<vmem_shared>>) target_semaphore(%run_scoped3A_202 : memref<!tpu.dma_semaphore, #tpu.memory_space<semaphore_mem>>)
      %dma_wait3A_205 = tpu.memref_slice %arg12[%mul3A_36] : memref<10240xf32, #tpu.memory_space<vmem_shared>> -> memref<640xf32, #tpu.memory_space<vmem_shared>>
      %dma_wait3A_206 = tpu.memref_slice %arg12[%mul3A_36] : memref<10240xf32, #tpu.memory_space<vmem_shared>> -> memref<640xf32, #tpu.memory_space<vmem_shared>>
      tpu.wait_dma2 semaphore(%run_scoped3A_202 : memref<!tpu.dma_semaphore, #tpu.memory_space<semaphore_mem>>) src(%arg10 : memref<640xf32, #tpu.memory_space<vmem>>) dst(%dma_wait3A_206 : memref<640xf32, #tpu.memory_space<vmem_shared>>)
      tpu.yield
    }) : () -> ()
    %broadcast_in_dim3A_37 = arith.constant 1.000000e+00 : f32
    %broadcast_in_dim3A_38 = vector.broadcast %broadcast_in_dim3A_37 : f32 to vector<16xf32>
    %swap3A = arith.constant 0 : index
    %swap3A_39 = tpu.vector_load %arg10[%swap3A] {strides = array<i32>} : memref<640xf32, #tpu.memory_space<vmem>>, vector<16xf32>,
    %swap3A_40 = vector.shape_cast %swap3A_39 : vector<16xf32> to vector<16xf32>
    %swap3A_41 = vector.shape_cast %broadcast_in_dim3A_38 : vector<16xf32> to vector<16xf32>
    tpu.vector_store %arg10[%swap3A], %swap3A_41 {strides = array<i32>} : memref<640xf32, #tpu.memory_space<vmem>>, vector<16xf32>,
    %swap3A_42 = arith.constant 16 : index
    %swap3A_43 = tpu.vector_load %arg10[%swap3A_42] {strides = array<i32>} : memref<640xf32, #tpu.memory_space<vmem>>, vector<16xf32>,
    %swap3A_44 = vector.shape_cast %swap3A_43 : vector<16xf32> to vector<16xf32>
    %swap3A_45 = vector.shape_cast %broadcast_in_dim3A_38 : vector<16xf32> to vector<16xf32>
    tpu.vector_store %arg10[%swap3A_42], %swap3A_45 {strides = array<i32>} : memref<640xf32, #tpu.memory_space<vmem>>, vector<16xf32>,
    %swap3A_46 = arith.constant 32 : index
    %swap3A_47 = tpu.vector_load %arg10[%swap3A_46] {strides = array<i32>} : memref<640xf32, #tpu.memory_space<vmem>>, vector<16xf32>,
    %swap3A_48 = vector.shape_cast %swap3A_47 : vector<16xf32> to vector<16xf32>
    %swap3A_49 = vector.shape_cast %broadcast_in_dim3A_38 : vector<16xf32> to vector<16xf32>
    tpu.vector_store %arg10[%swap3A_46], %swap3A_49 {strides = array<i32>} : memref<640xf32, #tpu.memory_space<vmem>>, vector<16xf32>,
    %swap3A_50 = arith.constant 48 : index
    %swap3A_51 = tpu.vector_load %arg10[%swap3A_50] {strides = array<i32>} : memref<640xf32, #tpu.memory_space<vmem>>, vector<16xf32>,
    %swap3A_52 = vector.shape_cast %swap3A_51 : vector<16xf32> to vector<16xf32>
    %swap3A_53 = vector.shape_cast %broadcast_in_dim3A_38 : vector<16xf32> to vector<16xf32>
    tpu.vector_store %arg10[%swap3A_50], %swap3A_53 {strides = array<i32>} : memref<640xf32, #tpu.memory_space<vmem>>, vector<16xf32>,
    %swap3A_54 = arith.constant 64 : index
    %swap3A_55 = tpu.vector_load %arg10[%swap3A_54] {strides = array<i32>} : memref<640xf32, #tpu.memory_space<vmem>>, vector<16xf32>,
    %swap3A_56 = vector.shape_cast %swap3A_55 : vector<16xf32> to vector<16xf32>
    %swap3A_57 = vector.shape_cast %broadcast_in_dim3A_38 : vector<16xf32> to vector<16xf32>
    tpu.vector_store %arg10[%swap3A_54], %swap3A_57 {strides = array<i32>} : memref<640xf32, #tpu.memory_space<vmem>>, vector<16xf32>,
    %swap3A_58 = arith.constant 80 : index
    %swap3A_59 = tpu.vector_load %arg10[%swap3A_58] {strides = array<i32>} : memref<640xf32, #tpu.memory_space<vmem>>, vector<16xf32>,
    %swap3A_60 = vector.shape_cast %swap3A_59 : vector<16xf32> to vector<16xf32>
    %swap3A_61 = vector.shape_cast %broadcast_in_dim3A_38 : vector<16xf32> to vector<16xf32>
    tpu.vector_store %arg10[%swap3A_58], %swap3A_61 {strides = array<i32>} : memref<640xf32, #tpu.memory_space<vmem>>, vector<16xf32>,
    %swap3A_62 = arith.constant 96 : index
    %swap3A_63 = tpu.vector_load %arg10[%swap3A_62] {strides = array<i32>} : memref<640xf32, #tpu.memory_space<vmem>>, vector<16xf32>,
    %swap3A_64 = vector.shape_cast %swap3A_63 : vector<16xf32> to vector<16xf32>
    %swap3A_65 = vector.shape_cast %broadcast_in_dim3A_38 : vector<16xf32> to vector<16xf32>
    tpu.vector_store %arg10[%swap3A_62], %swap3A_65 {strides = array<i32>} : memref<640xf32, #tpu.memory_space<vmem>>, vector<16xf32>,
    %swap3A_66 = arith.constant 112 : index
    %swap3A_67 = tpu.vector_load %arg10[%swap3A_66] {strides = array<i32>} : memref<640xf32, #tpu.memory_space<vmem>>, vector<16xf32>,
    %swap3A_68 = vector.shape_cast %swap3A_67 : vector<16xf32> to vector<16xf32>
    %swap3A_69 = vector.shape_cast %broadcast_in_dim3A_38 : vector<16xf32> to vector<16xf32>
    tpu.vector_store %arg10[%swap3A_66], %swap3A_69 {strides = array<i32>} : memref<640xf32, #tpu.memory_space<vmem>>, vector<16xf32>,
    %barrier3A = arith.constant 0 : index
    tpu.barrier barrier_id(%barrier3A)
    %mul3A_70 = arith.constant 80 : i32
    %mul3A_71 = arith.muli %add3A, %mul3A_70 : i32
    %add3A_72 = arith.constant 0 : i32
    %add3A_73 = arith.addi %mul3A_71, %add3A_72 : i32
    "tpu.region"() ({
      %run_scoped3A_202 = tpu.sem_alloc : memref<!tpu.dma_semaphore, #tpu.memory_space<semaphore_mem>>
      %dma_start3A_203 = arith.constant 0 : i32
      %dma_start3A_204 = tpu.memref_slice %arg3[%add3A_73, %dma_start3A_203] : memref<2560x128xi32, #tpu.memory_space<hbm>> -> memref<40x128xi32, #tpu.memory_space<hbm>>
      %dma_start3A_205 = arith.constant 0 : i32
      %dma_start3A_206 = tpu.memref_slice %arg3[%add3A_73, %dma_start3A_205] : memref<2560x128xi32, #tpu.memory_space<hbm>> -> memref<40x128xi32, #tpu.memory_space<hbm>>
      tpu.enqueue_dma source(%dma_start3A_206 : memref<40x128xi32, #tpu.memory_space<hbm>>) target(%arg7 : memref<40x128xi32, #tpu.memory_space<vmem>>) target_semaphore(%run_scoped3A_202 : memref<!tpu.dma_semaphore, #tpu.memory_space<semaphore_mem>>)
      %dma_wait3A_207 = arith.constant 0 : i32
      %dma_wait3A_208 = tpu.memref_slice %arg3[%add3A_73, %dma_wait3A_207] : memref<2560x128xi32, #tpu.memory_space<hbm>> -> memref<40x128xi32, #tpu.memory_space<hbm>>
      %dma_wait3A_209 = arith.constant 0 : i32
      %dma_wait3A_210 = tpu.memref_slice %arg3[%add3A_73, %dma_wait3A_209] : memref<2560x128xi32, #tpu.memory_space<hbm>> -> memref<40x128xi32, #tpu.memory_space<hbm>>
      tpu.wait_dma2 semaphore(%run_scoped3A_202 : memref<!tpu.dma_semaphore, #tpu.memory_space<semaphore_mem>>) src(%dma_wait3A_210 : memref<40x128xi32, #tpu.memory_space<hbm>>) dst(%arg7 : memref<40x128xi32, #tpu.memory_space<vmem>>)
      tpu.yield
    }) : () -> ()
    %mul3A_74 = arith.constant 80 : i32
    %mul3A_75 = arith.muli %add3A, %mul3A_74 : i32
    %add3A_76 = arith.constant 0 : i32
    %add3A_77 = arith.addi %mul3A_75, %add3A_76 : i32
    "tpu.region"() ({
      %run_scoped3A_202 = tpu.sem_alloc : memref<!tpu.dma_semaphore, #tpu.memory_space<semaphore_mem>>
      %dma_start3A_203 = arith.constant 0 : i32
      %dma_start3A_204 = tpu.memref_slice %arg4[%add3A_77, %dma_start3A_203] : memref<2560x128xi32, #tpu.memory_space<hbm>> -> memref<40x128xi32, #tpu.memory_space<hbm>>
      %dma_start3A_205 = arith.constant 0 : i32
      %dma_start3A_206 = tpu.memref_slice %arg4[%add3A_77, %dma_start3A_205] : memref<2560x128xi32, #tpu.memory_space<hbm>> -> memref<40x128xi32, #tpu.memory_space<hbm>>
      tpu.enqueue_dma source(%dma_start3A_206 : memref<40x128xi32, #tpu.memory_space<hbm>>) target(%arg8 : memref<40x128xi32, #tpu.memory_space<vmem>>) target_semaphore(%run_scoped3A_202 : memref<!tpu.dma_semaphore, #tpu.memory_space<semaphore_mem>>)
      %dma_wait3A_207 = arith.constant 0 : i32
      %dma_wait3A_208 = tpu.memref_slice %arg4[%add3A_77, %dma_wait3A_207] : memref<2560x128xi32, #tpu.memory_space<hbm>> -> memref<40x128xi32, #tpu.memory_space<hbm>>
      %dma_wait3A_209 = arith.constant 0 : i32
      %dma_wait3A_210 = tpu.memref_slice %arg4[%add3A_77, %dma_wait3A_209] : memref<2560x128xi32, #tpu.memory_space<hbm>> -> memref<40x128xi32, #tpu.memory_space<hbm>>
      tpu.wait_dma2 semaphore(%run_scoped3A_202 : memref<!tpu.dma_semaphore, #tpu.memory_space<semaphore_mem>>) src(%dma_wait3A_210 : memref<40x128xi32, #tpu.memory_space<hbm>>) dst(%arg8 : memref<40x128xi32, #tpu.memory_space<vmem>>)
      tpu.yield
    }) : () -> ()
    %dma_start3A = arith.constant 0 : i32
    %dma_start3A_78 = arith.constant 0 : i32
    %dma_start3A_79 = arith.constant 0 : i32
    %dma_start3A_80 = arith.constant 0 : i32
    %dma_start3A_81 = tpu.memref_slice %arg9[%dma_start3A_78, %dma_start3A_79, %dma_start3A_80] : memref<2x128x128xf32, #tpu.memory_space<vmem>> -> memref<1x128x128xf32, #tpu.memory_space<vmem>>
    %dma_start3A_82 = tpu.memref_squeeze %dma_start3A_81 : memref<1x128x128xf32, #tpu.memory_space<vmem>> -> memref<128x128xf32, #tpu.memory_space<vmem>>
    %dma_start3A_83 = arith.constant 0 : i32
    %dma_start3A_84 = tpu.memref_slice %arg7[%dma_start3A, %dma_start3A_83] : memref<40x128xi32, #tpu.memory_space<vmem>> -> memref<1x128xi32, #tpu.memory_space<vmem>>
    %dma_start3A_85 = tpu.memref_squeeze %dma_start3A_84 : memref<1x128xi32, #tpu.memory_space<vmem>> -> memref<128xi32, #tpu.memory_space<vmem>>
    %dma_start3A_86 = arith.constant 0 : i32
    %dma_start3A_87 = arith.constant 0 : i32
    %dma_start3A_88 = tpu.memref_slice %arg2[%dma_start3A_86, %dma_start3A_87] : memref<10000x128xf32, #tpu.memory_space<hbm>> -> memref<10000x128xf32, #tpu.memory_space<hbm>>
    tpu.enqueue_indirect_dma source(%dma_start3A_88 : memref<10000x128xf32, #tpu.memory_space<hbm>>) target(%dma_start3A_82 : memref<128x128xf32, #tpu.memory_space<vmem>>) offsets(%dma_start3A_85 : memref<128xi32, #tpu.memory_space<vmem>>) semaphore(%arg13 : memref<!tpu.dma_semaphore, #tpu.memory_space<semaphore_mem>>)
    %dma_start3A_89 = arith.constant 1 : i32
    %dma_start3A_90 = arith.constant 1 : i32
    %dma_start3A_91 = arith.constant 0 : i32
    %dma_start3A_92 = arith.constant 0 : i32
    %dma_start3A_93 = tpu.memref_slice %arg9[%dma_start3A_90, %dma_start3A_91, %dma_start3A_92] : memref<2x128x128xf32, #tpu.memory_space<vmem>> -> memref<1x128x128xf32, #tpu.memory_space<vmem>>
    %dma_start3A_94 = tpu.memref_squeeze %dma_start3A_93 : memref<1x128x128xf32, #tpu.memory_space<vmem>> -> memref<128x128xf32, #tpu.memory_space<vmem>>
    %dma_start3A_95 = arith.constant 0 : i32
    %dma_start3A_96 = tpu.memref_slice %arg7[%dma_start3A_89, %dma_start3A_95] : memref<40x128xi32, #tpu.memory_space<vmem>> -> memref<1x128xi32, #tpu.memory_space<vmem>>
    %dma_start3A_97 = tpu.memref_squeeze %dma_start3A_96 : memref<1x128xi32, #tpu.memory_space<vmem>> -> memref<128xi32, #tpu.memory_space<vmem>>
    %dma_start3A_98 = arith.constant 0 : i32
    %dma_start3A_99 = arith.constant 0 : i32
    %dma_start3A_100 = tpu.memref_slice %arg2[%dma_start3A_98, %dma_start3A_99] : memref<10000x128xf32, #tpu.memory_space<hbm>> -> memref<10000x128xf32, #tpu.memory_space<hbm>>
    tpu.enqueue_indirect_dma source(%dma_start3A_100 : memref<10000x128xf32, #tpu.memory_space<hbm>>) target(%dma_start3A_94 : memref<128x128xf32, #tpu.memory_space<vmem>>) offsets(%dma_start3A_97 : memref<128xi32, #tpu.memory_space<vmem>>) semaphore(%arg14 : memref<!tpu.dma_semaphore, #tpu.memory_space<semaphore_mem>>)
    %scan3A_101 = arith.constant 0 : i32
    %scan3A_102 = arith.constant 20 : i32
    %scan3A_103 = arith.addi %scan3A_101, %scan3A_102 : i32
    %scan3A_104 = arith.constant 1 : i32
    scf.for %scan3A_202 = %scan3A_101 to %scan3A_103 step %scan3A_104  : i32 {
      %mul3A_203 = arith.constant 1 : i32
      %mul3A_204 = arith.muli %scan3A_202, %mul3A_203 : i32
      %add3A_205 = arith.constant 0 : i32
      %add3A_206 = arith.addi %add3A_205, %mul3A_204 : i32
      %mul3A_207 = arith.constant 2 : i32
      %mul3A_208 = arith.muli %add3A_206, %mul3A_207 : i32
      %add3A_209 = arith.constant 0 : i32
      %add3A_210 = arith.addi %mul3A_208, %add3A_209 : i32
      %gt3A = arith.constant 0 : i32
      %gt3A_211 = arith.cmpi sgt, %add3A_206, %gt3A : i32
      %convert_element_type3A = arith.extui %gt3A_211 : i1 to i32
      %cond3A = arith.constant 0 : i32
      %cond3A_212 = arith.cmpi ne, %convert_element_type3A, %cond3A : i32
      scf.if %cond3A_212 {
        %dma_wait3A_274 = arith.constant 0 : i32
        %dma_wait3A_275 = arith.constant 0 : i32
        %dma_wait3A_276 = arith.constant 0 : i32
        %dma_wait3A_277 = tpu.memref_slice %arg9[%dma_wait3A_274, %dma_wait3A_275, %dma_wait3A_276] : memref<2x128x128xf32, #tpu.memory_space<vmem>> -> memref<1x128x128xf32, #tpu.memory_space<vmem>>
        %dma_wait3A_278 = tpu.memref_squeeze %dma_wait3A_277 : memref<1x128x128xf32, #tpu.memory_space<vmem>> -> memref<128x128xf32, #tpu.memory_space<vmem>>
        %dma_wait3A_279 = arith.constant 0 : i32
        %dma_wait3A_280 = tpu.memref_slice %arg8[%add3A_210, %dma_wait3A_279] : memref<40x128xi32, #tpu.memory_space<vmem>> -> memref<1x128xi32, #tpu.memory_space<vmem>>
        %dma_wait3A_281 = tpu.memref_squeeze %dma_wait3A_280 : memref<1x128xi32, #tpu.memory_space<vmem>> -> memref<128xi32, #tpu.memory_space<vmem>>
        %dma_wait3A_282 = arith.constant 0 : i32
        %dma_wait3A_283 = arith.constant 0 : i32
        %dma_wait3A_284 = tpu.memref_slice %arg11[%dma_wait3A_282, %dma_wait3A_283] : memref<10240x128xf32, #tpu.memory_space<vmem_shared>> -> memref<10240x128xf32, #tpu.memory_space<vmem_shared>>
        tpu.wait_indirect_dma semaphore(%arg15 : memref<!tpu.dma_semaphore, #tpu.memory_space<semaphore_mem>>) src(%dma_wait3A_278 : memref<128x128xf32, #tpu.memory_space<vmem>>) dst(%dma_wait3A_284 : memref<10240x128xf32, #tpu.memory_space<vmem_shared>>)
        %dma_start3A_285 = arith.constant 0 : i32
        %dma_start3A_286 = arith.constant 0 : i32
        %dma_start3A_287 = arith.constant 0 : i32
        %dma_start3A_288 = tpu.memref_slice %arg9[%dma_start3A_285, %dma_start3A_286, %dma_start3A_287] : memref<2x128x128xf32, #tpu.memory_space<vmem>> -> memref<1x128x128xf32, #tpu.memory_space<vmem>>
        %dma_start3A_289 = tpu.memref_squeeze %dma_start3A_288 : memref<1x128x128xf32, #tpu.memory_space<vmem>> -> memref<128x128xf32, #tpu.memory_space<vmem>>
        %dma_start3A_290 = arith.constant 0 : i32
        %dma_start3A_291 = tpu.memref_slice %arg7[%add3A_210, %dma_start3A_290] : memref<40x128xi32, #tpu.memory_space<vmem>> -> memref<1x128xi32, #tpu.memory_space<vmem>>
        %dma_start3A_292 = tpu.memref_squeeze %dma_start3A_291 : memref<1x128xi32, #tpu.memory_space<vmem>> -> memref<128xi32, #tpu.memory_space<vmem>>
        %dma_start3A_293 = arith.constant 0 : i32
        %dma_start3A_294 = arith.constant 0 : i32
        %dma_start3A_295 = tpu.memref_slice %arg2[%dma_start3A_293, %dma_start3A_294] : memref<10000x128xf32, #tpu.memory_space<hbm>> -> memref<10000x128xf32, #tpu.memory_space<hbm>>
        tpu.enqueue_indirect_dma source(%dma_start3A_295 : memref<10000x128xf32, #tpu.memory_space<hbm>>) target(%dma_start3A_289 : memref<128x128xf32, #tpu.memory_space<vmem>>) offsets(%dma_start3A_292 : memref<128xi32, #tpu.memory_space<vmem>>) semaphore(%arg13 : memref<!tpu.dma_semaphore, #tpu.memory_space<semaphore_mem>>)
      } else {
      }
      %mul3A_213 = arith.constant 2 : i32
      %mul3A_214 = arith.muli %add3A_206, %mul3A_213 : i32
      %add3A_215 = arith.constant 1 : i32
      %add3A_216 = arith.addi %mul3A_214, %add3A_215 : i32
      %gt3A_217 = arith.constant 0 : i32
      %gt3A_218 = arith.cmpi sgt, %add3A_206, %gt3A_217 : i32
      %convert_element_type3A_219 = arith.extui %gt3A_218 : i1 to i32
      %cond3A_220 = arith.constant 0 : i32
      %cond3A_221 = arith.cmpi ne, %convert_element_type3A_219, %cond3A_220 : i32
      scf.if %cond3A_221 {
        %dma_wait3A_274 = arith.constant 1 : i32
        %dma_wait3A_275 = arith.constant 0 : i32
        %dma_wait3A_276 = arith.constant 0 : i32
        %dma_wait3A_277 = tpu.memref_slice %arg9[%dma_wait3A_274, %dma_wait3A_275, %dma_wait3A_276] : memref<2x128x128xf32, #tpu.memory_space<vmem>> -> memref<1x128x128xf32, #tpu.memory_space<vmem>>
        %dma_wait3A_278 = tpu.memref_squeeze %dma_wait3A_277 : memref<1x128x128xf32, #tpu.memory_space<vmem>> -> memref<128x128xf32, #tpu.memory_space<vmem>>
        %dma_wait3A_279 = arith.constant 0 : i32
        %dma_wait3A_280 = tpu.memref_slice %arg8[%add3A_216, %dma_wait3A_279] : memref<40x128xi32, #tpu.memory_space<vmem>> -> memref<1x128xi32, #tpu.memory_space<vmem>>
        %dma_wait3A_281 = tpu.memref_squeeze %dma_wait3A_280 : memref<1x128xi32, #tpu.memory_space<vmem>> -> memref<128xi32, #tpu.memory_space<vmem>>
        %dma_wait3A_282 = arith.constant 0 : i32
        %dma_wait3A_283 = arith.constant 0 : i32
        %dma_wait3A_284 = tpu.memref_slice %arg11[%dma_wait3A_282, %dma_wait3A_283] : memref<10240x128xf32, #tpu.memory_space<vmem_shared>> -> memref<10240x128xf32, #tpu.memory_space<vmem_shared>>
        tpu.wait_indirect_dma semaphore(%arg16 : memref<!tpu.dma_semaphore, #tpu.memory_space<semaphore_mem>>) src(%dma_wait3A_278 : memref<128x128xf32, #tpu.memory_space<vmem>>) dst(%dma_wait3A_284 : memref<10240x128xf32, #tpu.memory_space<vmem_shared>>)
        %dma_start3A_285 = arith.constant 1 : i32
        %dma_start3A_286 = arith.constant 0 : i32
        %dma_start3A_287 = arith.constant 0 : i32
        %dma_start3A_288 = tpu.memref_slice %arg9[%dma_start3A_285, %dma_start3A_286, %dma_start3A_287] : memref<2x128x128xf32, #tpu.memory_space<vmem>> -> memref<1x128x128xf32, #tpu.memory_space<vmem>>
        %dma_start3A_289 = tpu.memref_squeeze %dma_start3A_288 : memref<1x128x128xf32, #tpu.memory_space<vmem>> -> memref<128x128xf32, #tpu.memory_space<vmem>>
        %dma_start3A_290 = arith.constant 0 : i32
        %dma_start3A_291 = tpu.memref_slice %arg7[%add3A_216, %dma_start3A_290] : memref<40x128xi32, #tpu.memory_space<vmem>> -> memref<1x128xi32, #tpu.memory_space<vmem>>
        %dma_start3A_292 = tpu.memref_squeeze %dma_start3A_291 : memref<1x128xi32, #tpu.memory_space<vmem>> -> memref<128xi32, #tpu.memory_space<vmem>>
        %dma_start3A_293 = arith.constant 0 : i32
        %dma_start3A_294 = arith.constant 0 : i32
        %dma_start3A_295 = tpu.memref_slice %arg2[%dma_start3A_293, %dma_start3A_294] : memref<10000x128xf32, #tpu.memory_space<hbm>> -> memref<10000x128xf32, #tpu.memory_space<hbm>>
        tpu.enqueue_indirect_dma source(%dma_start3A_295 : memref<10000x128xf32, #tpu.memory_space<hbm>>) target(%dma_start3A_289 : memref<128x128xf32, #tpu.memory_space<vmem>>) offsets(%dma_start3A_292 : memref<128xi32, #tpu.memory_space<vmem>>) semaphore(%arg14 : memref<!tpu.dma_semaphore, #tpu.memory_space<semaphore_mem>>)
      } else {
      }
      %mul3A_222 = arith.constant 2 : i32
      %mul3A_223 = arith.muli %add3A_206, %mul3A_222 : i32
      %add3A_224 = arith.constant 0 : i32
      %add3A_225 = arith.addi %mul3A_223, %add3A_224 : i32
      %dma_wait3A_226 = arith.constant 0 : i32
      %dma_wait3A_227 = arith.constant 0 : i32
      %dma_wait3A_228 = arith.constant 0 : i32
      %dma_wait3A_229 = tpu.memref_slice %arg9[%dma_wait3A_226, %dma_wait3A_227, %dma_wait3A_228] : memref<2x128x128xf32, #tpu.memory_space<vmem>> -> memref<1x128x128xf32, #tpu.memory_space<vmem>>
      %dma_wait3A_230 = tpu.memref_squeeze %dma_wait3A_229 : memref<1x128x128xf32, #tpu.memory_space<vmem>> -> memref<128x128xf32, #tpu.memory_space<vmem>>
      %dma_wait3A_231 = arith.constant 0 : i32
      %dma_wait3A_232 = tpu.memref_slice %arg7[%add3A_225, %dma_wait3A_231] : memref<40x128xi32, #tpu.memory_space<vmem>> -> memref<1x128xi32, #tpu.memory_space<vmem>>
      %dma_wait3A_233 = tpu.memref_squeeze %dma_wait3A_232 : memref<1x128xi32, #tpu.memory_space<vmem>> -> memref<128xi32, #tpu.memory_space<vmem>>
      %dma_wait3A_234 = arith.constant 0 : i32
      %dma_wait3A_235 = arith.constant 0 : i32
      %dma_wait3A_236 = tpu.memref_slice %arg2[%dma_wait3A_234, %dma_wait3A_235] : memref<10000x128xf32, #tpu.memory_space<hbm>> -> memref<10000x128xf32, #tpu.memory_space<hbm>>
      tpu.wait_indirect_dma semaphore(%arg13 : memref<!tpu.dma_semaphore, #tpu.memory_space<semaphore_mem>>) src(%dma_wait3A_236 : memref<10000x128xf32, #tpu.memory_space<hbm>>) dst(%dma_wait3A_230 : memref<128x128xf32, #tpu.memory_space<vmem>>)
      %dma_start3A_237 = arith.constant 0 : i32
      %dma_start3A_238 = arith.constant 0 : i32
      %dma_start3A_239 = arith.constant 0 : i32
      %dma_start3A_240 = tpu.memref_slice %arg9[%dma_start3A_237, %dma_start3A_238, %dma_start3A_239] : memref<2x128x128xf32, #tpu.memory_space<vmem>> -> memref<1x128x128xf32, #tpu.memory_space<vmem>>
      %dma_start3A_241 = tpu.memref_squeeze %dma_start3A_240 : memref<1x128x128xf32, #tpu.memory_space<vmem>> -> memref<128x128xf32, #tpu.memory_space<vmem>>
      %dma_start3A_242 = arith.constant 0 : i32
      %dma_start3A_243 = tpu.memref_slice %arg8[%add3A_225, %dma_start3A_242] : memref<40x128xi32, #tpu.memory_space<vmem>> -> memref<1x128xi32, #tpu.memory_space<vmem>>
      %dma_start3A_244 = tpu.memref_squeeze %dma_start3A_243 : memref<1x128xi32, #tpu.memory_space<vmem>> -> memref<128xi32, #tpu.memory_space<vmem>>
      %dma_start3A_245 = arith.constant 0 : i32
      %dma_start3A_246 = arith.constant 0 : i32
      %dma_start3A_247 = tpu.memref_slice %arg11[%dma_start3A_245, %dma_start3A_246] : memref<10240x128xf32, #tpu.memory_space<vmem_shared>> -> memref<10240x128xf32, #tpu.memory_space<vmem_shared>>
      tpu.enqueue_indirect_dma source(%dma_start3A_241 : memref<128x128xf32, #tpu.memory_space<vmem>>) target(%dma_start3A_247 : memref<10240x128xf32, #tpu.memory_space<vmem_shared>>) offsets(%dma_start3A_244 : memref<128xi32, #tpu.memory_space<vmem>>) semaphore(%arg15 : memref<!tpu.dma_semaphore, #tpu.memory_space<semaphore_mem>>) {add = true}
      "tpu.region"() ({
        %run_scoped3A_274 = tpu.sem_alloc : memref<!tpu.dma_semaphore, #tpu.memory_space<semaphore_mem>>
        %dma_start3A_275 = arith.constant 0 : i32
        %dma_start3A_276 = tpu.memref_slice %arg10[%dma_start3A_275] : memref<640xf32, #tpu.memory_space<vmem>> -> memref<128xf32, #tpu.memory_space<vmem>>
        %dma_start3A_277 = arith.constant 0 : i32
        %dma_start3A_278 = tpu.memref_slice %arg8[%add3A_225, %dma_start3A_277] : memref<40x128xi32, #tpu.memory_space<vmem>> -> memref<1x128xi32, #tpu.memory_space<vmem>>
        %dma_start3A_279 = tpu.memref_squeeze %dma_start3A_278 : memref<1x128xi32, #tpu.memory_space<vmem>> -> memref<128xi32, #tpu.memory_space<vmem>>
        %dma_start3A_280 = arith.constant 0 : i32
        %dma_start3A_281 = tpu.memref_slice %arg12[%dma_start3A_280] : memref<10240xf32, #tpu.memory_space<vmem_shared>> -> memref<10240xf32, #tpu.memory_space<vmem_shared>>
        tpu.enqueue_indirect_dma source(%dma_start3A_276 : memref<128xf32, #tpu.memory_space<vmem>>) target(%dma_start3A_281 : memref<10240xf32, #tpu.memory_space<vmem_shared>>) offsets(%dma_start3A_279 : memref<128xi32, #tpu.memory_space<vmem>>) semaphore(%run_scoped3A_274 : memref<!tpu.dma_semaphore, #tpu.memory_space<semaphore_mem>>) {add = true}
        %dma_wait3A_282 = arith.constant 0 : i32
        %dma_wait3A_283 = tpu.memref_slice %arg10[%dma_wait3A_282] : memref<640xf32, #tpu.memory_space<vmem>> -> memref<128xf32, #tpu.memory_space<vmem>>
        %dma_wait3A_284 = arith.constant 0 : i32
        %dma_wait3A_285 = tpu.memref_slice %arg8[%add3A_225, %dma_wait3A_284] : memref<40x128xi32, #tpu.memory_space<vmem>> -> memref<1x128xi32, #tpu.memory_space<vmem>>
        %dma_wait3A_286 = tpu.memref_squeeze %dma_wait3A_285 : memref<1x128xi32, #tpu.memory_space<vmem>> -> memref<128xi32, #tpu.memory_space<vmem>>
        %dma_wait3A_287 = arith.constant 0 : i32
        %dma_wait3A_288 = tpu.memref_slice %arg12[%dma_wait3A_287] : memref<10240xf32, #tpu.memory_space<vmem_shared>> -> memref<10240xf32, #tpu.memory_space<vmem_shared>>
        tpu.wait_indirect_dma semaphore(%run_scoped3A_274 : memref<!tpu.dma_semaphore, #tpu.memory_space<semaphore_mem>>) src(%dma_wait3A_283 : memref<128xf32, #tpu.memory_space<vmem>>) dst(%dma_wait3A_288 : memref<10240xf32, #tpu.memory_space<vmem_shared>>)
        tpu.yield
      }) : () -> ()
      %mul3A_248 = arith.constant 2 : i32
      %mul3A_249 = arith.muli %add3A_206, %mul3A_248 : i32
      %add3A_250 = arith.constant 1 : i32
      %add3A_251 = arith.addi %mul3A_249, %add3A_250 : i32
      %dma_wait3A_252 = arith.constant 1 : i32
      %dma_wait3A_253 = arith.constant 0 : i32
      %dma_wait3A_254 = arith.constant 0 : i32
      %dma_wait3A_255 = tpu.memref_slice %arg9[%dma_wait3A_252, %dma_wait3A_253, %dma_wait3A_254] : memref<2x128x128xf32, #tpu.memory_space<vmem>> -> memref<1x128x128xf32, #tpu.memory_space<vmem>>
      %dma_wait3A_256 = tpu.memref_squeeze %dma_wait3A_255 : memref<1x128x128xf32, #tpu.memory_space<vmem>> -> memref<128x128xf32, #tpu.memory_space<vmem>>
      %dma_wait3A_257 = arith.constant 0 : i32
      %dma_wait3A_258 = tpu.memref_slice %arg7[%add3A_251, %dma_wait3A_257] : memref<40x128xi32, #tpu.memory_space<vmem>> -> memref<1x128xi32, #tpu.memory_space<vmem>>
      %dma_wait3A_259 = tpu.memref_squeeze %dma_wait3A_258 : memref<1x128xi32, #tpu.memory_space<vmem>> -> memref<128xi32, #tpu.memory_space<vmem>>
      %dma_wait3A_260 = arith.constant 0 : i32
      %dma_wait3A_261 = arith.constant 0 : i32
      %dma_wait3A_262 = tpu.memref_slice %arg2[%dma_wait3A_260, %dma_wait3A_261] : memref<10000x128xf32, #tpu.memory_space<hbm>> -> memref<10000x128xf32, #tpu.memory_space<hbm>>
      tpu.wait_indirect_dma semaphore(%arg14 : memref<!tpu.dma_semaphore, #tpu.memory_space<semaphore_mem>>) src(%dma_wait3A_262 : memref<10000x128xf32, #tpu.memory_space<hbm>>) dst(%dma_wait3A_256 : memref<128x128xf32, #tpu.memory_space<vmem>>)
      %dma_start3A_263 = arith.constant 1 : i32
      %dma_start3A_264 = arith.constant 0 : i32
      %dma_start3A_265 = arith.constant 0 : i32
      %dma_start3A_266 = tpu.memref_slice %arg9[%dma_start3A_263, %dma_start3A_264, %dma_start3A_265] : memref<2x128x128xf32, #tpu.memory_space<vmem>> -> memref<1x128x128xf32, #tpu.memory_space<vmem>>
      %dma_start3A_267 = tpu.memref_squeeze %dma_start3A_266 : memref<1x128x128xf32, #tpu.memory_space<vmem>> -> memref<128x128xf32, #tpu.memory_space<vmem>>
      %dma_start3A_268 = arith.constant 0 : i32
      %dma_start3A_269 = tpu.memref_slice %arg8[%add3A_251, %dma_start3A_268] : memref<40x128xi32, #tpu.memory_space<vmem>> -> memref<1x128xi32, #tpu.memory_space<vmem>>
      %dma_start3A_270 = tpu.memref_squeeze %dma_start3A_269 : memref<1x128xi32, #tpu.memory_space<vmem>> -> memref<128xi32, #tpu.memory_space<vmem>>
      %dma_start3A_271 = arith.constant 0 : i32
      %dma_start3A_272 = arith.constant 0 : i32
      %dma_start3A_273 = tpu.memref_slice %arg11[%dma_start3A_271, %dma_start3A_272] : memref<10240x128xf32, #tpu.memory_space<vmem_shared>> -> memref<10240x128xf32, #tpu.memory_space<vmem_shared>>
      tpu.enqueue_indirect_dma source(%dma_start3A_267 : memref<128x128xf32, #tpu.memory_space<vmem>>) target(%dma_start3A_273 : memref<10240x128xf32, #tpu.memory_space<vmem_shared>>) offsets(%dma_start3A_270 : memref<128xi32, #tpu.memory_space<vmem>>) semaphore(%arg16 : memref<!tpu.dma_semaphore, #tpu.memory_space<semaphore_mem>>) {add = true}
      "tpu.region"() ({
        %run_scoped3A_274 = tpu.sem_alloc : memref<!tpu.dma_semaphore, #tpu.memory_space<semaphore_mem>>
        %dma_start3A_275 = arith.constant 0 : i32
        %dma_start3A_276 = tpu.memref_slice %arg10[%dma_start3A_275] : memref<640xf32, #tpu.memory_space<vmem>> -> memref<128xf32, #tpu.memory_space<vmem>>
        %dma_start3A_277 = arith.constant 0 : i32
        %dma_start3A_278 = tpu.memref_slice %arg8[%add3A_251, %dma_start3A_277] : memref<40x128xi32, #tpu.memory_space<vmem>> -> memref<1x128xi32, #tpu.memory_space<vmem>>
        %dma_start3A_279 = tpu.memref_squeeze %dma_start3A_278 : memref<1x128xi32, #tpu.memory_space<vmem>> -> memref<128xi32, #tpu.memory_space<vmem>>
        %dma_start3A_280 = arith.constant 0 : i32
        %dma_start3A_281 = tpu.memref_slice %arg12[%dma_start3A_280] : memref<10240xf32, #tpu.memory_space<vmem_shared>> -> memref<10240xf32, #tpu.memory_space<vmem_shared>>
        tpu.enqueue_indirect_dma source(%dma_start3A_276 : memref<128xf32, #tpu.memory_space<vmem>>) target(%dma_start3A_281 : memref<10240xf32, #tpu.memory_space<vmem_shared>>) offsets(%dma_start3A_279 : memref<128xi32, #tpu.memory_space<vmem>>) semaphore(%run_scoped3A_274 : memref<!tpu.dma_semaphore, #tpu.memory_space<semaphore_mem>>) {add = true}
        %dma_wait3A_282 = arith.constant 0 : i32
        %dma_wait3A_283 = tpu.memref_slice %arg10[%dma_wait3A_282] : memref<640xf32, #tpu.memory_space<vmem>> -> memref<128xf32, #tpu.memory_space<vmem>>
        %dma_wait3A_284 = arith.constant 0 : i32
        %dma_wait3A_285 = tpu.memref_slice %arg8[%add3A_251, %dma_wait3A_284] : memref<40x128xi32, #tpu.memory_space<vmem>> -> memref<1x128xi32, #tpu.memory_space<vmem>>
        %dma_wait3A_286 = tpu.memref_squeeze %dma_wait3A_285 : memref<1x128xi32, #tpu.memory_space<vmem>> -> memref<128xi32, #tpu.memory_space<vmem>>
        %dma_wait3A_287 = arith.constant 0 : i32
        %dma_wait3A_288 = tpu.memref_slice %arg12[%dma_wait3A_287] : memref<10240xf32, #tpu.memory_space<vmem_shared>> -> memref<10240xf32, #tpu.memory_space<vmem_shared>>
        tpu.wait_indirect_dma semaphore(%run_scoped3A_274 : memref<!tpu.dma_semaphore, #tpu.memory_space<semaphore_mem>>) src(%dma_wait3A_283 : memref<128xf32, #tpu.memory_space<vmem>>) dst(%dma_wait3A_288 : memref<10240xf32, #tpu.memory_space<vmem_shared>>)
        tpu.yield
      }) : () -> ()
    }
    %scan3A_105 = arith.constant 20 : i32
    %dma_wait3A = arith.constant 0 : i32
    %dma_wait3A_106 = arith.constant 38 : i32
    %dma_wait3A_107 = arith.constant 0 : i32
    %dma_wait3A_108 = arith.constant 0 : i32
    %dma_wait3A_109 = tpu.memref_slice %arg9[%dma_wait3A, %dma_wait3A_107, %dma_wait3A_108] : memref<2x128x128xf32, #tpu.memory_space<vmem>> -> memref<1x128x128xf32, #tpu.memory_space<vmem>>
    %dma_wait3A_110 = tpu.memref_squeeze %dma_wait3A_109 : memref<1x128x128xf32, #tpu.memory_space<vmem>> -> memref<128x128xf32, #tpu.memory_space<vmem>>
    %dma_wait3A_111 = arith.constant 0 : i32
    %dma_wait3A_112 = tpu.memref_slice %arg8[%dma_wait3A_106, %dma_wait3A_111] : memref<40x128xi32, #tpu.memory_space<vmem>> -> memref<1x128xi32, #tpu.memory_space<vmem>>
    %dma_wait3A_113 = tpu.memref_squeeze %dma_wait3A_112 : memref<1x128xi32, #tpu.memory_space<vmem>> -> memref<128xi32, #tpu.memory_space<vmem>>
    %dma_wait3A_114 = arith.constant 0 : i32
    %dma_wait3A_115 = arith.constant 0 : i32
    %dma_wait3A_116 = tpu.memref_slice %arg11[%dma_wait3A_114, %dma_wait3A_115] : memref<10240x128xf32, #tpu.memory_space<vmem_shared>> -> memref<10240x128xf32, #tpu.memory_space<vmem_shared>>
    tpu.wait_indirect_dma semaphore(%arg15 : memref<!tpu.dma_semaphore, #tpu.memory_space<semaphore_mem>>) src(%dma_wait3A_110 : memref<128x128xf32, #tpu.memory_space<vmem>>) dst(%dma_wait3A_116 : memref<10240x128xf32, #tpu.memory_space<vmem_shared>>)
    %dma_wait3A_117 = arith.constant 1 : i32
    %dma_wait3A_118 = arith.constant 39 : i32
    %dma_wait3A_119 = arith.constant 0 : i32
    %dma_wait3A_120 = arith.constant 0 : i32
    %dma_wait3A_121 = tpu.memref_slice %arg9[%dma_wait3A_117, %dma_wait3A_119, %dma_wait3A_120] : memref<2x128x128xf32, #tpu.memory_space<vmem>> -> memref<1x128x128xf32, #tpu.memory_space<vmem>>
    %dma_wait3A_122 = tpu.memref_squeeze %dma_wait3A_121 : memref<1x128x128xf32, #tpu.memory_space<vmem>> -> memref<128x128xf32, #tpu.memory_space<vmem>>
    %dma_wait3A_123 = arith.constant 0 : i32
    %dma_wait3A_124 = tpu.memref_slice %arg8[%dma_wait3A_118, %dma_wait3A_123] : memref<40x128xi32, #tpu.memory_space<vmem>> -> memref<1x128xi32, #tpu.memory_space<vmem>>
    %dma_wait3A_125 = tpu.memref_squeeze %dma_wait3A_124 : memref<1x128xi32, #tpu.memory_space<vmem>> -> memref<128xi32, #tpu.memory_space<vmem>>
    %dma_wait3A_126 = arith.constant 0 : i32
    %dma_wait3A_127 = arith.constant 0 : i32
    %dma_wait3A_128 = tpu.memref_slice %arg11[%dma_wait3A_126, %dma_wait3A_127] : memref<10240x128xf32, #tpu.memory_space<vmem_shared>> -> memref<10240x128xf32, #tpu.memory_space<vmem_shared>>
    tpu.wait_indirect_dma semaphore(%arg16 : memref<!tpu.dma_semaphore, #tpu.memory_space<semaphore_mem>>) src(%dma_wait3A_122 : memref<128x128xf32, #tpu.memory_space<vmem>>) dst(%dma_wait3A_128 : memref<10240x128xf32, #tpu.memory_space<vmem_shared>>)
    %mul3A_129 = arith.constant 80 : i32
    %mul3A_130 = arith.muli %add3A, %mul3A_129 : i32
    %add3A_131 = arith.constant 40 : i32
    %add3A_132 = arith.addi %mul3A_130, %add3A_131 : i32
    "tpu.region"() ({
      %run_scoped3A_202 = tpu.sem_alloc : memref<!tpu.dma_semaphore, #tpu.memory_space<semaphore_mem>>
      %dma_start3A_203 = arith.constant 0 : i32
      %dma_start3A_204 = tpu.memref_slice %arg3[%add3A_132, %dma_start3A_203] : memref<2560x128xi32, #tpu.memory_space<hbm>> -> memref<40x128xi32, #tpu.memory_space<hbm>>
      %dma_start3A_205 = arith.constant 0 : i32
      %dma_start3A_206 = tpu.memref_slice %arg3[%add3A_132, %dma_start3A_205] : memref<2560x128xi32, #tpu.memory_space<hbm>> -> memref<40x128xi32, #tpu.memory_space<hbm>>
      tpu.enqueue_dma source(%dma_start3A_206 : memref<40x128xi32, #tpu.memory_space<hbm>>) target(%arg7 : memref<40x128xi32, #tpu.memory_space<vmem>>) target_semaphore(%run_scoped3A_202 : memref<!tpu.dma_semaphore, #tpu.memory_space<semaphore_mem>>)
      %dma_wait3A_207 = arith.constant 0 : i32
      %dma_wait3A_208 = tpu.memref_slice %arg3[%add3A_132, %dma_wait3A_207] : memref<2560x128xi32, #tpu.memory_space<hbm>> -> memref<40x128xi32, #tpu.memory_space<hbm>>
      %dma_wait3A_209 = arith.constant 0 : i32
      %dma_wait3A_210 = tpu.memref_slice %arg3[%add3A_132, %dma_wait3A_209] : memref<2560x128xi32, #tpu.memory_space<hbm>> -> memref<40x128xi32, #tpu.memory_space<hbm>>
      tpu.wait_dma2 semaphore(%run_scoped3A_202 : memref<!tpu.dma_semaphore, #tpu.memory_space<semaphore_mem>>) src(%dma_wait3A_210 : memref<40x128xi32, #tpu.memory_space<hbm>>) dst(%arg7 : memref<40x128xi32, #tpu.memory_space<vmem>>)
      tpu.yield
    }) : () -> ()
    %mul3A_133 = arith.constant 80 : i32
    %mul3A_134 = arith.muli %add3A, %mul3A_133 : i32
    %add3A_135 = arith.constant 40 : i32
    %add3A_136 = arith.addi %mul3A_134, %add3A_135 : i32
    "tpu.region"() ({
      %run_scoped3A_202 = tpu.sem_alloc : memref<!tpu.dma_semaphore, #tpu.memory_space<semaphore_mem>>
      %dma_start3A_203 = arith.constant 0 : i32
      %dma_start3A_204 = tpu.memref_slice %arg4[%add3A_136, %dma_start3A_203] : memref<2560x128xi32, #tpu.memory_space<hbm>> -> memref<40x128xi32, #tpu.memory_space<hbm>>
      %dma_start3A_205 = arith.constant 0 : i32
      %dma_start3A_206 = tpu.memref_slice %arg4[%add3A_136, %dma_start3A_205] : memref<2560x128xi32, #tpu.memory_space<hbm>> -> memref<40x128xi32, #tpu.memory_space<hbm>>
      tpu.enqueue_dma source(%dma_start3A_206 : memref<40x128xi32, #tpu.memory_space<hbm>>) target(%arg8 : memref<40x128xi32, #tpu.memory_space<vmem>>) target_semaphore(%run_scoped3A_202 : memref<!tpu.dma_semaphore, #tpu.memory_space<semaphore_mem>>)
      %dma_wait3A_207 = arith.constant 0 : i32
      %dma_wait3A_208 = tpu.memref_slice %arg4[%add3A_136, %dma_wait3A_207] : memref<2560x128xi32, #tpu.memory_space<hbm>> -> memref<40x128xi32, #tpu.memory_space<hbm>>
      %dma_wait3A_209 = arith.constant 0 : i32
      %dma_wait3A_210 = tpu.memref_slice %arg4[%add3A_136, %dma_wait3A_209] : memref<2560x128xi32, #tpu.memory_space<hbm>> -> memref<40x128xi32, #tpu.memory_space<hbm>>
      tpu.wait_dma2 semaphore(%run_scoped3A_202 : memref<!tpu.dma_semaphore, #tpu.memory_space<semaphore_mem>>) src(%dma_wait3A_210 : memref<40x128xi32, #tpu.memory_space<hbm>>) dst(%arg8 : memref<40x128xi32, #tpu.memory_space<vmem>>)
      tpu.yield
    }) : () -> ()
    %dma_start3A_137 = arith.constant 0 : i32
    %dma_start3A_138 = arith.constant 0 : i32
    %dma_start3A_139 = arith.constant 0 : i32
    %dma_start3A_140 = arith.constant 0 : i32
    %dma_start3A_141 = tpu.memref_slice %arg9[%dma_start3A_138, %dma_start3A_139, %dma_start3A_140] : memref<2x128x128xf32, #tpu.memory_space<vmem>> -> memref<1x128x128xf32, #tpu.memory_space<vmem>>
    %dma_start3A_142 = tpu.memref_squeeze %dma_start3A_141 : memref<1x128x128xf32, #tpu.memory_space<vmem>> -> memref<128x128xf32, #tpu.memory_space<vmem>>
    %dma_start3A_143 = arith.constant 0 : i32
    %dma_start3A_144 = tpu.memref_slice %arg7[%dma_start3A_137, %dma_start3A_143] : memref<40x128xi32, #tpu.memory_space<vmem>> -> memref<1x128xi32, #tpu.memory_space<vmem>>
    %dma_start3A_145 = tpu.memref_squeeze %dma_start3A_144 : memref<1x128xi32, #tpu.memory_space<vmem>> -> memref<128xi32, #tpu.memory_space<vmem>>
    %dma_start3A_146 = arith.constant 0 : i32
    %dma_start3A_147 = arith.constant 0 : i32
    %dma_start3A_148 = tpu.memref_slice %arg2[%dma_start3A_146, %dma_start3A_147] : memref<10000x128xf32, #tpu.memory_space<hbm>> -> memref<10000x128xf32, #tpu.memory_space<hbm>>
    tpu.enqueue_indirect_dma source(%dma_start3A_148 : memref<10000x128xf32, #tpu.memory_space<hbm>>) target(%dma_start3A_142 : memref<128x128xf32, #tpu.memory_space<vmem>>) offsets(%dma_start3A_145 : memref<128xi32, #tpu.memory_space<vmem>>) semaphore(%arg13 : memref<!tpu.dma_semaphore, #tpu.memory_space<semaphore_mem>>)
    %dma_start3A_149 = arith.constant 1 : i32
    %dma_start3A_150 = arith.constant 1 : i32
    %dma_start3A_151 = arith.constant 0 : i32
    %dma_start3A_152 = arith.constant 0 : i32
    %dma_start3A_153 = tpu.memref_slice %arg9[%dma_start3A_150, %dma_start3A_151, %dma_start3A_152] : memref<2x128x128xf32, #tpu.memory_space<vmem>> -> memref<1x128x128xf32, #tpu.memory_space<vmem>>
    %dma_start3A_154 = tpu.memref_squeeze %dma_start3A_153 : memref<1x128x128xf32, #tpu.memory_space<vmem>> -> memref<128x128xf32, #tpu.memory_space<vmem>>
    %dma_start3A_155 = arith.constant 0 : i32
    %dma_start3A_156 = tpu.memref_slice %arg7[%dma_start3A_149, %dma_start3A_155] : memref<40x128xi32, #tpu.memory_space<vmem>> -> memref<1x128xi32, #tpu.memory_space<vmem>>
    %dma_start3A_157 = tpu.memref_squeeze %dma_start3A_156 : memref<1x128xi32, #tpu.memory_space<vmem>> -> memref<128xi32, #tpu.memory_space<vmem>>
    %dma_start3A_158 = arith.constant 0 : i32
    %dma_start3A_159 = arith.constant 0 : i32
    %dma_start3A_160 = tpu.memref_slice %arg2[%dma_start3A_158, %dma_start3A_159] : memref<10000x128xf32, #tpu.memory_space<hbm>> -> memref<10000x128xf32, #tpu.memory_space<hbm>>
    tpu.enqueue_indirect_dma source(%dma_start3A_160 : memref<10000x128xf32, #tpu.memory_space<hbm>>) target(%dma_start3A_154 : memref<128x128xf32, #tpu.memory_space<vmem>>) offsets(%dma_start3A_157 : memref<128xi32, #tpu.memory_space<vmem>>) semaphore(%arg14 : memref<!tpu.dma_semaphore, #tpu.memory_space<semaphore_mem>>)
    %scan3A_161 = arith.constant 0 : i32
    %scan3A_162 = arith.constant 20 : i32
    %scan3A_163 = arith.addi %scan3A_161, %scan3A_162 : i32
    %scan3A_164 = arith.constant 1 : i32
    scf.for %scan3A_202 = %scan3A_161 to %scan3A_163 step %scan3A_164  : i32 {
      %mul3A_203 = arith.constant 1 : i32
      %mul3A_204 = arith.muli %scan3A_202, %mul3A_203 : i32
      %add3A_205 = arith.constant 0 : i32
      %add3A_206 = arith.addi %add3A_205, %mul3A_204 : i32
      %mul3A_207 = arith.constant 2 : i32
      %mul3A_208 = arith.muli %add3A_206, %mul3A_207 : i32
      %add3A_209 = arith.constant 0 : i32
      %add3A_210 = arith.addi %mul3A_208, %add3A_209 : i32
      %gt3A = arith.constant 0 : i32
      %gt3A_211 = arith.cmpi sgt, %add3A_206, %gt3A : i32
      %convert_element_type3A = arith.extui %gt3A_211 : i1 to i32
      %cond3A = arith.constant 0 : i32
      %cond3A_212 = arith.cmpi ne, %convert_element_type3A, %cond3A : i32
      scf.if %cond3A_212 {
        %dma_wait3A_274 = arith.constant 0 : i32
        %dma_wait3A_275 = arith.constant 0 : i32
        %dma_wait3A_276 = arith.constant 0 : i32
        %dma_wait3A_277 = tpu.memref_slice %arg9[%dma_wait3A_274, %dma_wait3A_275, %dma_wait3A_276] : memref<2x128x128xf32, #tpu.memory_space<vmem>> -> memref<1x128x128xf32, #tpu.memory_space<vmem>>
        %dma_wait3A_278 = tpu.memref_squeeze %dma_wait3A_277 : memref<1x128x128xf32, #tpu.memory_space<vmem>> -> memref<128x128xf32, #tpu.memory_space<vmem>>
        %dma_wait3A_279 = arith.constant 0 : i32
        %dma_wait3A_280 = tpu.memref_slice %arg8[%add3A_210, %dma_wait3A_279] : memref<40x128xi32, #tpu.memory_space<vmem>> -> memref<1x128xi32, #tpu.memory_space<vmem>>
        %dma_wait3A_281 = tpu.memref_squeeze %dma_wait3A_280 : memref<1x128xi32, #tpu.memory_space<vmem>> -> memref<128xi32, #tpu.memory_space<vmem>>
        %dma_wait3A_282 = arith.constant 0 : i32
        %dma_wait3A_283 = arith.constant 0 : i32
        %dma_wait3A_284 = tpu.memref_slice %arg11[%dma_wait3A_282, %dma_wait3A_283] : memref<10240x128xf32, #tpu.memory_space<vmem_shared>> -> memref<10240x128xf32, #tpu.memory_space<vmem_shared>>
        tpu.wait_indirect_dma semaphore(%arg15 : memref<!tpu.dma_semaphore, #tpu.memory_space<semaphore_mem>>) src(%dma_wait3A_278 : memref<128x128xf32, #tpu.memory_space<vmem>>) dst(%dma_wait3A_284 : memref<10240x128xf32, #tpu.memory_space<vmem_shared>>)
        %dma_start3A_285 = arith.constant 0 : i32
        %dma_start3A_286 = arith.constant 0 : i32
        %dma_start3A_287 = arith.constant 0 : i32
        %dma_start3A_288 = tpu.memref_slice %arg9[%dma_start3A_285, %dma_start3A_286, %dma_start3A_287] : memref<2x128x128xf32, #tpu.memory_space<vmem>> -> memref<1x128x128xf32, #tpu.memory_space<vmem>>
        %dma_start3A_289 = tpu.memref_squeeze %dma_start3A_288 : memref<1x128x128xf32, #tpu.memory_space<vmem>> -> memref<128x128xf32, #tpu.memory_space<vmem>>
        %dma_start3A_290 = arith.constant 0 : i32
        %dma_start3A_291 = tpu.memref_slice %arg7[%add3A_210, %dma_start3A_290] : memref<40x128xi32, #tpu.memory_space<vmem>> -> memref<1x128xi32, #tpu.memory_space<vmem>>
        %dma_start3A_292 = tpu.memref_squeeze %dma_start3A_291 : memref<1x128xi32, #tpu.memory_space<vmem>> -> memref<128xi32, #tpu.memory_space<vmem>>
        %dma_start3A_293 = arith.constant 0 : i32
        %dma_start3A_294 = arith.constant 0 : i32
        %dma_start3A_295 = tpu.memref_slice %arg2[%dma_start3A_293, %dma_start3A_294] : memref<10000x128xf32, #tpu.memory_space<hbm>> -> memref<10000x128xf32, #tpu.memory_space<hbm>>
        tpu.enqueue_indirect_dma source(%dma_start3A_295 : memref<10000x128xf32, #tpu.memory_space<hbm>>) target(%dma_start3A_289 : memref<128x128xf32, #tpu.memory_space<vmem>>) offsets(%dma_start3A_292 : memref<128xi32, #tpu.memory_space<vmem>>) semaphore(%arg13 : memref<!tpu.dma_semaphore, #tpu.memory_space<semaphore_mem>>)
      } else {
      }
      %mul3A_213 = arith.constant 2 : i32
      %mul3A_214 = arith.muli %add3A_206, %mul3A_213 : i32
      %add3A_215 = arith.constant 1 : i32
      %add3A_216 = arith.addi %mul3A_214, %add3A_215 : i32
      %gt3A_217 = arith.constant 0 : i32
      %gt3A_218 = arith.cmpi sgt, %add3A_206, %gt3A_217 : i32
      %convert_element_type3A_219 = arith.extui %gt3A_218 : i1 to i32
      %cond3A_220 = arith.constant 0 : i32
      %cond3A_221 = arith.cmpi ne, %convert_element_type3A_219, %cond3A_220 : i32
      scf.if %cond3A_221 {
        %dma_wait3A_274 = arith.constant 1 : i32
        %dma_wait3A_275 = arith.constant 0 : i32
        %dma_wait3A_276 = arith.constant 0 : i32
        %dma_wait3A_277 = tpu.memref_slice %arg9[%dma_wait3A_274, %dma_wait3A_275, %dma_wait3A_276] : memref<2x128x128xf32, #tpu.memory_space<vmem>> -> memref<1x128x128xf32, #tpu.memory_space<vmem>>
        %dma_wait3A_278 = tpu.memref_squeeze %dma_wait3A_277 : memref<1x128x128xf32, #tpu.memory_space<vmem>> -> memref<128x128xf32, #tpu.memory_space<vmem>>
        %dma_wait3A_279 = arith.constant 0 : i32
        %dma_wait3A_280 = tpu.memref_slice %arg8[%add3A_216, %dma_wait3A_279] : memref<40x128xi32, #tpu.memory_space<vmem>> -> memref<1x128xi32, #tpu.memory_space<vmem>>
        %dma_wait3A_281 = tpu.memref_squeeze %dma_wait3A_280 : memref<1x128xi32, #tpu.memory_space<vmem>> -> memref<128xi32, #tpu.memory_space<vmem>>
        %dma_wait3A_282 = arith.constant 0 : i32
        %dma_wait3A_283 = arith.constant 0 : i32
        %dma_wait3A_284 = tpu.memref_slice %arg11[%dma_wait3A_282, %dma_wait3A_283] : memref<10240x128xf32, #tpu.memory_space<vmem_shared>> -> memref<10240x128xf32, #tpu.memory_space<vmem_shared>>
        tpu.wait_indirect_dma semaphore(%arg16 : memref<!tpu.dma_semaphore, #tpu.memory_space<semaphore_mem>>) src(%dma_wait3A_278 : memref<128x128xf32, #tpu.memory_space<vmem>>) dst(%dma_wait3A_284 : memref<10240x128xf32, #tpu.memory_space<vmem_shared>>)
        %dma_start3A_285 = arith.constant 1 : i32
        %dma_start3A_286 = arith.constant 0 : i32
        %dma_start3A_287 = arith.constant 0 : i32
        %dma_start3A_288 = tpu.memref_slice %arg9[%dma_start3A_285, %dma_start3A_286, %dma_start3A_287] : memref<2x128x128xf32, #tpu.memory_space<vmem>> -> memref<1x128x128xf32, #tpu.memory_space<vmem>>
        %dma_start3A_289 = tpu.memref_squeeze %dma_start3A_288 : memref<1x128x128xf32, #tpu.memory_space<vmem>> -> memref<128x128xf32, #tpu.memory_space<vmem>>
        %dma_start3A_290 = arith.constant 0 : i32
        %dma_start3A_291 = tpu.memref_slice %arg7[%add3A_216, %dma_start3A_290] : memref<40x128xi32, #tpu.memory_space<vmem>> -> memref<1x128xi32, #tpu.memory_space<vmem>>
        %dma_start3A_292 = tpu.memref_squeeze %dma_start3A_291 : memref<1x128xi32, #tpu.memory_space<vmem>> -> memref<128xi32, #tpu.memory_space<vmem>>
        %dma_start3A_293 = arith.constant 0 : i32
        %dma_start3A_294 = arith.constant 0 : i32
        %dma_start3A_295 = tpu.memref_slice %arg2[%dma_start3A_293, %dma_start3A_294] : memref<10000x128xf32, #tpu.memory_space<hbm>> -> memref<10000x128xf32, #tpu.memory_space<hbm>>
        tpu.enqueue_indirect_dma source(%dma_start3A_295 : memref<10000x128xf32, #tpu.memory_space<hbm>>) target(%dma_start3A_289 : memref<128x128xf32, #tpu.memory_space<vmem>>) offsets(%dma_start3A_292 : memref<128xi32, #tpu.memory_space<vmem>>) semaphore(%arg14 : memref<!tpu.dma_semaphore, #tpu.memory_space<semaphore_mem>>)
      } else {
      }
      %mul3A_222 = arith.constant 2 : i32
      %mul3A_223 = arith.muli %add3A_206, %mul3A_222 : i32
      %add3A_224 = arith.constant 0 : i32
      %add3A_225 = arith.addi %mul3A_223, %add3A_224 : i32
      %dma_wait3A_226 = arith.constant 0 : i32
      %dma_wait3A_227 = arith.constant 0 : i32
      %dma_wait3A_228 = arith.constant 0 : i32
      %dma_wait3A_229 = tpu.memref_slice %arg9[%dma_wait3A_226, %dma_wait3A_227, %dma_wait3A_228] : memref<2x128x128xf32, #tpu.memory_space<vmem>> -> memref<1x128x128xf32, #tpu.memory_space<vmem>>
      %dma_wait3A_230 = tpu.memref_squeeze %dma_wait3A_229 : memref<1x128x128xf32, #tpu.memory_space<vmem>> -> memref<128x128xf32, #tpu.memory_space<vmem>>
      %dma_wait3A_231 = arith.constant 0 : i32
      %dma_wait3A_232 = tpu.memref_slice %arg7[%add3A_225, %dma_wait3A_231] : memref<40x128xi32, #tpu.memory_space<vmem>> -> memref<1x128xi32, #tpu.memory_space<vmem>>
      %dma_wait3A_233 = tpu.memref_squeeze %dma_wait3A_232 : memref<1x128xi32, #tpu.memory_space<vmem>> -> memref<128xi32, #tpu.memory_space<vmem>>
      %dma_wait3A_234 = arith.constant 0 : i32
      %dma_wait3A_235 = arith.constant 0 : i32
      %dma_wait3A_236 = tpu.memref_slice %arg2[%dma_wait3A_234, %dma_wait3A_235] : memref<10000x128xf32, #tpu.memory_space<hbm>> -> memref<10000x128xf32, #tpu.memory_space<hbm>>
      tpu.wait_indirect_dma semaphore(%arg13 : memref<!tpu.dma_semaphore, #tpu.memory_space<semaphore_mem>>) src(%dma_wait3A_236 : memref<10000x128xf32, #tpu.memory_space<hbm>>) dst(%dma_wait3A_230 : memref<128x128xf32, #tpu.memory_space<vmem>>)
      %dma_start3A_237 = arith.constant 0 : i32
      %dma_start3A_238 = arith.constant 0 : i32
      %dma_start3A_239 = arith.constant 0 : i32
      %dma_start3A_240 = tpu.memref_slice %arg9[%dma_start3A_237, %dma_start3A_238, %dma_start3A_239] : memref<2x128x128xf32, #tpu.memory_space<vmem>> -> memref<1x128x128xf32, #tpu.memory_space<vmem>>
      %dma_start3A_241 = tpu.memref_squeeze %dma_start3A_240 : memref<1x128x128xf32, #tpu.memory_space<vmem>> -> memref<128x128xf32, #tpu.memory_space<vmem>>
      %dma_start3A_242 = arith.constant 0 : i32
      %dma_start3A_243 = tpu.memref_slice %arg8[%add3A_225, %dma_start3A_242] : memref<40x128xi32, #tpu.memory_space<vmem>> -> memref<1x128xi32, #tpu.memory_space<vmem>>
      %dma_start3A_244 = tpu.memref_squeeze %dma_start3A_243 : memref<1x128xi32, #tpu.memory_space<vmem>> -> memref<128xi32, #tpu.memory_space<vmem>>
      %dma_start3A_245 = arith.constant 0 : i32
      %dma_start3A_246 = arith.constant 0 : i32
      %dma_start3A_247 = tpu.memref_slice %arg11[%dma_start3A_245, %dma_start3A_246] : memref<10240x128xf32, #tpu.memory_space<vmem_shared>> -> memref<10240x128xf32, #tpu.memory_space<vmem_shared>>
      tpu.enqueue_indirect_dma source(%dma_start3A_241 : memref<128x128xf32, #tpu.memory_space<vmem>>) target(%dma_start3A_247 : memref<10240x128xf32, #tpu.memory_space<vmem_shared>>) offsets(%dma_start3A_244 : memref<128xi32, #tpu.memory_space<vmem>>) semaphore(%arg15 : memref<!tpu.dma_semaphore, #tpu.memory_space<semaphore_mem>>) {add = true}
      "tpu.region"() ({
        %run_scoped3A_274 = tpu.sem_alloc : memref<!tpu.dma_semaphore, #tpu.memory_space<semaphore_mem>>
        %dma_start3A_275 = arith.constant 0 : i32
        %dma_start3A_276 = tpu.memref_slice %arg10[%dma_start3A_275] : memref<640xf32, #tpu.memory_space<vmem>> -> memref<128xf32, #tpu.memory_space<vmem>>
        %dma_start3A_277 = arith.constant 0 : i32
        %dma_start3A_278 = tpu.memref_slice %arg8[%add3A_225, %dma_start3A_277] : memref<40x128xi32, #tpu.memory_space<vmem>> -> memref<1x128xi32, #tpu.memory_space<vmem>>
        %dma_start3A_279 = tpu.memref_squeeze %dma_start3A_278 : memref<1x128xi32, #tpu.memory_space<vmem>> -> memref<128xi32, #tpu.memory_space<vmem>>
        %dma_start3A_280 = arith.constant 0 : i32
        %dma_start3A_281 = tpu.memref_slice %arg12[%dma_start3A_280] : memref<10240xf32, #tpu.memory_space<vmem_shared>> -> memref<10240xf32, #tpu.memory_space<vmem_shared>>
        tpu.enqueue_indirect_dma source(%dma_start3A_276 : memref<128xf32, #tpu.memory_space<vmem>>) target(%dma_start3A_281 : memref<10240xf32, #tpu.memory_space<vmem_shared>>) offsets(%dma_start3A_279 : memref<128xi32, #tpu.memory_space<vmem>>) semaphore(%run_scoped3A_274 : memref<!tpu.dma_semaphore, #tpu.memory_space<semaphore_mem>>) {add = true}
        %dma_wait3A_282 = arith.constant 0 : i32
        %dma_wait3A_283 = tpu.memref_slice %arg10[%dma_wait3A_282] : memref<640xf32, #tpu.memory_space<vmem>> -> memref<128xf32, #tpu.memory_space<vmem>>
        %dma_wait3A_284 = arith.constant 0 : i32
        %dma_wait3A_285 = tpu.memref_slice %arg8[%add3A_225, %dma_wait3A_284] : memref<40x128xi32, #tpu.memory_space<vmem>> -> memref<1x128xi32, #tpu.memory_space<vmem>>
        %dma_wait3A_286 = tpu.memref_squeeze %dma_wait3A_285 : memref<1x128xi32, #tpu.memory_space<vmem>> -> memref<128xi32, #tpu.memory_space<vmem>>
        %dma_wait3A_287 = arith.constant 0 : i32
        %dma_wait3A_288 = tpu.memref_slice %arg12[%dma_wait3A_287] : memref<10240xf32, #tpu.memory_space<vmem_shared>> -> memref<10240xf32, #tpu.memory_space<vmem_shared>>
        tpu.wait_indirect_dma semaphore(%run_scoped3A_274 : memref<!tpu.dma_semaphore, #tpu.memory_space<semaphore_mem>>) src(%dma_wait3A_283 : memref<128xf32, #tpu.memory_space<vmem>>) dst(%dma_wait3A_288 : memref<10240xf32, #tpu.memory_space<vmem_shared>>)
        tpu.yield
      }) : () -> ()
      %mul3A_248 = arith.constant 2 : i32
      %mul3A_249 = arith.muli %add3A_206, %mul3A_248 : i32
      %add3A_250 = arith.constant 1 : i32
      %add3A_251 = arith.addi %mul3A_249, %add3A_250 : i32
      %dma_wait3A_252 = arith.constant 1 : i32
      %dma_wait3A_253 = arith.constant 0 : i32
      %dma_wait3A_254 = arith.constant 0 : i32
      %dma_wait3A_255 = tpu.memref_slice %arg9[%dma_wait3A_252, %dma_wait3A_253, %dma_wait3A_254] : memref<2x128x128xf32, #tpu.memory_space<vmem>> -> memref<1x128x128xf32, #tpu.memory_space<vmem>>
      %dma_wait3A_256 = tpu.memref_squeeze %dma_wait3A_255 : memref<1x128x128xf32, #tpu.memory_space<vmem>> -> memref<128x128xf32, #tpu.memory_space<vmem>>
      %dma_wait3A_257 = arith.constant 0 : i32
      %dma_wait3A_258 = tpu.memref_slice %arg7[%add3A_251, %dma_wait3A_257] : memref<40x128xi32, #tpu.memory_space<vmem>> -> memref<1x128xi32, #tpu.memory_space<vmem>>
      %dma_wait3A_259 = tpu.memref_squeeze %dma_wait3A_258 : memref<1x128xi32, #tpu.memory_space<vmem>> -> memref<128xi32, #tpu.memory_space<vmem>>
      %dma_wait3A_260 = arith.constant 0 : i32
      %dma_wait3A_261 = arith.constant 0 : i32
      %dma_wait3A_262 = tpu.memref_slice %arg2[%dma_wait3A_260, %dma_wait3A_261] : memref<10000x128xf32, #tpu.memory_space<hbm>> -> memref<10000x128xf32, #tpu.memory_space<hbm>>
      tpu.wait_indirect_dma semaphore(%arg14 : memref<!tpu.dma_semaphore, #tpu.memory_space<semaphore_mem>>) src(%dma_wait3A_262 : memref<10000x128xf32, #tpu.memory_space<hbm>>) dst(%dma_wait3A_256 : memref<128x128xf32, #tpu.memory_space<vmem>>)
      %dma_start3A_263 = arith.constant 1 : i32
      %dma_start3A_264 = arith.constant 0 : i32
      %dma_start3A_265 = arith.constant 0 : i32
      %dma_start3A_266 = tpu.memref_slice %arg9[%dma_start3A_263, %dma_start3A_264, %dma_start3A_265] : memref<2x128x128xf32, #tpu.memory_space<vmem>> -> memref<1x128x128xf32, #tpu.memory_space<vmem>>
      %dma_start3A_267 = tpu.memref_squeeze %dma_start3A_266 : memref<1x128x128xf32, #tpu.memory_space<vmem>> -> memref<128x128xf32, #tpu.memory_space<vmem>>
      %dma_start3A_268 = arith.constant 0 : i32
      %dma_start3A_269 = tpu.memref_slice %arg8[%add3A_251, %dma_start3A_268] : memref<40x128xi32, #tpu.memory_space<vmem>> -> memref<1x128xi32, #tpu.memory_space<vmem>>
      %dma_start3A_270 = tpu.memref_squeeze %dma_start3A_269 : memref<1x128xi32, #tpu.memory_space<vmem>> -> memref<128xi32, #tpu.memory_space<vmem>>
      %dma_start3A_271 = arith.constant 0 : i32
      %dma_start3A_272 = arith.constant 0 : i32
      %dma_start3A_273 = tpu.memref_slice %arg11[%dma_start3A_271, %dma_start3A_272] : memref<10240x128xf32, #tpu.memory_space<vmem_shared>> -> memref<10240x128xf32, #tpu.memory_space<vmem_shared>>
      tpu.enqueue_indirect_dma source(%dma_start3A_267 : memref<128x128xf32, #tpu.memory_space<vmem>>) target(%dma_start3A_273 : memref<10240x128xf32, #tpu.memory_space<vmem_shared>>) offsets(%dma_start3A_270 : memref<128xi32, #tpu.memory_space<vmem>>) semaphore(%arg16 : memref<!tpu.dma_semaphore, #tpu.memory_space<semaphore_mem>>) {add = true}
      "tpu.region"() ({
        %run_scoped3A_274 = tpu.sem_alloc : memref<!tpu.dma_semaphore, #tpu.memory_space<semaphore_mem>>
        %dma_start3A_275 = arith.constant 0 : i32
        %dma_start3A_276 = tpu.memref_slice %arg10[%dma_start3A_275] : memref<640xf32, #tpu.memory_space<vmem>> -> memref<128xf32, #tpu.memory_space<vmem>>
        %dma_start3A_277 = arith.constant 0 : i32
        %dma_start3A_278 = tpu.memref_slice %arg8[%add3A_251, %dma_start3A_277] : memref<40x128xi32, #tpu.memory_space<vmem>> -> memref<1x128xi32, #tpu.memory_space<vmem>>
        %dma_start3A_279 = tpu.memref_squeeze %dma_start3A_278 : memref<1x128xi32, #tpu.memory_space<vmem>> -> memref<128xi32, #tpu.memory_space<vmem>>
        %dma_start3A_280 = arith.constant 0 : i32
        %dma_start3A_281 = tpu.memref_slice %arg12[%dma_start3A_280] : memref<10240xf32, #tpu.memory_space<vmem_shared>> -> memref<10240xf32, #tpu.memory_space<vmem_shared>>
        tpu.enqueue_indirect_dma source(%dma_start3A_276 : memref<128xf32, #tpu.memory_space<vmem>>) target(%dma_start3A_281 : memref<10240xf32, #tpu.memory_space<vmem_shared>>) offsets(%dma_start3A_279 : memref<128xi32, #tpu.memory_space<vmem>>) semaphore(%run_scoped3A_274 : memref<!tpu.dma_semaphore, #tpu.memory_space<semaphore_mem>>) {add = true}
        %dma_wait3A_282 = arith.constant 0 : i32
        %dma_wait3A_283 = tpu.memref_slice %arg10[%dma_wait3A_282] : memref<640xf32, #tpu.memory_space<vmem>> -> memref<128xf32, #tpu.memory_space<vmem>>
        %dma_wait3A_284 = arith.constant 0 : i32
        %dma_wait3A_285 = tpu.memref_slice %arg8[%add3A_251, %dma_wait3A_284] : memref<40x128xi32, #tpu.memory_space<vmem>> -> memref<1x128xi32, #tpu.memory_space<vmem>>
        %dma_wait3A_286 = tpu.memref_squeeze %dma_wait3A_285 : memref<1x128xi32, #tpu.memory_space<vmem>> -> memref<128xi32, #tpu.memory_space<vmem>>
        %dma_wait3A_287 = arith.constant 0 : i32
        %dma_wait3A_288 = tpu.memref_slice %arg12[%dma_wait3A_287] : memref<10240xf32, #tpu.memory_space<vmem_shared>> -> memref<10240xf32, #tpu.memory_space<vmem_shared>>
        tpu.wait_indirect_dma semaphore(%run_scoped3A_274 : memref<!tpu.dma_semaphore, #tpu.memory_space<semaphore_mem>>) src(%dma_wait3A_283 : memref<128xf32, #tpu.memory_space<vmem>>) dst(%dma_wait3A_288 : memref<10240xf32, #tpu.memory_space<vmem_shared>>)
        tpu.yield
      }) : () -> ()
    }
    %scan3A_165 = arith.constant 20 : i32
    %dma_wait3A_166 = arith.constant 0 : i32
    %dma_wait3A_167 = arith.constant 38 : i32
    %dma_wait3A_168 = arith.constant 0 : i32
    %dma_wait3A_169 = arith.constant 0 : i32
    %dma_wait3A_170 = tpu.memref_slice %arg9[%dma_wait3A_166, %dma_wait3A_168, %dma_wait3A_169] : memref<2x128x128xf32, #tpu.memory_space<vmem>> -> memref<1x128x128xf32, #tpu.memory_space<vmem>>
    %dma_wait3A_171 = tpu.memref_squeeze %dma_wait3A_170 : memref<1x128x128xf32, #tpu.memory_space<vmem>> -> memref<128x128xf32, #tpu.memory_space<vmem>>
    %dma_wait3A_172 = arith.constant 0 : i32
    %dma_wait3A_173 = tpu.memref_slice %arg8[%dma_wait3A_167, %dma_wait3A_172] : memref<40x128xi32, #tpu.memory_space<vmem>> -> memref<1x128xi32, #tpu.memory_space<vmem>>
    %dma_wait3A_174 = tpu.memref_squeeze %dma_wait3A_173 : memref<1x128xi32, #tpu.memory_space<vmem>> -> memref<128xi32, #tpu.memory_space<vmem>>
    %dma_wait3A_175 = arith.constant 0 : i32
    %dma_wait3A_176 = arith.constant 0 : i32
    %dma_wait3A_177 = tpu.memref_slice %arg11[%dma_wait3A_175, %dma_wait3A_176] : memref<10240x128xf32, #tpu.memory_space<vmem_shared>> -> memref<10240x128xf32, #tpu.memory_space<vmem_shared>>
    tpu.wait_indirect_dma semaphore(%arg15 : memref<!tpu.dma_semaphore, #tpu.memory_space<semaphore_mem>>) src(%dma_wait3A_171 : memref<128x128xf32, #tpu.memory_space<vmem>>) dst(%dma_wait3A_177 : memref<10240x128xf32, #tpu.memory_space<vmem_shared>>)
    %dma_wait3A_178 = arith.constant 1 : i32
    %dma_wait3A_179 = arith.constant 39 : i32
    %dma_wait3A_180 = arith.constant 0 : i32
    %dma_wait3A_181 = arith.constant 0 : i32
    %dma_wait3A_182 = tpu.memref_slice %arg9[%dma_wait3A_178, %dma_wait3A_180, %dma_wait3A_181] : memref<2x128x128xf32, #tpu.memory_space<vmem>> -> memref<1x128x128xf32, #tpu.memory_space<vmem>>
    %dma_wait3A_183 = tpu.memref_squeeze %dma_wait3A_182 : memref<1x128x128xf32, #tpu.memory_space<vmem>> -> memref<128x128xf32, #tpu.memory_space<vmem>>
    %dma_wait3A_184 = arith.constant 0 : i32
    %dma_wait3A_185 = tpu.memref_slice %arg8[%dma_wait3A_179, %dma_wait3A_184] : memref<40x128xi32, #tpu.memory_space<vmem>> -> memref<1x128xi32, #tpu.memory_space<vmem>>
    %dma_wait3A_186 = tpu.memref_squeeze %dma_wait3A_185 : memref<1x128xi32, #tpu.memory_space<vmem>> -> memref<128xi32, #tpu.memory_space<vmem>>
    %dma_wait3A_187 = arith.constant 0 : i32
    %dma_wait3A_188 = arith.constant 0 : i32
    %dma_wait3A_189 = tpu.memref_slice %arg11[%dma_wait3A_187, %dma_wait3A_188] : memref<10240x128xf32, #tpu.memory_space<vmem_shared>> -> memref<10240x128xf32, #tpu.memory_space<vmem_shared>>
    tpu.wait_indirect_dma semaphore(%arg16 : memref<!tpu.dma_semaphore, #tpu.memory_space<semaphore_mem>>) src(%dma_wait3A_183 : memref<128x128xf32, #tpu.memory_space<vmem>>) dst(%dma_wait3A_189 : memref<10240x128xf32, #tpu.memory_space<vmem_shared>>)
    %barrier3A_190 = arith.constant 0 : index
    tpu.barrier barrier_id(%barrier3A_190)
    %mul3A_191 = arith.constant 640 : i32
    %mul3A_192 = arith.muli %arg1, %mul3A_191 : i32
    %mul3A_193 = arith.constant 640 : i32
    %mul3A_194 = arith.muli %arg1, %mul3A_193 : i32
    "tpu.region"() ({
      %run_scoped3A_202 = tpu.sem_alloc : memref<!tpu.dma_semaphore, #tpu.memory_space<semaphore_mem>>
      %dma_start3A_203 = arith.constant 0 : i32
      %dma_start3A_204 = tpu.memref_slice %arg5[%arg0, %mul3A_194, %dma_start3A_203] : memref<2x10240x128xf32, #tpu.memory_space<hbm>> -> memref<1x640x128xf32, #tpu.memory_space<hbm>>
      %dma_start3A_205 = tpu.memref_squeeze %dma_start3A_204 : memref<1x640x128xf32, #tpu.memory_space<hbm>> -> memref<640x128xf32, #tpu.memory_space<hbm>>
      %dma_start3A_206 = arith.constant 0 : i32
      %dma_start3A_207 = tpu.memref_slice %arg11[%mul3A_192, %dma_start3A_206] : memref<10240x128xf32, #tpu.memory_space<vmem_shared>> -> memref<640x128xf32, #tpu.memory_space<vmem_shared>>
      tpu.enqueue_dma source(%dma_start3A_207 : memref<640x128xf32, #tpu.memory_space<vmem_shared>>) target(%dma_start3A_205 : memref<640x128xf32, #tpu.memory_space<hbm>>) target_semaphore(%run_scoped3A_202 : memref<!tpu.dma_semaphore, #tpu.memory_space<semaphore_mem>>)
      %dma_wait3A_208 = arith.constant 0 : i32
      %dma_wait3A_209 = tpu.memref_slice %arg5[%arg0, %mul3A_194, %dma_wait3A_208] : memref<2x10240x128xf32, #tpu.memory_space<hbm>> -> memref<1x640x128xf32, #tpu.memory_space<hbm>>
      %dma_wait3A_210 = tpu.memref_squeeze %dma_wait3A_209 : memref<1x640x128xf32, #tpu.memory_space<hbm>> -> memref<640x128xf32, #tpu.memory_space<hbm>>
      %dma_wait3A_211 = arith.constant 0 : i32
      %dma_wait3A_212 = tpu.memref_slice %arg11[%mul3A_192, %dma_wait3A_211] : memref<10240x128xf32, #tpu.memory_space<vmem_shared>> -> memref<640x128xf32, #tpu.memory_space<vmem_shared>>
      tpu.wait_dma2 semaphore(%run_scoped3A_202 : memref<!tpu.dma_semaphore, #tpu.memory_space<semaphore_mem>>) src(%dma_wait3A_212 : memref<640x128xf32, #tpu.memory_space<vmem_shared>>) dst(%dma_wait3A_210 : memref<640x128xf32, #tpu.memory_space<hbm>>)
      tpu.yield
    }) : () -> ()
    %mul3A_195 = arith.constant 640 : i32
    %mul3A_196 = arith.muli %arg1, %mul3A_195 : i32
    %mul3A_197 = arith.constant 10240 : i32
    %mul3A_198 = arith.muli %arg0, %mul3A_197 : i32
    %mul3A_199 = arith.constant 640 : i32
    %mul3A_200 = arith.muli %arg1, %mul3A_199 : i32
    %add3A_201 = arith.addi %mul3A_198, %mul3A_200 : i32
    "tpu.region"() ({
      %run_scoped3A_202 = tpu.sem_alloc : memref<!tpu.dma_semaphore, #tpu.memory_space<semaphore_mem>>
      %dma_start3A_203 = tpu.memref_slice %arg6[%add3A_201] : memref<20480xf32, #tpu.memory_space<hbm>> -> memref<640xf32, #tpu.memory_space<hbm>>
      %dma_start3A_204 = tpu.memref_slice %arg12[%mul3A_196] : memref<10240xf32, #tpu.memory_space<vmem_shared>> -> memref<640xf32, #tpu.memory_space<vmem_shared>>
      tpu.enqueue_dma source(%dma_start3A_204 : memref<640xf32, #tpu.memory_space<vmem_shared>>) target(%dma_start3A_203 : memref<640xf32, #tpu.memory_space<hbm>>) target_semaphore(%run_scoped3A_202 : memref<!tpu.dma_semaphore, #tpu.memory_space<semaphore_mem>>)
      %dma_wait3A_205 = tpu.memref_slice %arg6[%add3A_201] : memref<20480xf32, #tpu.memory_space<hbm>> -> memref<640xf32, #tpu.memory_space<hbm>>
      %dma_wait3A_206 = tpu.memref_slice %arg12[%mul3A_196] : memref<10240xf32, #tpu.memory_space<vmem_shared>> -> memref<640xf32, #tpu.memory_space<vmem_shared>>
      tpu.wait_dma2 semaphore(%run_scoped3A_202 : memref<!tpu.dma_semaphore, #tpu.memory_space<semaphore_mem>>) src(%dma_wait3A_206 : memref<640xf32, #tpu.memory_space<vmem_shared>>) dst(%dma_wait3A_205 : memref<640xf32, #tpu.memory_space<hbm>>)
      tpu.yield
    }) : () -> ()
    return
  }
}

#map = affine_map<(d0, d1) -> (0, 0)>
#map1 = affine_map<(d0, d1) -> (0, 0, 0)>
module attributes {stable_mosaic.version = 14 : i64} {
  func.func @body(%arg0: i32, %arg1: i32, %arg2: memref<10000x128xf32, #tpu.memory_space<hbm>>, %arg3: memref<2560x128xi32, #tpu.memory_space<hbm>>, %arg4: memref<2560x128xi32, #tpu.memory_space<hbm>>, %arg5: memref<2x10240x128xf32, #tpu.memory_space<hbm>>, %arg6: memref<40x128xi32, #tpu.memory_space<vmem>>, %arg7: memref<40x128xi32, #tpu.memory_space<vmem>>, %arg8: memref<2x128x128xf32, #tpu.memory_space<vmem>>, %arg9: memref<640xf32, #tpu.memory_space<vmem>>, %arg10: memref<10240x128xf32, #tpu.memory_space<vmem_shared>>, %arg11: memref<10240xf32, #tpu.memory_space<vmem_shared>>, %arg12: memref<!tpu.dma_semaphore, #tpu.memory_space<semaphore_mem>>, %arg13: memref<!tpu.dma_semaphore, #tpu.memory_space<semaphore_mem>>, %arg14: memref<!tpu.dma_semaphore, #tpu.memory_space<semaphore_mem>>, %arg15: memref<!tpu.dma_semaphore, #tpu.memory_space<semaphore_mem>>) attributes {dimension_semantics = [#tpu.dimension_semantics<core_parallel>, #tpu.dimension_semantics<subcore_parallel>], iteration_bounds = array<i64: 2, 16>, scalar_prefetch = 0 : i64, scratch_operands = 10 : i64, tpu.core_type = #tpu.core_type<sc_vector_subcore>, window_params = [{transform_indices = #map}, {transform_indices = #map}, {transform_indices = #map}, {transform_indices = #map1}]} {
    %mul3A = arith.constant 16 : i32
    %mul3A_0 = arith.muli %arg0, %mul3A : i32
    %add3A = arith.addi %mul3A_0, %arg1 : i32
    %broadcast_in_dim3A = arith.constant 0.000000e+00 : f32
    %broadcast_in_dim3A_1 = vector.broadcast %broadcast_in_dim3A : f32 to vector<16xf32>
    %scan3A = arith.constant 0 : i32
    %scan3A_2 = arith.constant 128 : i32
    %scan3A_3 = arith.addi %scan3A, %scan3A_2 : i32
    %scan3A_4 = arith.constant 1 : i32
    scf.for %scan3A_162 = %scan3A to %scan3A_3 step %scan3A_4  : i32 {
      %mul3A_163 = arith.constant 1 : i32
      %mul3A_164 = arith.muli %scan3A_162, %mul3A_163 : i32
      %add3A_165 = arith.constant 0 : i32
      %add3A_166 = arith.addi %add3A_165, %mul3A_164 : i32
      %swap3A = arith.constant 0 : i32
      %swap3A_167 = arith.index_cast %swap3A : i32 to index
      %swap3A_168 = arith.index_cast %add3A_166 : i32 to index
      %swap3A_169 = arith.constant 0 : index
      %swap3A_170 = tpu.vector_load %arg8[%swap3A_167, %swap3A_168, %swap3A_169] {strides = array<i32>} : memref<2x128x128xf32, #tpu.memory_space<vmem>>, vector<1x1x16xf32>,
      %swap3A_171 = vector.shape_cast %swap3A_170 : vector<1x1x16xf32> to vector<16xf32>
      %swap3A_172 = vector.shape_cast %broadcast_in_dim3A_1 : vector<16xf32> to vector<1x1x16xf32>
      tpu.vector_store %arg8[%swap3A_167, %swap3A_168, %swap3A_169], %swap3A_172 {strides = array<i32>} : memref<2x128x128xf32, #tpu.memory_space<vmem>>, vector<1x1x16xf32>,
      %swap3A_173 = arith.constant 0 : i32
      %swap3A_174 = arith.index_cast %swap3A_173 : i32 to index
      %swap3A_175 = arith.index_cast %add3A_166 : i32 to index
      %swap3A_176 = arith.constant 16 : index
      %swap3A_177 = tpu.vector_load %arg8[%swap3A_174, %swap3A_175, %swap3A_176] {strides = array<i32>} : memref<2x128x128xf32, #tpu.memory_space<vmem>>, vector<1x1x16xf32>,
      %swap3A_178 = vector.shape_cast %swap3A_177 : vector<1x1x16xf32> to vector<16xf32>
      %swap3A_179 = vector.shape_cast %broadcast_in_dim3A_1 : vector<16xf32> to vector<1x1x16xf32>
      tpu.vector_store %arg8[%swap3A_174, %swap3A_175, %swap3A_176], %swap3A_179 {strides = array<i32>} : memref<2x128x128xf32, #tpu.memory_space<vmem>>, vector<1x1x16xf32>,
      %swap3A_180 = arith.constant 0 : i32
      %swap3A_181 = arith.index_cast %swap3A_180 : i32 to index
      %swap3A_182 = arith.index_cast %add3A_166 : i32 to index
      %swap3A_183 = arith.constant 32 : index
      %swap3A_184 = tpu.vector_load %arg8[%swap3A_181, %swap3A_182, %swap3A_183] {strides = array<i32>} : memref<2x128x128xf32, #tpu.memory_space<vmem>>, vector<1x1x16xf32>,
      %swap3A_185 = vector.shape_cast %swap3A_184 : vector<1x1x16xf32> to vector<16xf32>
      %swap3A_186 = vector.shape_cast %broadcast_in_dim3A_1 : vector<16xf32> to vector<1x1x16xf32>
      tpu.vector_store %arg8[%swap3A_181, %swap3A_182, %swap3A_183], %swap3A_186 {strides = array<i32>} : memref<2x128x128xf32, #tpu.memory_space<vmem>>, vector<1x1x16xf32>,
      %swap3A_187 = arith.constant 0 : i32
      %swap3A_188 = arith.index_cast %swap3A_187 : i32 to index
      %swap3A_189 = arith.index_cast %add3A_166 : i32 to index
      %swap3A_190 = arith.constant 48 : index
      %swap3A_191 = tpu.vector_load %arg8[%swap3A_188, %swap3A_189, %swap3A_190] {strides = array<i32>} : memref<2x128x128xf32, #tpu.memory_space<vmem>>, vector<1x1x16xf32>,
      %swap3A_192 = vector.shape_cast %swap3A_191 : vector<1x1x16xf32> to vector<16xf32>
      %swap3A_193 = vector.shape_cast %broadcast_in_dim3A_1 : vector<16xf32> to vector<1x1x16xf32>
      tpu.vector_store %arg8[%swap3A_188, %swap3A_189, %swap3A_190], %swap3A_193 {strides = array<i32>} : memref<2x128x128xf32, #tpu.memory_space<vmem>>, vector<1x1x16xf32>,
      %swap3A_194 = arith.constant 0 : i32
      %swap3A_195 = arith.index_cast %swap3A_194 : i32 to index
      %swap3A_196 = arith.index_cast %add3A_166 : i32 to index
      %swap3A_197 = arith.constant 64 : index
      %swap3A_198 = tpu.vector_load %arg8[%swap3A_195, %swap3A_196, %swap3A_197] {strides = array<i32>} : memref<2x128x128xf32, #tpu.memory_space<vmem>>, vector<1x1x16xf32>,
      %swap3A_199 = vector.shape_cast %swap3A_198 : vector<1x1x16xf32> to vector<16xf32>
      %swap3A_200 = vector.shape_cast %broadcast_in_dim3A_1 : vector<16xf32> to vector<1x1x16xf32>
      tpu.vector_store %arg8[%swap3A_195, %swap3A_196, %swap3A_197], %swap3A_200 {strides = array<i32>} : memref<2x128x128xf32, #tpu.memory_space<vmem>>, vector<1x1x16xf32>,
      %swap3A_201 = arith.constant 0 : i32
      %swap3A_202 = arith.index_cast %swap3A_201 : i32 to index
      %swap3A_203 = arith.index_cast %add3A_166 : i32 to index
      %swap3A_204 = arith.constant 80 : index
      %swap3A_205 = tpu.vector_load %arg8[%swap3A_202, %swap3A_203, %swap3A_204] {strides = array<i32>} : memref<2x128x128xf32, #tpu.memory_space<vmem>>, vector<1x1x16xf32>,
      %swap3A_206 = vector.shape_cast %swap3A_205 : vector<1x1x16xf32> to vector<16xf32>
      %swap3A_207 = vector.shape_cast %broadcast_in_dim3A_1 : vector<16xf32> to vector<1x1x16xf32>
      tpu.vector_store %arg8[%swap3A_202, %swap3A_203, %swap3A_204], %swap3A_207 {strides = array<i32>} : memref<2x128x128xf32, #tpu.memory_space<vmem>>, vector<1x1x16xf32>,
      %swap3A_208 = arith.constant 0 : i32
      %swap3A_209 = arith.index_cast %swap3A_208 : i32 to index
      %swap3A_210 = arith.index_cast %add3A_166 : i32 to index
      %swap3A_211 = arith.constant 96 : index
      %swap3A_212 = tpu.vector_load %arg8[%swap3A_209, %swap3A_210, %swap3A_211] {strides = array<i32>} : memref<2x128x128xf32, #tpu.memory_space<vmem>>, vector<1x1x16xf32>,
      %swap3A_213 = vector.shape_cast %swap3A_212 : vector<1x1x16xf32> to vector<16xf32>
      %swap3A_214 = vector.shape_cast %broadcast_in_dim3A_1 : vector<16xf32> to vector<1x1x16xf32>
      tpu.vector_store %arg8[%swap3A_209, %swap3A_210, %swap3A_211], %swap3A_214 {strides = array<i32>} : memref<2x128x128xf32, #tpu.memory_space<vmem>>, vector<1x1x16xf32>,
      %swap3A_215 = arith.constant 0 : i32
      %swap3A_216 = arith.index_cast %swap3A_215 : i32 to index
      %swap3A_217 = arith.index_cast %add3A_166 : i32 to index
      %swap3A_218 = arith.constant 112 : index
      %swap3A_219 = tpu.vector_load %arg8[%swap3A_216, %swap3A_217, %swap3A_218] {strides = array<i32>} : memref<2x128x128xf32, #tpu.memory_space<vmem>>, vector<1x1x16xf32>,
      %swap3A_220 = vector.shape_cast %swap3A_219 : vector<1x1x16xf32> to vector<16xf32>
      %swap3A_221 = vector.shape_cast %broadcast_in_dim3A_1 : vector<16xf32> to vector<1x1x16xf32>
      tpu.vector_store %arg8[%swap3A_216, %swap3A_217, %swap3A_218], %swap3A_221 {strides = array<i32>} : memref<2x128x128xf32, #tpu.memory_space<vmem>>, vector<1x1x16xf32>,
    }
    %scan3A_5 = arith.constant 128 : i32
    %mul3A_6 = arith.constant 640 : i32
    %mul3A_7 = arith.muli %arg1, %mul3A_6 : i32
    %add3A_8 = arith.constant 0 : i32
    %add3A_9 = arith.addi %mul3A_7, %add3A_8 : i32
    %run_scoped3A = arith.constant 0 : i32
    "tpu.region"() ({
      %run_scoped3A_162 = tpu.sem_alloc : memref<!tpu.dma_semaphore, #tpu.memory_space<semaphore_mem>>
      %dma_start3A_163 = arith.constant 0 : i32
      %dma_start3A_164 = arith.constant 0 : i32
      %dma_start3A_165 = tpu.memref_slice %arg8[%run_scoped3A, %dma_start3A_163, %dma_start3A_164] : memref<2x128x128xf32, #tpu.memory_space<vmem>> -> memref<1x128x128xf32, #tpu.memory_space<vmem>>
      %dma_start3A_166 = tpu.memref_squeeze %dma_start3A_165 : memref<1x128x128xf32, #tpu.memory_space<vmem>> -> memref<128x128xf32, #tpu.memory_space<vmem>>
      %dma_start3A_167 = arith.constant 0 : i32
      %dma_start3A_168 = tpu.memref_slice %arg10[%add3A_9, %dma_start3A_167] : memref<10240x128xf32, #tpu.memory_space<vmem_shared>> -> memref<128x128xf32, #tpu.memory_space<vmem_shared>>
      %dma_start3A_169 = arith.constant 0 : i32
      %dma_start3A_170 = tpu.memref_slice %arg10[%add3A_9, %dma_start3A_169] : memref<10240x128xf32, #tpu.memory_space<vmem_shared>> -> memref<128x128xf32, #tpu.memory_space<vmem_shared>>
      %dma_start3A_171 = arith.constant 0 : i32
      %dma_start3A_172 = arith.constant 0 : i32
      %dma_start3A_173 = tpu.memref_slice %arg8[%run_scoped3A, %dma_start3A_171, %dma_start3A_172] : memref<2x128x128xf32, #tpu.memory_space<vmem>> -> memref<1x128x128xf32, #tpu.memory_space<vmem>>
      %dma_start3A_174 = tpu.memref_squeeze %dma_start3A_173 : memref<1x128x128xf32, #tpu.memory_space<vmem>> -> memref<128x128xf32, #tpu.memory_space<vmem>>
      tpu.enqueue_dma source(%dma_start3A_174 : memref<128x128xf32, #tpu.memory_space<vmem>>) target(%dma_start3A_170 : memref<128x128xf32, #tpu.memory_space<vmem_shared>>) target_semaphore(%run_scoped3A_162 : memref<!tpu.dma_semaphore, #tpu.memory_space<semaphore_mem>>)
      %dma_wait3A_175 = arith.constant 0 : i32
      %dma_wait3A_176 = arith.constant 0 : i32
      %dma_wait3A_177 = tpu.memref_slice %arg8[%run_scoped3A, %dma_wait3A_175, %dma_wait3A_176] : memref<2x128x128xf32, #tpu.memory_space<vmem>> -> memref<1x128x128xf32, #tpu.memory_space<vmem>>
      %dma_wait3A_178 = tpu.memref_squeeze %dma_wait3A_177 : memref<1x128x128xf32, #tpu.memory_space<vmem>> -> memref<128x128xf32, #tpu.memory_space<vmem>>
      %dma_wait3A_179 = arith.constant 0 : i32
      %dma_wait3A_180 = tpu.memref_slice %arg10[%add3A_9, %dma_wait3A_179] : memref<10240x128xf32, #tpu.memory_space<vmem_shared>> -> memref<128x128xf32, #tpu.memory_space<vmem_shared>>
      %dma_wait3A_181 = arith.constant 0 : i32
      %dma_wait3A_182 = tpu.memref_slice %arg10[%add3A_9, %dma_wait3A_181] : memref<10240x128xf32, #tpu.memory_space<vmem_shared>> -> memref<128x128xf32, #tpu.memory_space<vmem_shared>>
      %dma_wait3A_183 = arith.constant 0 : i32
      %dma_wait3A_184 = arith.constant 0 : i32
      %dma_wait3A_185 = tpu.memref_slice %arg8[%run_scoped3A, %dma_wait3A_183, %dma_wait3A_184] : memref<2x128x128xf32, #tpu.memory_space<vmem>> -> memref<1x128x128xf32, #tpu.memory_space<vmem>>
      %dma_wait3A_186 = tpu.memref_squeeze %dma_wait3A_185 : memref<1x128x128xf32, #tpu.memory_space<vmem>> -> memref<128x128xf32, #tpu.memory_space<vmem>>
      tpu.wait_dma2 semaphore(%run_scoped3A_162 : memref<!tpu.dma_semaphore, #tpu.memory_space<semaphore_mem>>) src(%dma_wait3A_186 : memref<128x128xf32, #tpu.memory_space<vmem>>) dst(%dma_wait3A_182 : memref<128x128xf32, #tpu.memory_space<vmem_shared>>)
      tpu.yield
    }) : () -> ()
    %mul3A_10 = arith.constant 640 : i32
    %mul3A_11 = arith.muli %arg1, %mul3A_10 : i32
    %add3A_12 = arith.constant 128 : i32
    %add3A_13 = arith.addi %mul3A_11, %add3A_12 : i32
    %run_scoped3A_14 = arith.constant 0 : i32
    "tpu.region"() ({
      %run_scoped3A_162 = tpu.sem_alloc : memref<!tpu.dma_semaphore, #tpu.memory_space<semaphore_mem>>
      %dma_start3A_163 = arith.constant 0 : i32
      %dma_start3A_164 = arith.constant 0 : i32
      %dma_start3A_165 = tpu.memref_slice %arg8[%run_scoped3A_14, %dma_start3A_163, %dma_start3A_164] : memref<2x128x128xf32, #tpu.memory_space<vmem>> -> memref<1x128x128xf32, #tpu.memory_space<vmem>>
      %dma_start3A_166 = tpu.memref_squeeze %dma_start3A_165 : memref<1x128x128xf32, #tpu.memory_space<vmem>> -> memref<128x128xf32, #tpu.memory_space<vmem>>
      %dma_start3A_167 = arith.constant 0 : i32
      %dma_start3A_168 = tpu.memref_slice %arg10[%add3A_13, %dma_start3A_167] : memref<10240x128xf32, #tpu.memory_space<vmem_shared>> -> memref<128x128xf32, #tpu.memory_space<vmem_shared>>
      %dma_start3A_169 = arith.constant 0 : i32
      %dma_start3A_170 = tpu.memref_slice %arg10[%add3A_13, %dma_start3A_169] : memref<10240x128xf32, #tpu.memory_space<vmem_shared>> -> memref<128x128xf32, #tpu.memory_space<vmem_shared>>
      %dma_start3A_171 = arith.constant 0 : i32
      %dma_start3A_172 = arith.constant 0 : i32
      %dma_start3A_173 = tpu.memref_slice %arg8[%run_scoped3A_14, %dma_start3A_171, %dma_start3A_172] : memref<2x128x128xf32, #tpu.memory_space<vmem>> -> memref<1x128x128xf32, #tpu.memory_space<vmem>>
      %dma_start3A_174 = tpu.memref_squeeze %dma_start3A_173 : memref<1x128x128xf32, #tpu.memory_space<vmem>> -> memref<128x128xf32, #tpu.memory_space<vmem>>
      tpu.enqueue_dma source(%dma_start3A_174 : memref<128x128xf32, #tpu.memory_space<vmem>>) target(%dma_start3A_170 : memref<128x128xf32, #tpu.memory_space<vmem_shared>>) target_semaphore(%run_scoped3A_162 : memref<!tpu.dma_semaphore, #tpu.memory_space<semaphore_mem>>)
      %dma_wait3A_175 = arith.constant 0 : i32
      %dma_wait3A_176 = arith.constant 0 : i32
      %dma_wait3A_177 = tpu.memref_slice %arg8[%run_scoped3A_14, %dma_wait3A_175, %dma_wait3A_176] : memref<2x128x128xf32, #tpu.memory_space<vmem>> -> memref<1x128x128xf32, #tpu.memory_space<vmem>>
      %dma_wait3A_178 = tpu.memref_squeeze %dma_wait3A_177 : memref<1x128x128xf32, #tpu.memory_space<vmem>> -> memref<128x128xf32, #tpu.memory_space<vmem>>
      %dma_wait3A_179 = arith.constant 0 : i32
      %dma_wait3A_180 = tpu.memref_slice %arg10[%add3A_13, %dma_wait3A_179] : memref<10240x128xf32, #tpu.memory_space<vmem_shared>> -> memref<128x128xf32, #tpu.memory_space<vmem_shared>>
      %dma_wait3A_181 = arith.constant 0 : i32
      %dma_wait3A_182 = tpu.memref_slice %arg10[%add3A_13, %dma_wait3A_181] : memref<10240x128xf32, #tpu.memory_space<vmem_shared>> -> memref<128x128xf32, #tpu.memory_space<vmem_shared>>
      %dma_wait3A_183 = arith.constant 0 : i32
      %dma_wait3A_184 = arith.constant 0 : i32
      %dma_wait3A_185 = tpu.memref_slice %arg8[%run_scoped3A_14, %dma_wait3A_183, %dma_wait3A_184] : memref<2x128x128xf32, #tpu.memory_space<vmem>> -> memref<1x128x128xf32, #tpu.memory_space<vmem>>
      %dma_wait3A_186 = tpu.memref_squeeze %dma_wait3A_185 : memref<1x128x128xf32, #tpu.memory_space<vmem>> -> memref<128x128xf32, #tpu.memory_space<vmem>>
      tpu.wait_dma2 semaphore(%run_scoped3A_162 : memref<!tpu.dma_semaphore, #tpu.memory_space<semaphore_mem>>) src(%dma_wait3A_186 : memref<128x128xf32, #tpu.memory_space<vmem>>) dst(%dma_wait3A_182 : memref<128x128xf32, #tpu.memory_space<vmem_shared>>)
      tpu.yield
    }) : () -> ()
    %mul3A_15 = arith.constant 640 : i32
    %mul3A_16 = arith.muli %arg1, %mul3A_15 : i32
    %add3A_17 = arith.constant 256 : i32
    %add3A_18 = arith.addi %mul3A_16, %add3A_17 : i32
    %run_scoped3A_19 = arith.constant 0 : i32
    "tpu.region"() ({
      %run_scoped3A_162 = tpu.sem_alloc : memref<!tpu.dma_semaphore, #tpu.memory_space<semaphore_mem>>
      %dma_start3A_163 = arith.constant 0 : i32
      %dma_start3A_164 = arith.constant 0 : i32
      %dma_start3A_165 = tpu.memref_slice %arg8[%run_scoped3A_19, %dma_start3A_163, %dma_start3A_164] : memref<2x128x128xf32, #tpu.memory_space<vmem>> -> memref<1x128x128xf32, #tpu.memory_space<vmem>>
      %dma_start3A_166 = tpu.memref_squeeze %dma_start3A_165 : memref<1x128x128xf32, #tpu.memory_space<vmem>> -> memref<128x128xf32, #tpu.memory_space<vmem>>
      %dma_start3A_167 = arith.constant 0 : i32
      %dma_start3A_168 = tpu.memref_slice %arg10[%add3A_18, %dma_start3A_167] : memref<10240x128xf32, #tpu.memory_space<vmem_shared>> -> memref<128x128xf32, #tpu.memory_space<vmem_shared>>
      %dma_start3A_169 = arith.constant 0 : i32
      %dma_start3A_170 = tpu.memref_slice %arg10[%add3A_18, %dma_start3A_169] : memref<10240x128xf32, #tpu.memory_space<vmem_shared>> -> memref<128x128xf32, #tpu.memory_space<vmem_shared>>
      %dma_start3A_171 = arith.constant 0 : i32
      %dma_start3A_172 = arith.constant 0 : i32
      %dma_start3A_173 = tpu.memref_slice %arg8[%run_scoped3A_19, %dma_start3A_171, %dma_start3A_172] : memref<2x128x128xf32, #tpu.memory_space<vmem>> -> memref<1x128x128xf32, #tpu.memory_space<vmem>>
      %dma_start3A_174 = tpu.memref_squeeze %dma_start3A_173 : memref<1x128x128xf32, #tpu.memory_space<vmem>> -> memref<128x128xf32, #tpu.memory_space<vmem>>
      tpu.enqueue_dma source(%dma_start3A_174 : memref<128x128xf32, #tpu.memory_space<vmem>>) target(%dma_start3A_170 : memref<128x128xf32, #tpu.memory_space<vmem_shared>>) target_semaphore(%run_scoped3A_162 : memref<!tpu.dma_semaphore, #tpu.memory_space<semaphore_mem>>)
      %dma_wait3A_175 = arith.constant 0 : i32
      %dma_wait3A_176 = arith.constant 0 : i32
      %dma_wait3A_177 = tpu.memref_slice %arg8[%run_scoped3A_19, %dma_wait3A_175, %dma_wait3A_176] : memref<2x128x128xf32, #tpu.memory_space<vmem>> -> memref<1x128x128xf32, #tpu.memory_space<vmem>>
      %dma_wait3A_178 = tpu.memref_squeeze %dma_wait3A_177 : memref<1x128x128xf32, #tpu.memory_space<vmem>> -> memref<128x128xf32, #tpu.memory_space<vmem>>
      %dma_wait3A_179 = arith.constant 0 : i32
      %dma_wait3A_180 = tpu.memref_slice %arg10[%add3A_18, %dma_wait3A_179] : memref<10240x128xf32, #tpu.memory_space<vmem_shared>> -> memref<128x128xf32, #tpu.memory_space<vmem_shared>>
      %dma_wait3A_181 = arith.constant 0 : i32
      %dma_wait3A_182 = tpu.memref_slice %arg10[%add3A_18, %dma_wait3A_181] : memref<10240x128xf32, #tpu.memory_space<vmem_shared>> -> memref<128x128xf32, #tpu.memory_space<vmem_shared>>
      %dma_wait3A_183 = arith.constant 0 : i32
      %dma_wait3A_184 = arith.constant 0 : i32
      %dma_wait3A_185 = tpu.memref_slice %arg8[%run_scoped3A_19, %dma_wait3A_183, %dma_wait3A_184] : memref<2x128x128xf32, #tpu.memory_space<vmem>> -> memref<1x128x128xf32, #tpu.memory_space<vmem>>
      %dma_wait3A_186 = tpu.memref_squeeze %dma_wait3A_185 : memref<1x128x128xf32, #tpu.memory_space<vmem>> -> memref<128x128xf32, #tpu.memory_space<vmem>>
      tpu.wait_dma2 semaphore(%run_scoped3A_162 : memref<!tpu.dma_semaphore, #tpu.memory_space<semaphore_mem>>) src(%dma_wait3A_186 : memref<128x128xf32, #tpu.memory_space<vmem>>) dst(%dma_wait3A_182 : memref<128x128xf32, #tpu.memory_space<vmem_shared>>)
      tpu.yield
    }) : () -> ()
    %mul3A_20 = arith.constant 640 : i32
    %mul3A_21 = arith.muli %arg1, %mul3A_20 : i32
    %add3A_22 = arith.constant 384 : i32
    %add3A_23 = arith.addi %mul3A_21, %add3A_22 : i32
    %run_scoped3A_24 = arith.constant 0 : i32
    "tpu.region"() ({
      %run_scoped3A_162 = tpu.sem_alloc : memref<!tpu.dma_semaphore, #tpu.memory_space<semaphore_mem>>
      %dma_start3A_163 = arith.constant 0 : i32
      %dma_start3A_164 = arith.constant 0 : i32
      %dma_start3A_165 = tpu.memref_slice %arg8[%run_scoped3A_24, %dma_start3A_163, %dma_start3A_164] : memref<2x128x128xf32, #tpu.memory_space<vmem>> -> memref<1x128x128xf32, #tpu.memory_space<vmem>>
      %dma_start3A_166 = tpu.memref_squeeze %dma_start3A_165 : memref<1x128x128xf32, #tpu.memory_space<vmem>> -> memref<128x128xf32, #tpu.memory_space<vmem>>
      %dma_start3A_167 = arith.constant 0 : i32
      %dma_start3A_168 = tpu.memref_slice %arg10[%add3A_23, %dma_start3A_167] : memref<10240x128xf32, #tpu.memory_space<vmem_shared>> -> memref<128x128xf32, #tpu.memory_space<vmem_shared>>
      %dma_start3A_169 = arith.constant 0 : i32
      %dma_start3A_170 = tpu.memref_slice %arg10[%add3A_23, %dma_start3A_169] : memref<10240x128xf32, #tpu.memory_space<vmem_shared>> -> memref<128x128xf32, #tpu.memory_space<vmem_shared>>
      %dma_start3A_171 = arith.constant 0 : i32
      %dma_start3A_172 = arith.constant 0 : i32
      %dma_start3A_173 = tpu.memref_slice %arg8[%run_scoped3A_24, %dma_start3A_171, %dma_start3A_172] : memref<2x128x128xf32, #tpu.memory_space<vmem>> -> memref<1x128x128xf32, #tpu.memory_space<vmem>>
      %dma_start3A_174 = tpu.memref_squeeze %dma_start3A_173 : memref<1x128x128xf32, #tpu.memory_space<vmem>> -> memref<128x128xf32, #tpu.memory_space<vmem>>
      tpu.enqueue_dma source(%dma_start3A_174 : memref<128x128xf32, #tpu.memory_space<vmem>>) target(%dma_start3A_170 : memref<128x128xf32, #tpu.memory_space<vmem_shared>>) target_semaphore(%run_scoped3A_162 : memref<!tpu.dma_semaphore, #tpu.memory_space<semaphore_mem>>)
      %dma_wait3A_175 = arith.constant 0 : i32
      %dma_wait3A_176 = arith.constant 0 : i32
      %dma_wait3A_177 = tpu.memref_slice %arg8[%run_scoped3A_24, %dma_wait3A_175, %dma_wait3A_176] : memref<2x128x128xf32, #tpu.memory_space<vmem>> -> memref<1x128x128xf32, #tpu.memory_space<vmem>>
      %dma_wait3A_178 = tpu.memref_squeeze %dma_wait3A_177 : memref<1x128x128xf32, #tpu.memory_space<vmem>> -> memref<128x128xf32, #tpu.memory_space<vmem>>
      %dma_wait3A_179 = arith.constant 0 : i32
      %dma_wait3A_180 = tpu.memref_slice %arg10[%add3A_23, %dma_wait3A_179] : memref<10240x128xf32, #tpu.memory_space<vmem_shared>> -> memref<128x128xf32, #tpu.memory_space<vmem_shared>>
      %dma_wait3A_181 = arith.constant 0 : i32
      %dma_wait3A_182 = tpu.memref_slice %arg10[%add3A_23, %dma_wait3A_181] : memref<10240x128xf32, #tpu.memory_space<vmem_shared>> -> memref<128x128xf32, #tpu.memory_space<vmem_shared>>
      %dma_wait3A_183 = arith.constant 0 : i32
      %dma_wait3A_184 = arith.constant 0 : i32
      %dma_wait3A_185 = tpu.memref_slice %arg8[%run_scoped3A_24, %dma_wait3A_183, %dma_wait3A_184] : memref<2x128x128xf32, #tpu.memory_space<vmem>> -> memref<1x128x128xf32, #tpu.memory_space<vmem>>
      %dma_wait3A_186 = tpu.memref_squeeze %dma_wait3A_185 : memref<1x128x128xf32, #tpu.memory_space<vmem>> -> memref<128x128xf32, #tpu.memory_space<vmem>>
      tpu.wait_dma2 semaphore(%run_scoped3A_162 : memref<!tpu.dma_semaphore, #tpu.memory_space<semaphore_mem>>) src(%dma_wait3A_186 : memref<128x128xf32, #tpu.memory_space<vmem>>) dst(%dma_wait3A_182 : memref<128x128xf32, #tpu.memory_space<vmem_shared>>)
      tpu.yield
    }) : () -> ()
    %mul3A_25 = arith.constant 640 : i32
    %mul3A_26 = arith.muli %arg1, %mul3A_25 : i32
    %add3A_27 = arith.constant 512 : i32
    %add3A_28 = arith.addi %mul3A_26, %add3A_27 : i32
    %run_scoped3A_29 = arith.constant 0 : i32
    "tpu.region"() ({
      %run_scoped3A_162 = tpu.sem_alloc : memref<!tpu.dma_semaphore, #tpu.memory_space<semaphore_mem>>
      %dma_start3A_163 = arith.constant 0 : i32
      %dma_start3A_164 = arith.constant 0 : i32
      %dma_start3A_165 = tpu.memref_slice %arg8[%run_scoped3A_29, %dma_start3A_163, %dma_start3A_164] : memref<2x128x128xf32, #tpu.memory_space<vmem>> -> memref<1x128x128xf32, #tpu.memory_space<vmem>>
      %dma_start3A_166 = tpu.memref_squeeze %dma_start3A_165 : memref<1x128x128xf32, #tpu.memory_space<vmem>> -> memref<128x128xf32, #tpu.memory_space<vmem>>
      %dma_start3A_167 = arith.constant 0 : i32
      %dma_start3A_168 = tpu.memref_slice %arg10[%add3A_28, %dma_start3A_167] : memref<10240x128xf32, #tpu.memory_space<vmem_shared>> -> memref<128x128xf32, #tpu.memory_space<vmem_shared>>
      %dma_start3A_169 = arith.constant 0 : i32
      %dma_start3A_170 = tpu.memref_slice %arg10[%add3A_28, %dma_start3A_169] : memref<10240x128xf32, #tpu.memory_space<vmem_shared>> -> memref<128x128xf32, #tpu.memory_space<vmem_shared>>
      %dma_start3A_171 = arith.constant 0 : i32
      %dma_start3A_172 = arith.constant 0 : i32
      %dma_start3A_173 = tpu.memref_slice %arg8[%run_scoped3A_29, %dma_start3A_171, %dma_start3A_172] : memref<2x128x128xf32, #tpu.memory_space<vmem>> -> memref<1x128x128xf32, #tpu.memory_space<vmem>>
      %dma_start3A_174 = tpu.memref_squeeze %dma_start3A_173 : memref<1x128x128xf32, #tpu.memory_space<vmem>> -> memref<128x128xf32, #tpu.memory_space<vmem>>
      tpu.enqueue_dma source(%dma_start3A_174 : memref<128x128xf32, #tpu.memory_space<vmem>>) target(%dma_start3A_170 : memref<128x128xf32, #tpu.memory_space<vmem_shared>>) target_semaphore(%run_scoped3A_162 : memref<!tpu.dma_semaphore, #tpu.memory_space<semaphore_mem>>)
      %dma_wait3A_175 = arith.constant 0 : i32
      %dma_wait3A_176 = arith.constant 0 : i32
      %dma_wait3A_177 = tpu.memref_slice %arg8[%run_scoped3A_29, %dma_wait3A_175, %dma_wait3A_176] : memref<2x128x128xf32, #tpu.memory_space<vmem>> -> memref<1x128x128xf32, #tpu.memory_space<vmem>>
      %dma_wait3A_178 = tpu.memref_squeeze %dma_wait3A_177 : memref<1x128x128xf32, #tpu.memory_space<vmem>> -> memref<128x128xf32, #tpu.memory_space<vmem>>
      %dma_wait3A_179 = arith.constant 0 : i32
      %dma_wait3A_180 = tpu.memref_slice %arg10[%add3A_28, %dma_wait3A_179] : memref<10240x128xf32, #tpu.memory_space<vmem_shared>> -> memref<128x128xf32, #tpu.memory_space<vmem_shared>>
      %dma_wait3A_181 = arith.constant 0 : i32
      %dma_wait3A_182 = tpu.memref_slice %arg10[%add3A_28, %dma_wait3A_181] : memref<10240x128xf32, #tpu.memory_space<vmem_shared>> -> memref<128x128xf32, #tpu.memory_space<vmem_shared>>
      %dma_wait3A_183 = arith.constant 0 : i32
      %dma_wait3A_184 = arith.constant 0 : i32
      %dma_wait3A_185 = tpu.memref_slice %arg8[%run_scoped3A_29, %dma_wait3A_183, %dma_wait3A_184] : memref<2x128x128xf32, #tpu.memory_space<vmem>> -> memref<1x128x128xf32, #tpu.memory_space<vmem>>
      %dma_wait3A_186 = tpu.memref_squeeze %dma_wait3A_185 : memref<1x128x128xf32, #tpu.memory_space<vmem>> -> memref<128x128xf32, #tpu.memory_space<vmem>>
      tpu.wait_dma2 semaphore(%run_scoped3A_162 : memref<!tpu.dma_semaphore, #tpu.memory_space<semaphore_mem>>) src(%dma_wait3A_186 : memref<128x128xf32, #tpu.memory_space<vmem>>) dst(%dma_wait3A_182 : memref<128x128xf32, #tpu.memory_space<vmem_shared>>)
      tpu.yield
    }) : () -> ()
    %scan3A_30 = arith.constant 0 : i32
    %scan3A_31 = arith.constant 40 : i32
    %scan3A_32 = arith.addi %scan3A_30, %scan3A_31 : i32
    %scan3A_33 = arith.constant 1 : i32
    scf.for %scan3A_162 = %scan3A_30 to %scan3A_32 step %scan3A_33  : i32 {
      %mul3A_163 = arith.constant 1 : i32
      %mul3A_164 = arith.muli %scan3A_162, %mul3A_163 : i32
      %add3A_165 = arith.constant 0 : i32
      %add3A_166 = arith.addi %add3A_165, %mul3A_164 : i32
      %mul3A_167 = arith.constant 16 : i32
      %mul3A_168 = arith.muli %add3A_166, %mul3A_167 : i32
      %swap3A = arith.index_cast %mul3A_168 : i32 to index
      %swap3A_169 = tpu.vector_load %arg9[%swap3A] {strides = array<i32>} : memref<640xf32, #tpu.memory_space<vmem>>, vector<16xf32>,
      %swap3A_170 = vector.shape_cast %swap3A_169 : vector<16xf32> to vector<16xf32>
      %swap3A_171 = vector.shape_cast %broadcast_in_dim3A_1 : vector<16xf32> to vector<16xf32>
      tpu.vector_store %arg9[%swap3A], %swap3A_171 {strides = array<i32>} : memref<640xf32, #tpu.memory_space<vmem>>, vector<16xf32>,
    }
    %scan3A_34 = arith.constant 40 : i32
    %mul3A_35 = arith.constant 640 : i32
    %mul3A_36 = arith.muli %arg1, %mul3A_35 : i32
    "tpu.region"() ({
      %run_scoped3A_162 = tpu.sem_alloc : memref<!tpu.dma_semaphore, #tpu.memory_space<semaphore_mem>>
      %dma_start3A_163 = tpu.memref_slice %arg11[%mul3A_36] : memref<10240xf32, #tpu.memory_space<vmem_shared>> -> memref<640xf32, #tpu.memory_space<vmem_shared>>
      %dma_start3A_164 = tpu.memref_slice %arg11[%mul3A_36] : memref<10240xf32, #tpu.memory_space<vmem_shared>> -> memref<640xf32, #tpu.memory_space<vmem_shared>>
      tpu.enqueue_dma source(%arg9 : memref<640xf32, #tpu.memory_space<vmem>>) target(%dma_start3A_164 : memref<640xf32, #tpu.memory_space<vmem_shared>>) target_semaphore(%run_scoped3A_162 : memref<!tpu.dma_semaphore, #tpu.memory_space<semaphore_mem>>)
      %dma_wait3A_165 = tpu.memref_slice %arg11[%mul3A_36] : memref<10240xf32, #tpu.memory_space<vmem_shared>> -> memref<640xf32, #tpu.memory_space<vmem_shared>>
      %dma_wait3A_166 = tpu.memref_slice %arg11[%mul3A_36] : memref<10240xf32, #tpu.memory_space<vmem_shared>> -> memref<640xf32, #tpu.memory_space<vmem_shared>>
      tpu.wait_dma2 semaphore(%run_scoped3A_162 : memref<!tpu.dma_semaphore, #tpu.memory_space<semaphore_mem>>) src(%arg9 : memref<640xf32, #tpu.memory_space<vmem>>) dst(%dma_wait3A_166 : memref<640xf32, #tpu.memory_space<vmem_shared>>)
      tpu.yield
    }) : () -> ()
    %barrier3A = arith.constant 0 : index
    tpu.barrier barrier_id(%barrier3A)
    %mul3A_37 = arith.constant 80 : i32
    %mul3A_38 = arith.muli %add3A, %mul3A_37 : i32
    %add3A_39 = arith.constant 0 : i32
    %add3A_40 = arith.addi %mul3A_38, %add3A_39 : i32
    "tpu.region"() ({
      %run_scoped3A_162 = tpu.sem_alloc : memref<!tpu.dma_semaphore, #tpu.memory_space<semaphore_mem>>
      %dma_start3A_163 = arith.constant 0 : i32
      %dma_start3A_164 = tpu.memref_slice %arg3[%add3A_40, %dma_start3A_163] : memref<2560x128xi32, #tpu.memory_space<hbm>> -> memref<40x128xi32, #tpu.memory_space<hbm>>
      %dma_start3A_165 = arith.constant 0 : i32
      %dma_start3A_166 = tpu.memref_slice %arg3[%add3A_40, %dma_start3A_165] : memref<2560x128xi32, #tpu.memory_space<hbm>> -> memref<40x128xi32, #tpu.memory_space<hbm>>
      tpu.enqueue_dma source(%dma_start3A_166 : memref<40x128xi32, #tpu.memory_space<hbm>>) target(%arg6 : memref<40x128xi32, #tpu.memory_space<vmem>>) target_semaphore(%run_scoped3A_162 : memref<!tpu.dma_semaphore, #tpu.memory_space<semaphore_mem>>)
      %dma_wait3A_167 = arith.constant 0 : i32
      %dma_wait3A_168 = tpu.memref_slice %arg3[%add3A_40, %dma_wait3A_167] : memref<2560x128xi32, #tpu.memory_space<hbm>> -> memref<40x128xi32, #tpu.memory_space<hbm>>
      %dma_wait3A_169 = arith.constant 0 : i32
      %dma_wait3A_170 = tpu.memref_slice %arg3[%add3A_40, %dma_wait3A_169] : memref<2560x128xi32, #tpu.memory_space<hbm>> -> memref<40x128xi32, #tpu.memory_space<hbm>>
      tpu.wait_dma2 semaphore(%run_scoped3A_162 : memref<!tpu.dma_semaphore, #tpu.memory_space<semaphore_mem>>) src(%dma_wait3A_170 : memref<40x128xi32, #tpu.memory_space<hbm>>) dst(%arg6 : memref<40x128xi32, #tpu.memory_space<vmem>>)
      tpu.yield
    }) : () -> ()
    %mul3A_41 = arith.constant 80 : i32
    %mul3A_42 = arith.muli %add3A, %mul3A_41 : i32
    %add3A_43 = arith.constant 0 : i32
    %add3A_44 = arith.addi %mul3A_42, %add3A_43 : i32
    "tpu.region"() ({
      %run_scoped3A_162 = tpu.sem_alloc : memref<!tpu.dma_semaphore, #tpu.memory_space<semaphore_mem>>
      %dma_start3A_163 = arith.constant 0 : i32
      %dma_start3A_164 = tpu.memref_slice %arg4[%add3A_44, %dma_start3A_163] : memref<2560x128xi32, #tpu.memory_space<hbm>> -> memref<40x128xi32, #tpu.memory_space<hbm>>
      %dma_start3A_165 = arith.constant 0 : i32
      %dma_start3A_166 = tpu.memref_slice %arg4[%add3A_44, %dma_start3A_165] : memref<2560x128xi32, #tpu.memory_space<hbm>> -> memref<40x128xi32, #tpu.memory_space<hbm>>
      tpu.enqueue_dma source(%dma_start3A_166 : memref<40x128xi32, #tpu.memory_space<hbm>>) target(%arg7 : memref<40x128xi32, #tpu.memory_space<vmem>>) target_semaphore(%run_scoped3A_162 : memref<!tpu.dma_semaphore, #tpu.memory_space<semaphore_mem>>)
      %dma_wait3A_167 = arith.constant 0 : i32
      %dma_wait3A_168 = tpu.memref_slice %arg4[%add3A_44, %dma_wait3A_167] : memref<2560x128xi32, #tpu.memory_space<hbm>> -> memref<40x128xi32, #tpu.memory_space<hbm>>
      %dma_wait3A_169 = arith.constant 0 : i32
      %dma_wait3A_170 = tpu.memref_slice %arg4[%add3A_44, %dma_wait3A_169] : memref<2560x128xi32, #tpu.memory_space<hbm>> -> memref<40x128xi32, #tpu.memory_space<hbm>>
      tpu.wait_dma2 semaphore(%run_scoped3A_162 : memref<!tpu.dma_semaphore, #tpu.memory_space<semaphore_mem>>) src(%dma_wait3A_170 : memref<40x128xi32, #tpu.memory_space<hbm>>) dst(%arg7 : memref<40x128xi32, #tpu.memory_space<vmem>>)
      tpu.yield
    }) : () -> ()
    %dma_start3A = arith.constant 0 : i32
    %dma_start3A_45 = arith.constant 0 : i32
    %dma_start3A_46 = arith.constant 0 : i32
    %dma_start3A_47 = arith.constant 0 : i32
    %dma_start3A_48 = tpu.memref_slice %arg8[%dma_start3A_45, %dma_start3A_46, %dma_start3A_47] : memref<2x128x128xf32, #tpu.memory_space<vmem>> -> memref<1x128x128xf32, #tpu.memory_space<vmem>>
    %dma_start3A_49 = tpu.memref_squeeze %dma_start3A_48 : memref<1x128x128xf32, #tpu.memory_space<vmem>> -> memref<128x128xf32, #tpu.memory_space<vmem>>
    %dma_start3A_50 = arith.constant 0 : i32
    %dma_start3A_51 = tpu.memref_slice %arg6[%dma_start3A, %dma_start3A_50] : memref<40x128xi32, #tpu.memory_space<vmem>> -> memref<1x128xi32, #tpu.memory_space<vmem>>
    %dma_start3A_52 = tpu.memref_squeeze %dma_start3A_51 : memref<1x128xi32, #tpu.memory_space<vmem>> -> memref<128xi32, #tpu.memory_space<vmem>>
    %dma_start3A_53 = arith.constant 0 : i32
    %dma_start3A_54 = arith.constant 0 : i32
    %dma_start3A_55 = tpu.memref_slice %arg2[%dma_start3A_53, %dma_start3A_54] : memref<10000x128xf32, #tpu.memory_space<hbm>> -> memref<10000x128xf32, #tpu.memory_space<hbm>>
    tpu.enqueue_indirect_dma source(%dma_start3A_55 : memref<10000x128xf32, #tpu.memory_space<hbm>>) target(%dma_start3A_49 : memref<128x128xf32, #tpu.memory_space<vmem>>) offsets(%dma_start3A_52 : memref<128xi32, #tpu.memory_space<vmem>>) semaphore(%arg12 : memref<!tpu.dma_semaphore, #tpu.memory_space<semaphore_mem>>)
    %dma_start3A_56 = arith.constant 1 : i32
    %dma_start3A_57 = arith.constant 1 : i32
    %dma_start3A_58 = arith.constant 0 : i32
    %dma_start3A_59 = arith.constant 0 : i32
    %dma_start3A_60 = tpu.memref_slice %arg8[%dma_start3A_57, %dma_start3A_58, %dma_start3A_59] : memref<2x128x128xf32, #tpu.memory_space<vmem>> -> memref<1x128x128xf32, #tpu.memory_space<vmem>>
    %dma_start3A_61 = tpu.memref_squeeze %dma_start3A_60 : memref<1x128x128xf32, #tpu.memory_space<vmem>> -> memref<128x128xf32, #tpu.memory_space<vmem>>
    %dma_start3A_62 = arith.constant 0 : i32
    %dma_start3A_63 = tpu.memref_slice %arg6[%dma_start3A_56, %dma_start3A_62] : memref<40x128xi32, #tpu.memory_space<vmem>> -> memref<1x128xi32, #tpu.memory_space<vmem>>
    %dma_start3A_64 = tpu.memref_squeeze %dma_start3A_63 : memref<1x128xi32, #tpu.memory_space<vmem>> -> memref<128xi32, #tpu.memory_space<vmem>>
    %dma_start3A_65 = arith.constant 0 : i32
    %dma_start3A_66 = arith.constant 0 : i32
    %dma_start3A_67 = tpu.memref_slice %arg2[%dma_start3A_65, %dma_start3A_66] : memref<10000x128xf32, #tpu.memory_space<hbm>> -> memref<10000x128xf32, #tpu.memory_space<hbm>>
    tpu.enqueue_indirect_dma source(%dma_start3A_67 : memref<10000x128xf32, #tpu.memory_space<hbm>>) target(%dma_start3A_61 : memref<128x128xf32, #tpu.memory_space<vmem>>) offsets(%dma_start3A_64 : memref<128xi32, #tpu.memory_space<vmem>>) semaphore(%arg13 : memref<!tpu.dma_semaphore, #tpu.memory_space<semaphore_mem>>)
    %scan3A_68 = arith.constant 0 : i32
    %scan3A_69 = arith.constant 20 : i32
    %scan3A_70 = arith.addi %scan3A_68, %scan3A_69 : i32
    %scan3A_71 = arith.constant 1 : i32
    scf.for %scan3A_162 = %scan3A_68 to %scan3A_70 step %scan3A_71  : i32 {
      %mul3A_163 = arith.constant 1 : i32
      %mul3A_164 = arith.muli %scan3A_162, %mul3A_163 : i32
      %add3A_165 = arith.constant 0 : i32
      %add3A_166 = arith.addi %add3A_165, %mul3A_164 : i32
      %mul3A_167 = arith.constant 2 : i32
      %mul3A_168 = arith.muli %add3A_166, %mul3A_167 : i32
      %add3A_169 = arith.constant 0 : i32
      %add3A_170 = arith.addi %mul3A_168, %add3A_169 : i32
      %gt3A = arith.constant 0 : i32
      %gt3A_171 = arith.cmpi sgt, %add3A_166, %gt3A : i32
      %convert_element_type3A = arith.extui %gt3A_171 : i1 to i32
      %cond3A = arith.constant 0 : i32
      %cond3A_172 = arith.cmpi ne, %convert_element_type3A, %cond3A : i32
      scf.if %cond3A_172 {
        %dma_wait3A_234 = arith.constant 0 : i32
        %dma_wait3A_235 = arith.constant 0 : i32
        %dma_wait3A_236 = arith.constant 0 : i32
        %dma_wait3A_237 = tpu.memref_slice %arg8[%dma_wait3A_234, %dma_wait3A_235, %dma_wait3A_236] : memref<2x128x128xf32, #tpu.memory_space<vmem>> -> memref<1x128x128xf32, #tpu.memory_space<vmem>>
        %dma_wait3A_238 = tpu.memref_squeeze %dma_wait3A_237 : memref<1x128x128xf32, #tpu.memory_space<vmem>> -> memref<128x128xf32, #tpu.memory_space<vmem>>
        %dma_wait3A_239 = arith.constant 0 : i32
        %dma_wait3A_240 = tpu.memref_slice %arg7[%add3A_170, %dma_wait3A_239] : memref<40x128xi32, #tpu.memory_space<vmem>> -> memref<1x128xi32, #tpu.memory_space<vmem>>
        %dma_wait3A_241 = tpu.memref_squeeze %dma_wait3A_240 : memref<1x128xi32, #tpu.memory_space<vmem>> -> memref<128xi32, #tpu.memory_space<vmem>>
        %dma_wait3A_242 = arith.constant 0 : i32
        %dma_wait3A_243 = arith.constant 0 : i32
        %dma_wait3A_244 = tpu.memref_slice %arg10[%dma_wait3A_242, %dma_wait3A_243] : memref<10240x128xf32, #tpu.memory_space<vmem_shared>> -> memref<10240x128xf32, #tpu.memory_space<vmem_shared>>
        tpu.wait_indirect_dma semaphore(%arg14 : memref<!tpu.dma_semaphore, #tpu.memory_space<semaphore_mem>>) src(%dma_wait3A_238 : memref<128x128xf32, #tpu.memory_space<vmem>>) dst(%dma_wait3A_244 : memref<10240x128xf32, #tpu.memory_space<vmem_shared>>)
        %dma_start3A_245 = arith.constant 0 : i32
        %dma_start3A_246 = arith.constant 0 : i32
        %dma_start3A_247 = arith.constant 0 : i32
        %dma_start3A_248 = tpu.memref_slice %arg8[%dma_start3A_245, %dma_start3A_246, %dma_start3A_247] : memref<2x128x128xf32, #tpu.memory_space<vmem>> -> memref<1x128x128xf32, #tpu.memory_space<vmem>>
        %dma_start3A_249 = tpu.memref_squeeze %dma_start3A_248 : memref<1x128x128xf32, #tpu.memory_space<vmem>> -> memref<128x128xf32, #tpu.memory_space<vmem>>
        %dma_start3A_250 = arith.constant 0 : i32
        %dma_start3A_251 = tpu.memref_slice %arg6[%add3A_170, %dma_start3A_250] : memref<40x128xi32, #tpu.memory_space<vmem>> -> memref<1x128xi32, #tpu.memory_space<vmem>>
        %dma_start3A_252 = tpu.memref_squeeze %dma_start3A_251 : memref<1x128xi32, #tpu.memory_space<vmem>> -> memref<128xi32, #tpu.memory_space<vmem>>
        %dma_start3A_253 = arith.constant 0 : i32
        %dma_start3A_254 = arith.constant 0 : i32
        %dma_start3A_255 = tpu.memref_slice %arg2[%dma_start3A_253, %dma_start3A_254] : memref<10000x128xf32, #tpu.memory_space<hbm>> -> memref<10000x128xf32, #tpu.memory_space<hbm>>
        tpu.enqueue_indirect_dma source(%dma_start3A_255 : memref<10000x128xf32, #tpu.memory_space<hbm>>) target(%dma_start3A_249 : memref<128x128xf32, #tpu.memory_space<vmem>>) offsets(%dma_start3A_252 : memref<128xi32, #tpu.memory_space<vmem>>) semaphore(%arg12 : memref<!tpu.dma_semaphore, #tpu.memory_space<semaphore_mem>>)
      } else {
      }
      %mul3A_173 = arith.constant 2 : i32
      %mul3A_174 = arith.muli %add3A_166, %mul3A_173 : i32
      %add3A_175 = arith.constant 1 : i32
      %add3A_176 = arith.addi %mul3A_174, %add3A_175 : i32
      %gt3A_177 = arith.constant 0 : i32
      %gt3A_178 = arith.cmpi sgt, %add3A_166, %gt3A_177 : i32
      %convert_element_type3A_179 = arith.extui %gt3A_178 : i1 to i32
      %cond3A_180 = arith.constant 0 : i32
      %cond3A_181 = arith.cmpi ne, %convert_element_type3A_179, %cond3A_180 : i32
      scf.if %cond3A_181 {
        %dma_wait3A_234 = arith.constant 1 : i32
        %dma_wait3A_235 = arith.constant 0 : i32
        %dma_wait3A_236 = arith.constant 0 : i32
        %dma_wait3A_237 = tpu.memref_slice %arg8[%dma_wait3A_234, %dma_wait3A_235, %dma_wait3A_236] : memref<2x128x128xf32, #tpu.memory_space<vmem>> -> memref<1x128x128xf32, #tpu.memory_space<vmem>>
        %dma_wait3A_238 = tpu.memref_squeeze %dma_wait3A_237 : memref<1x128x128xf32, #tpu.memory_space<vmem>> -> memref<128x128xf32, #tpu.memory_space<vmem>>
        %dma_wait3A_239 = arith.constant 0 : i32
        %dma_wait3A_240 = tpu.memref_slice %arg7[%add3A_176, %dma_wait3A_239] : memref<40x128xi32, #tpu.memory_space<vmem>> -> memref<1x128xi32, #tpu.memory_space<vmem>>
        %dma_wait3A_241 = tpu.memref_squeeze %dma_wait3A_240 : memref<1x128xi32, #tpu.memory_space<vmem>> -> memref<128xi32, #tpu.memory_space<vmem>>
        %dma_wait3A_242 = arith.constant 0 : i32
        %dma_wait3A_243 = arith.constant 0 : i32
        %dma_wait3A_244 = tpu.memref_slice %arg10[%dma_wait3A_242, %dma_wait3A_243] : memref<10240x128xf32, #tpu.memory_space<vmem_shared>> -> memref<10240x128xf32, #tpu.memory_space<vmem_shared>>
        tpu.wait_indirect_dma semaphore(%arg15 : memref<!tpu.dma_semaphore, #tpu.memory_space<semaphore_mem>>) src(%dma_wait3A_238 : memref<128x128xf32, #tpu.memory_space<vmem>>) dst(%dma_wait3A_244 : memref<10240x128xf32, #tpu.memory_space<vmem_shared>>)
        %dma_start3A_245 = arith.constant 1 : i32
        %dma_start3A_246 = arith.constant 0 : i32
        %dma_start3A_247 = arith.constant 0 : i32
        %dma_start3A_248 = tpu.memref_slice %arg8[%dma_start3A_245, %dma_start3A_246, %dma_start3A_247] : memref<2x128x128xf32, #tpu.memory_space<vmem>> -> memref<1x128x128xf32, #tpu.memory_space<vmem>>
        %dma_start3A_249 = tpu.memref_squeeze %dma_start3A_248 : memref<1x128x128xf32, #tpu.memory_space<vmem>> -> memref<128x128xf32, #tpu.memory_space<vmem>>
        %dma_start3A_250 = arith.constant 0 : i32
        %dma_start3A_251 = tpu.memref_slice %arg6[%add3A_176, %dma_start3A_250] : memref<40x128xi32, #tpu.memory_space<vmem>> -> memref<1x128xi32, #tpu.memory_space<vmem>>
        %dma_start3A_252 = tpu.memref_squeeze %dma_start3A_251 : memref<1x128xi32, #tpu.memory_space<vmem>> -> memref<128xi32, #tpu.memory_space<vmem>>
        %dma_start3A_253 = arith.constant 0 : i32
        %dma_start3A_254 = arith.constant 0 : i32
        %dma_start3A_255 = tpu.memref_slice %arg2[%dma_start3A_253, %dma_start3A_254] : memref<10000x128xf32, #tpu.memory_space<hbm>> -> memref<10000x128xf32, #tpu.memory_space<hbm>>
        tpu.enqueue_indirect_dma source(%dma_start3A_255 : memref<10000x128xf32, #tpu.memory_space<hbm>>) target(%dma_start3A_249 : memref<128x128xf32, #tpu.memory_space<vmem>>) offsets(%dma_start3A_252 : memref<128xi32, #tpu.memory_space<vmem>>) semaphore(%arg13 : memref<!tpu.dma_semaphore, #tpu.memory_space<semaphore_mem>>)
      } else {
      }
      %mul3A_182 = arith.constant 2 : i32
      %mul3A_183 = arith.muli %add3A_166, %mul3A_182 : i32
      %add3A_184 = arith.constant 0 : i32
      %add3A_185 = arith.addi %mul3A_183, %add3A_184 : i32
      %dma_wait3A_186 = arith.constant 0 : i32
      %dma_wait3A_187 = arith.constant 0 : i32
      %dma_wait3A_188 = arith.constant 0 : i32
      %dma_wait3A_189 = tpu.memref_slice %arg8[%dma_wait3A_186, %dma_wait3A_187, %dma_wait3A_188] : memref<2x128x128xf32, #tpu.memory_space<vmem>> -> memref<1x128x128xf32, #tpu.memory_space<vmem>>
      %dma_wait3A_190 = tpu.memref_squeeze %dma_wait3A_189 : memref<1x128x128xf32, #tpu.memory_space<vmem>> -> memref<128x128xf32, #tpu.memory_space<vmem>>
      %dma_wait3A_191 = arith.constant 0 : i32
      %dma_wait3A_192 = tpu.memref_slice %arg6[%add3A_185, %dma_wait3A_191] : memref<40x128xi32, #tpu.memory_space<vmem>> -> memref<1x128xi32, #tpu.memory_space<vmem>>
      %dma_wait3A_193 = tpu.memref_squeeze %dma_wait3A_192 : memref<1x128xi32, #tpu.memory_space<vmem>> -> memref<128xi32, #tpu.memory_space<vmem>>
      %dma_wait3A_194 = arith.constant 0 : i32
      %dma_wait3A_195 = arith.constant 0 : i32
      %dma_wait3A_196 = tpu.memref_slice %arg2[%dma_wait3A_194, %dma_wait3A_195] : memref<10000x128xf32, #tpu.memory_space<hbm>> -> memref<10000x128xf32, #tpu.memory_space<hbm>>
      tpu.wait_indirect_dma semaphore(%arg12 : memref<!tpu.dma_semaphore, #tpu.memory_space<semaphore_mem>>) src(%dma_wait3A_196 : memref<10000x128xf32, #tpu.memory_space<hbm>>) dst(%dma_wait3A_190 : memref<128x128xf32, #tpu.memory_space<vmem>>)
      %dma_start3A_197 = arith.constant 0 : i32
      %dma_start3A_198 = arith.constant 0 : i32
      %dma_start3A_199 = arith.constant 0 : i32
      %dma_start3A_200 = tpu.memref_slice %arg8[%dma_start3A_197, %dma_start3A_198, %dma_start3A_199] : memref<2x128x128xf32, #tpu.memory_space<vmem>> -> memref<1x128x128xf32, #tpu.memory_space<vmem>>
      %dma_start3A_201 = tpu.memref_squeeze %dma_start3A_200 : memref<1x128x128xf32, #tpu.memory_space<vmem>> -> memref<128x128xf32, #tpu.memory_space<vmem>>
      %dma_start3A_202 = arith.constant 0 : i32
      %dma_start3A_203 = tpu.memref_slice %arg7[%add3A_185, %dma_start3A_202] : memref<40x128xi32, #tpu.memory_space<vmem>> -> memref<1x128xi32, #tpu.memory_space<vmem>>
      %dma_start3A_204 = tpu.memref_squeeze %dma_start3A_203 : memref<1x128xi32, #tpu.memory_space<vmem>> -> memref<128xi32, #tpu.memory_space<vmem>>
      %dma_start3A_205 = arith.constant 0 : i32
      %dma_start3A_206 = arith.constant 0 : i32
      %dma_start3A_207 = tpu.memref_slice %arg10[%dma_start3A_205, %dma_start3A_206] : memref<10240x128xf32, #tpu.memory_space<vmem_shared>> -> memref<10240x128xf32, #tpu.memory_space<vmem_shared>>
      tpu.enqueue_indirect_dma source(%dma_start3A_201 : memref<128x128xf32, #tpu.memory_space<vmem>>) target(%dma_start3A_207 : memref<10240x128xf32, #tpu.memory_space<vmem_shared>>) offsets(%dma_start3A_204 : memref<128xi32, #tpu.memory_space<vmem>>) semaphore(%arg14 : memref<!tpu.dma_semaphore, #tpu.memory_space<semaphore_mem>>) {add = true}
      %mul3A_208 = arith.constant 2 : i32
      %mul3A_209 = arith.muli %add3A_166, %mul3A_208 : i32
      %add3A_210 = arith.constant 1 : i32
      %add3A_211 = arith.addi %mul3A_209, %add3A_210 : i32
      %dma_wait3A_212 = arith.constant 1 : i32
      %dma_wait3A_213 = arith.constant 0 : i32
      %dma_wait3A_214 = arith.constant 0 : i32
      %dma_wait3A_215 = tpu.memref_slice %arg8[%dma_wait3A_212, %dma_wait3A_213, %dma_wait3A_214] : memref<2x128x128xf32, #tpu.memory_space<vmem>> -> memref<1x128x128xf32, #tpu.memory_space<vmem>>
      %dma_wait3A_216 = tpu.memref_squeeze %dma_wait3A_215 : memref<1x128x128xf32, #tpu.memory_space<vmem>> -> memref<128x128xf32, #tpu.memory_space<vmem>>
      %dma_wait3A_217 = arith.constant 0 : i32
      %dma_wait3A_218 = tpu.memref_slice %arg6[%add3A_211, %dma_wait3A_217] : memref<40x128xi32, #tpu.memory_space<vmem>> -> memref<1x128xi32, #tpu.memory_space<vmem>>
      %dma_wait3A_219 = tpu.memref_squeeze %dma_wait3A_218 : memref<1x128xi32, #tpu.memory_space<vmem>> -> memref<128xi32, #tpu.memory_space<vmem>>
      %dma_wait3A_220 = arith.constant 0 : i32
      %dma_wait3A_221 = arith.constant 0 : i32
      %dma_wait3A_222 = tpu.memref_slice %arg2[%dma_wait3A_220, %dma_wait3A_221] : memref<10000x128xf32, #tpu.memory_space<hbm>> -> memref<10000x128xf32, #tpu.memory_space<hbm>>
      tpu.wait_indirect_dma semaphore(%arg13 : memref<!tpu.dma_semaphore, #tpu.memory_space<semaphore_mem>>) src(%dma_wait3A_222 : memref<10000x128xf32, #tpu.memory_space<hbm>>) dst(%dma_wait3A_216 : memref<128x128xf32, #tpu.memory_space<vmem>>)
      %dma_start3A_223 = arith.constant 1 : i32
      %dma_start3A_224 = arith.constant 0 : i32
      %dma_start3A_225 = arith.constant 0 : i32
      %dma_start3A_226 = tpu.memref_slice %arg8[%dma_start3A_223, %dma_start3A_224, %dma_start3A_225] : memref<2x128x128xf32, #tpu.memory_space<vmem>> -> memref<1x128x128xf32, #tpu.memory_space<vmem>>
      %dma_start3A_227 = tpu.memref_squeeze %dma_start3A_226 : memref<1x128x128xf32, #tpu.memory_space<vmem>> -> memref<128x128xf32, #tpu.memory_space<vmem>>
      %dma_start3A_228 = arith.constant 0 : i32
      %dma_start3A_229 = tpu.memref_slice %arg7[%add3A_211, %dma_start3A_228] : memref<40x128xi32, #tpu.memory_space<vmem>> -> memref<1x128xi32, #tpu.memory_space<vmem>>
      %dma_start3A_230 = tpu.memref_squeeze %dma_start3A_229 : memref<1x128xi32, #tpu.memory_space<vmem>> -> memref<128xi32, #tpu.memory_space<vmem>>
      %dma_start3A_231 = arith.constant 0 : i32
      %dma_start3A_232 = arith.constant 0 : i32
      %dma_start3A_233 = tpu.memref_slice %arg10[%dma_start3A_231, %dma_start3A_232] : memref<10240x128xf32, #tpu.memory_space<vmem_shared>> -> memref<10240x128xf32, #tpu.memory_space<vmem_shared>>
      tpu.enqueue_indirect_dma source(%dma_start3A_227 : memref<128x128xf32, #tpu.memory_space<vmem>>) target(%dma_start3A_233 : memref<10240x128xf32, #tpu.memory_space<vmem_shared>>) offsets(%dma_start3A_230 : memref<128xi32, #tpu.memory_space<vmem>>) semaphore(%arg15 : memref<!tpu.dma_semaphore, #tpu.memory_space<semaphore_mem>>) {add = true}
    }
    %scan3A_72 = arith.constant 20 : i32
    %dma_wait3A = arith.constant 0 : i32
    %dma_wait3A_73 = arith.constant 38 : i32
    %dma_wait3A_74 = arith.constant 0 : i32
    %dma_wait3A_75 = arith.constant 0 : i32
    %dma_wait3A_76 = tpu.memref_slice %arg8[%dma_wait3A, %dma_wait3A_74, %dma_wait3A_75] : memref<2x128x128xf32, #tpu.memory_space<vmem>> -> memref<1x128x128xf32, #tpu.memory_space<vmem>>
    %dma_wait3A_77 = tpu.memref_squeeze %dma_wait3A_76 : memref<1x128x128xf32, #tpu.memory_space<vmem>> -> memref<128x128xf32, #tpu.memory_space<vmem>>
    %dma_wait3A_78 = arith.constant 0 : i32
    %dma_wait3A_79 = tpu.memref_slice %arg7[%dma_wait3A_73, %dma_wait3A_78] : memref<40x128xi32, #tpu.memory_space<vmem>> -> memref<1x128xi32, #tpu.memory_space<vmem>>
    %dma_wait3A_80 = tpu.memref_squeeze %dma_wait3A_79 : memref<1x128xi32, #tpu.memory_space<vmem>> -> memref<128xi32, #tpu.memory_space<vmem>>
    %dma_wait3A_81 = arith.constant 0 : i32
    %dma_wait3A_82 = arith.constant 0 : i32
    %dma_wait3A_83 = tpu.memref_slice %arg10[%dma_wait3A_81, %dma_wait3A_82] : memref<10240x128xf32, #tpu.memory_space<vmem_shared>> -> memref<10240x128xf32, #tpu.memory_space<vmem_shared>>
    tpu.wait_indirect_dma semaphore(%arg14 : memref<!tpu.dma_semaphore, #tpu.memory_space<semaphore_mem>>) src(%dma_wait3A_77 : memref<128x128xf32, #tpu.memory_space<vmem>>) dst(%dma_wait3A_83 : memref<10240x128xf32, #tpu.memory_space<vmem_shared>>)
    %dma_wait3A_84 = arith.constant 1 : i32
    %dma_wait3A_85 = arith.constant 39 : i32
    %dma_wait3A_86 = arith.constant 0 : i32
    %dma_wait3A_87 = arith.constant 0 : i32
    %dma_wait3A_88 = tpu.memref_slice %arg8[%dma_wait3A_84, %dma_wait3A_86, %dma_wait3A_87] : memref<2x128x128xf32, #tpu.memory_space<vmem>> -> memref<1x128x128xf32, #tpu.memory_space<vmem>>
    %dma_wait3A_89 = tpu.memref_squeeze %dma_wait3A_88 : memref<1x128x128xf32, #tpu.memory_space<vmem>> -> memref<128x128xf32, #tpu.memory_space<vmem>>
    %dma_wait3A_90 = arith.constant 0 : i32
    %dma_wait3A_91 = tpu.memref_slice %arg7[%dma_wait3A_85, %dma_wait3A_90] : memref<40x128xi32, #tpu.memory_space<vmem>> -> memref<1x128xi32, #tpu.memory_space<vmem>>
    %dma_wait3A_92 = tpu.memref_squeeze %dma_wait3A_91 : memref<1x128xi32, #tpu.memory_space<vmem>> -> memref<128xi32, #tpu.memory_space<vmem>>
    %dma_wait3A_93 = arith.constant 0 : i32
    %dma_wait3A_94 = arith.constant 0 : i32
    %dma_wait3A_95 = tpu.memref_slice %arg10[%dma_wait3A_93, %dma_wait3A_94] : memref<10240x128xf32, #tpu.memory_space<vmem_shared>> -> memref<10240x128xf32, #tpu.memory_space<vmem_shared>>
    tpu.wait_indirect_dma semaphore(%arg15 : memref<!tpu.dma_semaphore, #tpu.memory_space<semaphore_mem>>) src(%dma_wait3A_89 : memref<128x128xf32, #tpu.memory_space<vmem>>) dst(%dma_wait3A_95 : memref<10240x128xf32, #tpu.memory_space<vmem_shared>>)
    %mul3A_96 = arith.constant 80 : i32
    %mul3A_97 = arith.muli %add3A, %mul3A_96 : i32
    %add3A_98 = arith.constant 40 : i32
    %add3A_99 = arith.addi %mul3A_97, %add3A_98 : i32
    "tpu.region"() ({
      %run_scoped3A_162 = tpu.sem_alloc : memref<!tpu.dma_semaphore, #tpu.memory_space<semaphore_mem>>
      %dma_start3A_163 = arith.constant 0 : i32
      %dma_start3A_164 = tpu.memref_slice %arg3[%add3A_99, %dma_start3A_163] : memref<2560x128xi32, #tpu.memory_space<hbm>> -> memref<40x128xi32, #tpu.memory_space<hbm>>
      %dma_start3A_165 = arith.constant 0 : i32
      %dma_start3A_166 = tpu.memref_slice %arg3[%add3A_99, %dma_start3A_165] : memref<2560x128xi32, #tpu.memory_space<hbm>> -> memref<40x128xi32, #tpu.memory_space<hbm>>
      tpu.enqueue_dma source(%dma_start3A_166 : memref<40x128xi32, #tpu.memory_space<hbm>>) target(%arg6 : memref<40x128xi32, #tpu.memory_space<vmem>>) target_semaphore(%run_scoped3A_162 : memref<!tpu.dma_semaphore, #tpu.memory_space<semaphore_mem>>)
      %dma_wait3A_167 = arith.constant 0 : i32
      %dma_wait3A_168 = tpu.memref_slice %arg3[%add3A_99, %dma_wait3A_167] : memref<2560x128xi32, #tpu.memory_space<hbm>> -> memref<40x128xi32, #tpu.memory_space<hbm>>
      %dma_wait3A_169 = arith.constant 0 : i32
      %dma_wait3A_170 = tpu.memref_slice %arg3[%add3A_99, %dma_wait3A_169] : memref<2560x128xi32, #tpu.memory_space<hbm>> -> memref<40x128xi32, #tpu.memory_space<hbm>>
      tpu.wait_dma2 semaphore(%run_scoped3A_162 : memref<!tpu.dma_semaphore, #tpu.memory_space<semaphore_mem>>) src(%dma_wait3A_170 : memref<40x128xi32, #tpu.memory_space<hbm>>) dst(%arg6 : memref<40x128xi32, #tpu.memory_space<vmem>>)
      tpu.yield
    }) : () -> ()
    %mul3A_100 = arith.constant 80 : i32
    %mul3A_101 = arith.muli %add3A, %mul3A_100 : i32
    %add3A_102 = arith.constant 40 : i32
    %add3A_103 = arith.addi %mul3A_101, %add3A_102 : i32
    "tpu.region"() ({
      %run_scoped3A_162 = tpu.sem_alloc : memref<!tpu.dma_semaphore, #tpu.memory_space<semaphore_mem>>
      %dma_start3A_163 = arith.constant 0 : i32
      %dma_start3A_164 = tpu.memref_slice %arg4[%add3A_103, %dma_start3A_163] : memref<2560x128xi32, #tpu.memory_space<hbm>> -> memref<40x128xi32, #tpu.memory_space<hbm>>
      %dma_start3A_165 = arith.constant 0 : i32
      %dma_start3A_166 = tpu.memref_slice %arg4[%add3A_103, %dma_start3A_165] : memref<2560x128xi32, #tpu.memory_space<hbm>> -> memref<40x128xi32, #tpu.memory_space<hbm>>
      tpu.enqueue_dma source(%dma_start3A_166 : memref<40x128xi32, #tpu.memory_space<hbm>>) target(%arg7 : memref<40x128xi32, #tpu.memory_space<vmem>>) target_semaphore(%run_scoped3A_162 : memref<!tpu.dma_semaphore, #tpu.memory_space<semaphore_mem>>)
      %dma_wait3A_167 = arith.constant 0 : i32
      %dma_wait3A_168 = tpu.memref_slice %arg4[%add3A_103, %dma_wait3A_167] : memref<2560x128xi32, #tpu.memory_space<hbm>> -> memref<40x128xi32, #tpu.memory_space<hbm>>
      %dma_wait3A_169 = arith.constant 0 : i32
      %dma_wait3A_170 = tpu.memref_slice %arg4[%add3A_103, %dma_wait3A_169] : memref<2560x128xi32, #tpu.memory_space<hbm>> -> memref<40x128xi32, #tpu.memory_space<hbm>>
      tpu.wait_dma2 semaphore(%run_scoped3A_162 : memref<!tpu.dma_semaphore, #tpu.memory_space<semaphore_mem>>) src(%dma_wait3A_170 : memref<40x128xi32, #tpu.memory_space<hbm>>) dst(%arg7 : memref<40x128xi32, #tpu.memory_space<vmem>>)
      tpu.yield
    }) : () -> ()
    %dma_start3A_104 = arith.constant 0 : i32
    %dma_start3A_105 = arith.constant 0 : i32
    %dma_start3A_106 = arith.constant 0 : i32
    %dma_start3A_107 = arith.constant 0 : i32
    %dma_start3A_108 = tpu.memref_slice %arg8[%dma_start3A_105, %dma_start3A_106, %dma_start3A_107] : memref<2x128x128xf32, #tpu.memory_space<vmem>> -> memref<1x128x128xf32, #tpu.memory_space<vmem>>
    %dma_start3A_109 = tpu.memref_squeeze %dma_start3A_108 : memref<1x128x128xf32, #tpu.memory_space<vmem>> -> memref<128x128xf32, #tpu.memory_space<vmem>>
    %dma_start3A_110 = arith.constant 0 : i32
    %dma_start3A_111 = tpu.memref_slice %arg6[%dma_start3A_104, %dma_start3A_110] : memref<40x128xi32, #tpu.memory_space<vmem>> -> memref<1x128xi32, #tpu.memory_space<vmem>>
    %dma_start3A_112 = tpu.memref_squeeze %dma_start3A_111 : memref<1x128xi32, #tpu.memory_space<vmem>> -> memref<128xi32, #tpu.memory_space<vmem>>
    %dma_start3A_113 = arith.constant 0 : i32
    %dma_start3A_114 = arith.constant 0 : i32
    %dma_start3A_115 = tpu.memref_slice %arg2[%dma_start3A_113, %dma_start3A_114] : memref<10000x128xf32, #tpu.memory_space<hbm>> -> memref<10000x128xf32, #tpu.memory_space<hbm>>
    tpu.enqueue_indirect_dma source(%dma_start3A_115 : memref<10000x128xf32, #tpu.memory_space<hbm>>) target(%dma_start3A_109 : memref<128x128xf32, #tpu.memory_space<vmem>>) offsets(%dma_start3A_112 : memref<128xi32, #tpu.memory_space<vmem>>) semaphore(%arg12 : memref<!tpu.dma_semaphore, #tpu.memory_space<semaphore_mem>>)
    %dma_start3A_116 = arith.constant 1 : i32
    %dma_start3A_117 = arith.constant 1 : i32
    %dma_start3A_118 = arith.constant 0 : i32
    %dma_start3A_119 = arith.constant 0 : i32
    %dma_start3A_120 = tpu.memref_slice %arg8[%dma_start3A_117, %dma_start3A_118, %dma_start3A_119] : memref<2x128x128xf32, #tpu.memory_space<vmem>> -> memref<1x128x128xf32, #tpu.memory_space<vmem>>
    %dma_start3A_121 = tpu.memref_squeeze %dma_start3A_120 : memref<1x128x128xf32, #tpu.memory_space<vmem>> -> memref<128x128xf32, #tpu.memory_space<vmem>>
    %dma_start3A_122 = arith.constant 0 : i32
    %dma_start3A_123 = tpu.memref_slice %arg6[%dma_start3A_116, %dma_start3A_122] : memref<40x128xi32, #tpu.memory_space<vmem>> -> memref<1x128xi32, #tpu.memory_space<vmem>>
    %dma_start3A_124 = tpu.memref_squeeze %dma_start3A_123 : memref<1x128xi32, #tpu.memory_space<vmem>> -> memref<128xi32, #tpu.memory_space<vmem>>
    %dma_start3A_125 = arith.constant 0 : i32
    %dma_start3A_126 = arith.constant 0 : i32
    %dma_start3A_127 = tpu.memref_slice %arg2[%dma_start3A_125, %dma_start3A_126] : memref<10000x128xf32, #tpu.memory_space<hbm>> -> memref<10000x128xf32, #tpu.memory_space<hbm>>
    tpu.enqueue_indirect_dma source(%dma_start3A_127 : memref<10000x128xf32, #tpu.memory_space<hbm>>) target(%dma_start3A_121 : memref<128x128xf32, #tpu.memory_space<vmem>>) offsets(%dma_start3A_124 : memref<128xi32, #tpu.memory_space<vmem>>) semaphore(%arg13 : memref<!tpu.dma_semaphore, #tpu.memory_space<semaphore_mem>>)
    %scan3A_128 = arith.constant 0 : i32
    %scan3A_129 = arith.constant 20 : i32
    %scan3A_130 = arith.addi %scan3A_128, %scan3A_129 : i32
    %scan3A_131 = arith.constant 1 : i32
    scf.for %scan3A_162 = %scan3A_128 to %scan3A_130 step %scan3A_131  : i32 {
      %mul3A_163 = arith.constant 1 : i32
      %mul3A_164 = arith.muli %scan3A_162, %mul3A_163 : i32
      %add3A_165 = arith.constant 0 : i32
      %add3A_166 = arith.addi %add3A_165, %mul3A_164 : i32
      %mul3A_167 = arith.constant 2 : i32
      %mul3A_168 = arith.muli %add3A_166, %mul3A_167 : i32
      %add3A_169 = arith.constant 0 : i32
      %add3A_170 = arith.addi %mul3A_168, %add3A_169 : i32
      %gt3A = arith.constant 0 : i32
      %gt3A_171 = arith.cmpi sgt, %add3A_166, %gt3A : i32
      %convert_element_type3A = arith.extui %gt3A_171 : i1 to i32
      %cond3A = arith.constant 0 : i32
      %cond3A_172 = arith.cmpi ne, %convert_element_type3A, %cond3A : i32
      scf.if %cond3A_172 {
        %dma_wait3A_234 = arith.constant 0 : i32
        %dma_wait3A_235 = arith.constant 0 : i32
        %dma_wait3A_236 = arith.constant 0 : i32
        %dma_wait3A_237 = tpu.memref_slice %arg8[%dma_wait3A_234, %dma_wait3A_235, %dma_wait3A_236] : memref<2x128x128xf32, #tpu.memory_space<vmem>> -> memref<1x128x128xf32, #tpu.memory_space<vmem>>
        %dma_wait3A_238 = tpu.memref_squeeze %dma_wait3A_237 : memref<1x128x128xf32, #tpu.memory_space<vmem>> -> memref<128x128xf32, #tpu.memory_space<vmem>>
        %dma_wait3A_239 = arith.constant 0 : i32
        %dma_wait3A_240 = tpu.memref_slice %arg7[%add3A_170, %dma_wait3A_239] : memref<40x128xi32, #tpu.memory_space<vmem>> -> memref<1x128xi32, #tpu.memory_space<vmem>>
        %dma_wait3A_241 = tpu.memref_squeeze %dma_wait3A_240 : memref<1x128xi32, #tpu.memory_space<vmem>> -> memref<128xi32, #tpu.memory_space<vmem>>
        %dma_wait3A_242 = arith.constant 0 : i32
        %dma_wait3A_243 = arith.constant 0 : i32
        %dma_wait3A_244 = tpu.memref_slice %arg10[%dma_wait3A_242, %dma_wait3A_243] : memref<10240x128xf32, #tpu.memory_space<vmem_shared>> -> memref<10240x128xf32, #tpu.memory_space<vmem_shared>>
        tpu.wait_indirect_dma semaphore(%arg14 : memref<!tpu.dma_semaphore, #tpu.memory_space<semaphore_mem>>) src(%dma_wait3A_238 : memref<128x128xf32, #tpu.memory_space<vmem>>) dst(%dma_wait3A_244 : memref<10240x128xf32, #tpu.memory_space<vmem_shared>>)
        %dma_start3A_245 = arith.constant 0 : i32
        %dma_start3A_246 = arith.constant 0 : i32
        %dma_start3A_247 = arith.constant 0 : i32
        %dma_start3A_248 = tpu.memref_slice %arg8[%dma_start3A_245, %dma_start3A_246, %dma_start3A_247] : memref<2x128x128xf32, #tpu.memory_space<vmem>> -> memref<1x128x128xf32, #tpu.memory_space<vmem>>
        %dma_start3A_249 = tpu.memref_squeeze %dma_start3A_248 : memref<1x128x128xf32, #tpu.memory_space<vmem>> -> memref<128x128xf32, #tpu.memory_space<vmem>>
        %dma_start3A_250 = arith.constant 0 : i32
        %dma_start3A_251 = tpu.memref_slice %arg6[%add3A_170, %dma_start3A_250] : memref<40x128xi32, #tpu.memory_space<vmem>> -> memref<1x128xi32, #tpu.memory_space<vmem>>
        %dma_start3A_252 = tpu.memref_squeeze %dma_start3A_251 : memref<1x128xi32, #tpu.memory_space<vmem>> -> memref<128xi32, #tpu.memory_space<vmem>>
        %dma_start3A_253 = arith.constant 0 : i32
        %dma_start3A_254 = arith.constant 0 : i32
        %dma_start3A_255 = tpu.memref_slice %arg2[%dma_start3A_253, %dma_start3A_254] : memref<10000x128xf32, #tpu.memory_space<hbm>> -> memref<10000x128xf32, #tpu.memory_space<hbm>>
        tpu.enqueue_indirect_dma source(%dma_start3A_255 : memref<10000x128xf32, #tpu.memory_space<hbm>>) target(%dma_start3A_249 : memref<128x128xf32, #tpu.memory_space<vmem>>) offsets(%dma_start3A_252 : memref<128xi32, #tpu.memory_space<vmem>>) semaphore(%arg12 : memref<!tpu.dma_semaphore, #tpu.memory_space<semaphore_mem>>)
      } else {
      }
      %mul3A_173 = arith.constant 2 : i32
      %mul3A_174 = arith.muli %add3A_166, %mul3A_173 : i32
      %add3A_175 = arith.constant 1 : i32
      %add3A_176 = arith.addi %mul3A_174, %add3A_175 : i32
      %gt3A_177 = arith.constant 0 : i32
      %gt3A_178 = arith.cmpi sgt, %add3A_166, %gt3A_177 : i32
      %convert_element_type3A_179 = arith.extui %gt3A_178 : i1 to i32
      %cond3A_180 = arith.constant 0 : i32
      %cond3A_181 = arith.cmpi ne, %convert_element_type3A_179, %cond3A_180 : i32
      scf.if %cond3A_181 {
        %dma_wait3A_234 = arith.constant 1 : i32
        %dma_wait3A_235 = arith.constant 0 : i32
        %dma_wait3A_236 = arith.constant 0 : i32
        %dma_wait3A_237 = tpu.memref_slice %arg8[%dma_wait3A_234, %dma_wait3A_235, %dma_wait3A_236] : memref<2x128x128xf32, #tpu.memory_space<vmem>> -> memref<1x128x128xf32, #tpu.memory_space<vmem>>
        %dma_wait3A_238 = tpu.memref_squeeze %dma_wait3A_237 : memref<1x128x128xf32, #tpu.memory_space<vmem>> -> memref<128x128xf32, #tpu.memory_space<vmem>>
        %dma_wait3A_239 = arith.constant 0 : i32
        %dma_wait3A_240 = tpu.memref_slice %arg7[%add3A_176, %dma_wait3A_239] : memref<40x128xi32, #tpu.memory_space<vmem>> -> memref<1x128xi32, #tpu.memory_space<vmem>>
        %dma_wait3A_241 = tpu.memref_squeeze %dma_wait3A_240 : memref<1x128xi32, #tpu.memory_space<vmem>> -> memref<128xi32, #tpu.memory_space<vmem>>
        %dma_wait3A_242 = arith.constant 0 : i32
        %dma_wait3A_243 = arith.constant 0 : i32
        %dma_wait3A_244 = tpu.memref_slice %arg10[%dma_wait3A_242, %dma_wait3A_243] : memref<10240x128xf32, #tpu.memory_space<vmem_shared>> -> memref<10240x128xf32, #tpu.memory_space<vmem_shared>>
        tpu.wait_indirect_dma semaphore(%arg15 : memref<!tpu.dma_semaphore, #tpu.memory_space<semaphore_mem>>) src(%dma_wait3A_238 : memref<128x128xf32, #tpu.memory_space<vmem>>) dst(%dma_wait3A_244 : memref<10240x128xf32, #tpu.memory_space<vmem_shared>>)
        %dma_start3A_245 = arith.constant 1 : i32
        %dma_start3A_246 = arith.constant 0 : i32
        %dma_start3A_247 = arith.constant 0 : i32
        %dma_start3A_248 = tpu.memref_slice %arg8[%dma_start3A_245, %dma_start3A_246, %dma_start3A_247] : memref<2x128x128xf32, #tpu.memory_space<vmem>> -> memref<1x128x128xf32, #tpu.memory_space<vmem>>
        %dma_start3A_249 = tpu.memref_squeeze %dma_start3A_248 : memref<1x128x128xf32, #tpu.memory_space<vmem>> -> memref<128x128xf32, #tpu.memory_space<vmem>>
        %dma_start3A_250 = arith.constant 0 : i32
        %dma_start3A_251 = tpu.memref_slice %arg6[%add3A_176, %dma_start3A_250] : memref<40x128xi32, #tpu.memory_space<vmem>> -> memref<1x128xi32, #tpu.memory_space<vmem>>
        %dma_start3A_252 = tpu.memref_squeeze %dma_start3A_251 : memref<1x128xi32, #tpu.memory_space<vmem>> -> memref<128xi32, #tpu.memory_space<vmem>>
        %dma_start3A_253 = arith.constant 0 : i32
        %dma_start3A_254 = arith.constant 0 : i32
        %dma_start3A_255 = tpu.memref_slice %arg2[%dma_start3A_253, %dma_start3A_254] : memref<10000x128xf32, #tpu.memory_space<hbm>> -> memref<10000x128xf32, #tpu.memory_space<hbm>>
        tpu.enqueue_indirect_dma source(%dma_start3A_255 : memref<10000x128xf32, #tpu.memory_space<hbm>>) target(%dma_start3A_249 : memref<128x128xf32, #tpu.memory_space<vmem>>) offsets(%dma_start3A_252 : memref<128xi32, #tpu.memory_space<vmem>>) semaphore(%arg13 : memref<!tpu.dma_semaphore, #tpu.memory_space<semaphore_mem>>)
      } else {
      }
      %mul3A_182 = arith.constant 2 : i32
      %mul3A_183 = arith.muli %add3A_166, %mul3A_182 : i32
      %add3A_184 = arith.constant 0 : i32
      %add3A_185 = arith.addi %mul3A_183, %add3A_184 : i32
      %dma_wait3A_186 = arith.constant 0 : i32
      %dma_wait3A_187 = arith.constant 0 : i32
      %dma_wait3A_188 = arith.constant 0 : i32
      %dma_wait3A_189 = tpu.memref_slice %arg8[%dma_wait3A_186, %dma_wait3A_187, %dma_wait3A_188] : memref<2x128x128xf32, #tpu.memory_space<vmem>> -> memref<1x128x128xf32, #tpu.memory_space<vmem>>
      %dma_wait3A_190 = tpu.memref_squeeze %dma_wait3A_189 : memref<1x128x128xf32, #tpu.memory_space<vmem>> -> memref<128x128xf32, #tpu.memory_space<vmem>>
      %dma_wait3A_191 = arith.constant 0 : i32
      %dma_wait3A_192 = tpu.memref_slice %arg6[%add3A_185, %dma_wait3A_191] : memref<40x128xi32, #tpu.memory_space<vmem>> -> memref<1x128xi32, #tpu.memory_space<vmem>>
      %dma_wait3A_193 = tpu.memref_squeeze %dma_wait3A_192 : memref<1x128xi32, #tpu.memory_space<vmem>> -> memref<128xi32, #tpu.memory_space<vmem>>
      %dma_wait3A_194 = arith.constant 0 : i32
      %dma_wait3A_195 = arith.constant 0 : i32
      %dma_wait3A_196 = tpu.memref_slice %arg2[%dma_wait3A_194, %dma_wait3A_195] : memref<10000x128xf32, #tpu.memory_space<hbm>> -> memref<10000x128xf32, #tpu.memory_space<hbm>>
      tpu.wait_indirect_dma semaphore(%arg12 : memref<!tpu.dma_semaphore, #tpu.memory_space<semaphore_mem>>) src(%dma_wait3A_196 : memref<10000x128xf32, #tpu.memory_space<hbm>>) dst(%dma_wait3A_190 : memref<128x128xf32, #tpu.memory_space<vmem>>)
      %dma_start3A_197 = arith.constant 0 : i32
      %dma_start3A_198 = arith.constant 0 : i32
      %dma_start3A_199 = arith.constant 0 : i32
      %dma_start3A_200 = tpu.memref_slice %arg8[%dma_start3A_197, %dma_start3A_198, %dma_start3A_199] : memref<2x128x128xf32, #tpu.memory_space<vmem>> -> memref<1x128x128xf32, #tpu.memory_space<vmem>>
      %dma_start3A_201 = tpu.memref_squeeze %dma_start3A_200 : memref<1x128x128xf32, #tpu.memory_space<vmem>> -> memref<128x128xf32, #tpu.memory_space<vmem>>
      %dma_start3A_202 = arith.constant 0 : i32
      %dma_start3A_203 = tpu.memref_slice %arg7[%add3A_185, %dma_start3A_202] : memref<40x128xi32, #tpu.memory_space<vmem>> -> memref<1x128xi32, #tpu.memory_space<vmem>>
      %dma_start3A_204 = tpu.memref_squeeze %dma_start3A_203 : memref<1x128xi32, #tpu.memory_space<vmem>> -> memref<128xi32, #tpu.memory_space<vmem>>
      %dma_start3A_205 = arith.constant 0 : i32
      %dma_start3A_206 = arith.constant 0 : i32
      %dma_start3A_207 = tpu.memref_slice %arg10[%dma_start3A_205, %dma_start3A_206] : memref<10240x128xf32, #tpu.memory_space<vmem_shared>> -> memref<10240x128xf32, #tpu.memory_space<vmem_shared>>
      tpu.enqueue_indirect_dma source(%dma_start3A_201 : memref<128x128xf32, #tpu.memory_space<vmem>>) target(%dma_start3A_207 : memref<10240x128xf32, #tpu.memory_space<vmem_shared>>) offsets(%dma_start3A_204 : memref<128xi32, #tpu.memory_space<vmem>>) semaphore(%arg14 : memref<!tpu.dma_semaphore, #tpu.memory_space<semaphore_mem>>) {add = true}
      %mul3A_208 = arith.constant 2 : i32
      %mul3A_209 = arith.muli %add3A_166, %mul3A_208 : i32
      %add3A_210 = arith.constant 1 : i32
      %add3A_211 = arith.addi %mul3A_209, %add3A_210 : i32
      %dma_wait3A_212 = arith.constant 1 : i32
      %dma_wait3A_213 = arith.constant 0 : i32
      %dma_wait3A_214 = arith.constant 0 : i32
      %dma_wait3A_215 = tpu.memref_slice %arg8[%dma_wait3A_212, %dma_wait3A_213, %dma_wait3A_214] : memref<2x128x128xf32, #tpu.memory_space<vmem>> -> memref<1x128x128xf32, #tpu.memory_space<vmem>>
      %dma_wait3A_216 = tpu.memref_squeeze %dma_wait3A_215 : memref<1x128x128xf32, #tpu.memory_space<vmem>> -> memref<128x128xf32, #tpu.memory_space<vmem>>
      %dma_wait3A_217 = arith.constant 0 : i32
      %dma_wait3A_218 = tpu.memref_slice %arg6[%add3A_211, %dma_wait3A_217] : memref<40x128xi32, #tpu.memory_space<vmem>> -> memref<1x128xi32, #tpu.memory_space<vmem>>
      %dma_wait3A_219 = tpu.memref_squeeze %dma_wait3A_218 : memref<1x128xi32, #tpu.memory_space<vmem>> -> memref<128xi32, #tpu.memory_space<vmem>>
      %dma_wait3A_220 = arith.constant 0 : i32
      %dma_wait3A_221 = arith.constant 0 : i32
      %dma_wait3A_222 = tpu.memref_slice %arg2[%dma_wait3A_220, %dma_wait3A_221] : memref<10000x128xf32, #tpu.memory_space<hbm>> -> memref<10000x128xf32, #tpu.memory_space<hbm>>
      tpu.wait_indirect_dma semaphore(%arg13 : memref<!tpu.dma_semaphore, #tpu.memory_space<semaphore_mem>>) src(%dma_wait3A_222 : memref<10000x128xf32, #tpu.memory_space<hbm>>) dst(%dma_wait3A_216 : memref<128x128xf32, #tpu.memory_space<vmem>>)
      %dma_start3A_223 = arith.constant 1 : i32
      %dma_start3A_224 = arith.constant 0 : i32
      %dma_start3A_225 = arith.constant 0 : i32
      %dma_start3A_226 = tpu.memref_slice %arg8[%dma_start3A_223, %dma_start3A_224, %dma_start3A_225] : memref<2x128x128xf32, #tpu.memory_space<vmem>> -> memref<1x128x128xf32, #tpu.memory_space<vmem>>
      %dma_start3A_227 = tpu.memref_squeeze %dma_start3A_226 : memref<1x128x128xf32, #tpu.memory_space<vmem>> -> memref<128x128xf32, #tpu.memory_space<vmem>>
      %dma_start3A_228 = arith.constant 0 : i32
      %dma_start3A_229 = tpu.memref_slice %arg7[%add3A_211, %dma_start3A_228] : memref<40x128xi32, #tpu.memory_space<vmem>> -> memref<1x128xi32, #tpu.memory_space<vmem>>
      %dma_start3A_230 = tpu.memref_squeeze %dma_start3A_229 : memref<1x128xi32, #tpu.memory_space<vmem>> -> memref<128xi32, #tpu.memory_space<vmem>>
      %dma_start3A_231 = arith.constant 0 : i32
      %dma_start3A_232 = arith.constant 0 : i32
      %dma_start3A_233 = tpu.memref_slice %arg10[%dma_start3A_231, %dma_start3A_232] : memref<10240x128xf32, #tpu.memory_space<vmem_shared>> -> memref<10240x128xf32, #tpu.memory_space<vmem_shared>>
      tpu.enqueue_indirect_dma source(%dma_start3A_227 : memref<128x128xf32, #tpu.memory_space<vmem>>) target(%dma_start3A_233 : memref<10240x128xf32, #tpu.memory_space<vmem_shared>>) offsets(%dma_start3A_230 : memref<128xi32, #tpu.memory_space<vmem>>) semaphore(%arg15 : memref<!tpu.dma_semaphore, #tpu.memory_space<semaphore_mem>>) {add = true}
    }
    %scan3A_132 = arith.constant 20 : i32
    %dma_wait3A_133 = arith.constant 0 : i32
    %dma_wait3A_134 = arith.constant 38 : i32
    %dma_wait3A_135 = arith.constant 0 : i32
    %dma_wait3A_136 = arith.constant 0 : i32
    %dma_wait3A_137 = tpu.memref_slice %arg8[%dma_wait3A_133, %dma_wait3A_135, %dma_wait3A_136] : memref<2x128x128xf32, #tpu.memory_space<vmem>> -> memref<1x128x128xf32, #tpu.memory_space<vmem>>
    %dma_wait3A_138 = tpu.memref_squeeze %dma_wait3A_137 : memref<1x128x128xf32, #tpu.memory_space<vmem>> -> memref<128x128xf32, #tpu.memory_space<vmem>>
    %dma_wait3A_139 = arith.constant 0 : i32
    %dma_wait3A_140 = tpu.memref_slice %arg7[%dma_wait3A_134, %dma_wait3A_139] : memref<40x128xi32, #tpu.memory_space<vmem>> -> memref<1x128xi32, #tpu.memory_space<vmem>>
    %dma_wait3A_141 = tpu.memref_squeeze %dma_wait3A_140 : memref<1x128xi32, #tpu.memory_space<vmem>> -> memref<128xi32, #tpu.memory_space<vmem>>
    %dma_wait3A_142 = arith.constant 0 : i32
    %dma_wait3A_143 = arith.constant 0 : i32
    %dma_wait3A_144 = tpu.memref_slice %arg10[%dma_wait3A_142, %dma_wait3A_143] : memref<10240x128xf32, #tpu.memory_space<vmem_shared>> -> memref<10240x128xf32, #tpu.memory_space<vmem_shared>>
    tpu.wait_indirect_dma semaphore(%arg14 : memref<!tpu.dma_semaphore, #tpu.memory_space<semaphore_mem>>) src(%dma_wait3A_138 : memref<128x128xf32, #tpu.memory_space<vmem>>) dst(%dma_wait3A_144 : memref<10240x128xf32, #tpu.memory_space<vmem_shared>>)
    %dma_wait3A_145 = arith.constant 1 : i32
    %dma_wait3A_146 = arith.constant 39 : i32
    %dma_wait3A_147 = arith.constant 0 : i32
    %dma_wait3A_148 = arith.constant 0 : i32
    %dma_wait3A_149 = tpu.memref_slice %arg8[%dma_wait3A_145, %dma_wait3A_147, %dma_wait3A_148] : memref<2x128x128xf32, #tpu.memory_space<vmem>> -> memref<1x128x128xf32, #tpu.memory_space<vmem>>
    %dma_wait3A_150 = tpu.memref_squeeze %dma_wait3A_149 : memref<1x128x128xf32, #tpu.memory_space<vmem>> -> memref<128x128xf32, #tpu.memory_space<vmem>>
    %dma_wait3A_151 = arith.constant 0 : i32
    %dma_wait3A_152 = tpu.memref_slice %arg7[%dma_wait3A_146, %dma_wait3A_151] : memref<40x128xi32, #tpu.memory_space<vmem>> -> memref<1x128xi32, #tpu.memory_space<vmem>>
    %dma_wait3A_153 = tpu.memref_squeeze %dma_wait3A_152 : memref<1x128xi32, #tpu.memory_space<vmem>> -> memref<128xi32, #tpu.memory_space<vmem>>
    %dma_wait3A_154 = arith.constant 0 : i32
    %dma_wait3A_155 = arith.constant 0 : i32
    %dma_wait3A_156 = tpu.memref_slice %arg10[%dma_wait3A_154, %dma_wait3A_155] : memref<10240x128xf32, #tpu.memory_space<vmem_shared>> -> memref<10240x128xf32, #tpu.memory_space<vmem_shared>>
    tpu.wait_indirect_dma semaphore(%arg15 : memref<!tpu.dma_semaphore, #tpu.memory_space<semaphore_mem>>) src(%dma_wait3A_150 : memref<128x128xf32, #tpu.memory_space<vmem>>) dst(%dma_wait3A_156 : memref<10240x128xf32, #tpu.memory_space<vmem_shared>>)
    %barrier3A_157 = arith.constant 0 : index
    tpu.barrier barrier_id(%barrier3A_157)
    %mul3A_158 = arith.constant 640 : i32
    %mul3A_159 = arith.muli %arg1, %mul3A_158 : i32
    %mul3A_160 = arith.constant 640 : i32
    %mul3A_161 = arith.muli %arg1, %mul3A_160 : i32
    "tpu.region"() ({
      %run_scoped3A_162 = tpu.sem_alloc : memref<!tpu.dma_semaphore, #tpu.memory_space<semaphore_mem>>
      %dma_start3A_163 = arith.constant 0 : i32
      %dma_start3A_164 = tpu.memref_slice %arg5[%arg0, %mul3A_161, %dma_start3A_163] : memref<2x10240x128xf32, #tpu.memory_space<hbm>> -> memref<1x640x128xf32, #tpu.memory_space<hbm>>
      %dma_start3A_165 = tpu.memref_squeeze %dma_start3A_164 : memref<1x640x128xf32, #tpu.memory_space<hbm>> -> memref<640x128xf32, #tpu.memory_space<hbm>>
      %dma_start3A_166 = arith.constant 0 : i32
      %dma_start3A_167 = tpu.memref_slice %arg10[%mul3A_159, %dma_start3A_166] : memref<10240x128xf32, #tpu.memory_space<vmem_shared>> -> memref<640x128xf32, #tpu.memory_space<vmem_shared>>
      tpu.enqueue_dma source(%dma_start3A_167 : memref<640x128xf32, #tpu.memory_space<vmem_shared>>) target(%dma_start3A_165 : memref<640x128xf32, #tpu.memory_space<hbm>>) target_semaphore(%run_scoped3A_162 : memref<!tpu.dma_semaphore, #tpu.memory_space<semaphore_mem>>)
      %dma_wait3A_168 = arith.constant 0 : i32
      %dma_wait3A_169 = tpu.memref_slice %arg5[%arg0, %mul3A_161, %dma_wait3A_168] : memref<2x10240x128xf32, #tpu.memory_space<hbm>> -> memref<1x640x128xf32, #tpu.memory_space<hbm>>
      %dma_wait3A_170 = tpu.memref_squeeze %dma_wait3A_169 : memref<1x640x128xf32, #tpu.memory_space<hbm>> -> memref<640x128xf32, #tpu.memory_space<hbm>>
      %dma_wait3A_171 = arith.constant 0 : i32
      %dma_wait3A_172 = tpu.memref_slice %arg10[%mul3A_159, %dma_wait3A_171] : memref<10240x128xf32, #tpu.memory_space<vmem_shared>> -> memref<640x128xf32, #tpu.memory_space<vmem_shared>>
      tpu.wait_dma2 semaphore(%run_scoped3A_162 : memref<!tpu.dma_semaphore, #tpu.memory_space<semaphore_mem>>) src(%dma_wait3A_172 : memref<640x128xf32, #tpu.memory_space<vmem_shared>>) dst(%dma_wait3A_170 : memref<640x128xf32, #tpu.memory_space<hbm>>)
      tpu.yield
    }) : () -> ()
    return
  }
}

module attributes {stable_mosaic.version = 14 : i64} {
  func.func @_tc1_body(%arg0: i32, %arg1: memref<1000x128xf32, #tpu.memory_space<vmem>>, %arg2: memref<2x1000x128xf32, #tpu.memory_space<vmem>>, %arg3: memref<2x1000x1xf32, #tpu.memory_space<vmem>>, %arg4: memref<128x256xf32, #tpu.memory_space<vmem>>, %arg5: memref<128x256xf32, #tpu.memory_space<vmem>>, %arg6: memref<1x256xf32, #tpu.memory_space<vmem>>, %arg7: memref<256x128xf32, #tpu.memory_space<vmem>>, %arg8: memref<256x128xf32, #tpu.memory_space<vmem>>, %arg9: memref<1x128xf32, #tpu.memory_space<vmem>>, %arg10: memref<1000x128xf32, #tpu.memory_space<vmem>>, %arg11: memref<1000x128xf32, #tpu.memory_space<vmem>>) attributes {dimension_semantics = [#tpu.dimension_semantics<arbitrary>], iteration_bounds = array<i64: 10>, scalar_prefetch = 0 : i64, scratch_operands = 0 : i64, tpu.core_type = #tpu.core_type<tc>, window_params = [{transform_indices = @transform_0, window_bounds = array<i64: 1000, 128>}, {transform_indices = @transform_1, window_bounds = array<i64: 2, 1000, 128>}, {transform_indices = @transform_2, window_bounds = array<i64: 2, 1000, 1>}, {pipeline_mode = #tpu.pipeline_mode<synchronous>, transform_indices = @transform_3, window_bounds = array<i64: 128, 256>}, {pipeline_mode = #tpu.pipeline_mode<synchronous>, transform_indices = @transform_4, window_bounds = array<i64: 128, 256>}, {pipeline_mode = #tpu.pipeline_mode<synchronous>, transform_indices = @transform_5, window_bounds = array<i64: 1, 256>}, {pipeline_mode = #tpu.pipeline_mode<synchronous>, transform_indices = @transform_6, window_bounds = array<i64: 256, 128>}, {pipeline_mode = #tpu.pipeline_mode<synchronous>, transform_indices = @transform_7, window_bounds = array<i64: 256, 128>}, {pipeline_mode = #tpu.pipeline_mode<synchronous>, transform_indices = @transform_8, window_bounds = array<i64: 1, 128>}, {transform_indices = @transform_9, window_bounds = array<i64: 1000, 128>}, {transform_indices = @transform_10, window_bounds = array<i64: 1000, 128>}]} {
    %get3A = arith.constant 0 : index
    %get3A_0 = arith.constant 0 : index
    %get3A_1 = arith.constant 0 : index
    %get3A_2 = vector.load %arg3[%get3A, %get3A_0, %get3A_1] : memref<2x1000x1xf32, #tpu.memory_space<vmem>>, vector<1x1000x1xf32>
    %get3A_3 = vector.shape_cast %get3A_2 : vector<1x1000x1xf32> to vector<1000x1xf32>
    %get3A_4 = arith.constant 1 : index
    %get3A_5 = arith.constant 0 : index
    %get3A_6 = arith.constant 0 : index
    %get3A_7 = vector.load %arg3[%get3A_4, %get3A_5, %get3A_6] : memref<2x1000x1xf32, #tpu.memory_space<vmem>>, vector<1x1000x1xf32>
    %get3A_8 = vector.shape_cast %get3A_7 : vector<1x1000x1xf32> to vector<1000x1xf32>
    %add3A = arith.addf %get3A_3, %get3A_8 : vector<1000x1xf32>
    %max3A = arith.constant 1.000000e+00 : f32
    %max3A_9 = vector.broadcast %max3A : f32 to vector<1000x1xf32>
    %max3A_10 = arith.maximumf %add3A, %max3A_9 : vector<1000x1xf32>
    %div3A = arith.constant 1.000000e+00 : f32
    %div3A_11 = vector.broadcast %div3A : f32 to vector<1000x1xf32>
    %div3A_12 = arith.divf %div3A_11, %max3A_10 : vector<1000x1xf32>
    %get3A_13 = arith.constant 0 : index
    %get3A_14 = arith.constant 0 : index
    %get3A_15 = arith.constant 0 : index
    %get3A_16 = vector.load %arg2[%get3A_13, %get3A_14, %get3A_15] : memref<2x1000x128xf32, #tpu.memory_space<vmem>>, vector<1x1000x128xf32>
    %get3A_17 = vector.shape_cast %get3A_16 : vector<1x1000x128xf32> to vector<1000x128xf32>
    %get3A_18 = arith.constant 1 : index
    %get3A_19 = arith.constant 0 : index
    %get3A_20 = arith.constant 0 : index
    %get3A_21 = vector.load %arg2[%get3A_18, %get3A_19, %get3A_20] : memref<2x1000x128xf32, #tpu.memory_space<vmem>>, vector<1x1000x128xf32>
    %get3A_22 = vector.shape_cast %get3A_21 : vector<1x1000x128xf32> to vector<1000x128xf32>
    %add3A_23 = arith.addf %get3A_17, %get3A_22 : vector<1000x128xf32>
    %mul3A = vector.broadcast %div3A_12 : vector<1000x1xf32> to vector<1000x128xf32>
    %mul3A_24 = arith.mulf %add3A_23, %mul3A : vector<1000x128xf32>
    %get3A_25 = arith.constant 0 : index
    %get3A_26 = arith.constant 0 : index
    %get3A_27 = vector.load %arg1[%get3A_25, %get3A_26] : memref<1000x128xf32, #tpu.memory_space<vmem>>, vector<1000x128xf32>
    %get3A_28 = arith.constant 0 : index
    %get3A_29 = arith.constant 0 : index
    %get3A_30 = vector.load %arg4[%get3A_28, %get3A_29] : memref<128x256xf32, #tpu.memory_space<vmem>>, vector<128x256xf32>
    %dot_general3A = arith.constant dense<0.000000e+00> : vector<1000x256xf32>
    %dot_general3A_31 = tpu.matmul %get3A_27, %get3A_30, %dot_general3A {dimension_numbers = #tpu.dot_dimension_numbers<[1], [0], [0], [1], [0, 0, 1, 1], [], []>, transpose_lhs_hint = false} : vector<1000x128xf32>, vector<128x256xf32>, vector<1000x256xf32> -> vector<1000x256xf32>
    %get3A_32 = arith.constant 0 : index
    %get3A_33 = arith.constant 0 : index
    %get3A_34 = vector.load %arg5[%get3A_32, %get3A_33] : memref<128x256xf32, #tpu.memory_space<vmem>>, vector<128x256xf32>
    %dot_general3A_35 = arith.constant dense<0.000000e+00> : vector<1000x256xf32>
    %dot_general3A_36 = tpu.matmul %mul3A_24, %get3A_34, %dot_general3A_35 {dimension_numbers = #tpu.dot_dimension_numbers<[1], [0], [0], [1], [0, 0, 1, 1], [], []>, transpose_lhs_hint = false} : vector<1000x128xf32>, vector<128x256xf32>, vector<1000x256xf32> -> vector<1000x256xf32>
    %add3A_37 = arith.addf %dot_general3A_31, %dot_general3A_36 : vector<1000x256xf32>
    %get3A_38 = arith.constant 0 : index
    %get3A_39 = arith.constant 0 : index
    %get3A_40 = vector.load %arg6[%get3A_38, %get3A_39] : memref<1x256xf32, #tpu.memory_space<vmem>>, vector<1x256xf32>
    %add3A_41 = vector.broadcast %get3A_40 : vector<1x256xf32> to vector<1000x256xf32>
    %add3A_42 = arith.addf %add3A_37, %add3A_41 : vector<1000x256xf32>
    %max3A_43 = arith.constant 0.000000e+00 : f32
    %max3A_44 = vector.broadcast %max3A_43 : f32 to vector<1000x256xf32>
    %max3A_45 = arith.maximumf %add3A_42, %max3A_44 : vector<1000x256xf32>
    %get3A_46 = arith.constant 0 : index
    %get3A_47 = arith.constant 0 : index
    %get3A_48 = vector.load %arg8[%get3A_46, %get3A_47] : memref<256x128xf32, #tpu.memory_space<vmem>>, vector<256x128xf32>
    %dot_general3A_49 = arith.constant dense<0.000000e+00> : vector<1000x128xf32>
    %dot_general3A_50 = tpu.matmul %max3A_45, %get3A_48, %dot_general3A_49 {dimension_numbers = #tpu.dot_dimension_numbers<[1], [0], [0], [1], [0, 0, 1, 1], [], []>, transpose_lhs_hint = false} : vector<1000x256xf32>, vector<256x128xf32>, vector<1000x128xf32> -> vector<1000x128xf32>
    %swap3A = arith.constant 0 : index
    %swap3A_51 = arith.constant 0 : index
    %swap3A_52 = vector.load %arg10[%swap3A, %swap3A_51] : memref<1000x128xf32, #tpu.memory_space<vmem>>, vector<1000x128xf32>
    tpu.vector_store %arg10[%swap3A, %swap3A_51], %dot_general3A_50 {strides = array<i32>} : memref<1000x128xf32, #tpu.memory_space<vmem>>, vector<1000x128xf32>,
    %get3A_53 = arith.constant 0 : index
    %get3A_54 = arith.constant 0 : index
    %get3A_55 = vector.load %arg7[%get3A_53, %get3A_54] : memref<256x128xf32, #tpu.memory_space<vmem>>, vector<256x128xf32>
    %dot_general3A_56 = arith.constant dense<0.000000e+00> : vector<1000x128xf32>
    %dot_general3A_57 = tpu.matmul %max3A_45, %get3A_55, %dot_general3A_56 {dimension_numbers = #tpu.dot_dimension_numbers<[1], [0], [0], [1], [0, 0, 1, 1], [], []>, transpose_lhs_hint = false} : vector<1000x256xf32>, vector<256x128xf32>, vector<1000x128xf32> -> vector<1000x128xf32>
    %get3A_58 = arith.constant 0 : index
    %get3A_59 = arith.constant 0 : index
    %get3A_60 = vector.load %arg9[%get3A_58, %get3A_59] : memref<1x128xf32, #tpu.memory_space<vmem>>, vector<1x128xf32>
    %add3A_61 = vector.broadcast %get3A_60 : vector<1x128xf32> to vector<1000x128xf32>
    %add3A_62 = arith.addf %dot_general3A_57, %add3A_61 : vector<1000x128xf32>
    %swap3A_63 = arith.constant 0 : index
    %swap3A_64 = arith.constant 0 : index
    %swap3A_65 = vector.load %arg11[%swap3A_63, %swap3A_64] : memref<1000x128xf32, #tpu.memory_space<vmem>>, vector<1000x128xf32>
    tpu.vector_store %arg11[%swap3A_63, %swap3A_64], %add3A_62 {strides = array<i32>} : memref<1000x128xf32, #tpu.memory_space<vmem>>, vector<1000x128xf32>,
    return
  }
  func.func @transform_0(%arg0: i32) -> (i32, i32) {
    %c0_i32 = arith.constant 0 : i32
    %c0_i32_0 = arith.constant 0 : i32
    return %arg0, %c0_i32 : i32, i32
  }
  func.func @transform_1(%arg0: i32) -> (i32, i32, i32) {
    %c0_i32 = arith.constant 0 : i32
    %c0_i32_0 = arith.constant 0 : i32
    %c0_i32_1 = arith.constant 0 : i32
    return %c0_i32, %arg0, %c0_i32_0 : i32, i32, i32
  }
  func.func @transform_2(%arg0: i32) -> (i32, i32, i32) {
    %c0_i32 = arith.constant 0 : i32
    %c0_i32_0 = arith.constant 0 : i32
    %c0_i32_1 = arith.constant 0 : i32
    return %c0_i32, %arg0, %c0_i32_0 : i32, i32, i32
  }
  func.func @transform_3(%arg0: i32) -> (i32, i32) {
    %c0_i32 = arith.constant 0 : i32
    %c0_i32_0 = arith.constant 0 : i32
    %c0_i32_1 = arith.constant 0 : i32
    return %c0_i32, %c0_i32_0 : i32, i32
  }
  func.func @transform_4(%arg0: i32) -> (i32, i32) {
    %c0_i32 = arith.constant 0 : i32
    %c0_i32_0 = arith.constant 0 : i32
    %c0_i32_1 = arith.constant 0 : i32
    return %c0_i32, %c0_i32_0 : i32, i32
  }
  func.func @transform_5(%arg0: i32) -> (i32, i32) {
    %c0_i32 = arith.constant 0 : i32
    %c0_i32_0 = arith.constant 0 : i32
    %c0_i32_1 = arith.constant 0 : i32
    return %c0_i32, %c0_i32_0 : i32, i32
  }
  func.func @transform_6(%arg0: i32) -> (i32, i32) {
    %c0_i32 = arith.constant 0 : i32
    %c0_i32_0 = arith.constant 0 : i32
    %c0_i32_1 = arith.constant 0 : i32
    return %c0_i32, %c0_i32_0 : i32, i32
  }
  func.func @transform_7(%arg0: i32) -> (i32, i32) {
    %c0_i32 = arith.constant 0 : i32
    %c0_i32_0 = arith.constant 0 : i32
    %c0_i32_1 = arith.constant 0 : i32
    return %c0_i32, %c0_i32_0 : i32, i32
  }
  func.func @transform_8(%arg0: i32) -> (i32, i32) {
    %c0_i32 = arith.constant 0 : i32
    %c0_i32_0 = arith.constant 0 : i32
    %c0_i32_1 = arith.constant 0 : i32
    return %c0_i32, %c0_i32_0 : i32, i32
  }
  func.func @transform_9(%arg0: i32) -> (i32, i32) {
    %c0_i32 = arith.constant 0 : i32
    %c0_i32_0 = arith.constant 0 : i32
    return %arg0, %c0_i32 : i32, i32
  }
  func.func @transform_10(%arg0: i32) -> (i32, i32) {
    %c0_i32 = arith.constant 0 : i32
    %c0_i32_0 = arith.constant 0 : i32
    return %arg0, %c0_i32 : i32, i32
  }
}

module attributes {stable_mosaic.version = 14 : i64} {
  func.func @_tc2_body(%arg0: i32, %arg1: memref<1000x128xf32, #tpu.memory_space<vmem>>, %arg2: memref<2x1000x128xf32, #tpu.memory_space<vmem>>, %arg3: memref<2x1000x1xf32, #tpu.memory_space<vmem>>, %arg4: memref<1000x128xf32, #tpu.memory_space<vmem>>) attributes {dimension_semantics = [#tpu.dimension_semantics<arbitrary>], iteration_bounds = array<i64: 10>, scalar_prefetch = 0 : i64, scratch_operands = 0 : i64, tpu.core_type = #tpu.core_type<tc>, window_params = [{transform_indices = @transform_0, window_bounds = array<i64: 1000, 128>}, {transform_indices = @transform_1, window_bounds = array<i64: 2, 1000, 128>}, {transform_indices = @transform_2, window_bounds = array<i64: 2, 1000, 1>}, {transform_indices = @transform_3, window_bounds = array<i64: 1000, 128>}]} {
    %get3A = arith.constant 0 : index
    %get3A_0 = arith.constant 0 : index
    %get3A_1 = arith.constant 0 : index
    %get3A_2 = vector.load %arg3[%get3A, %get3A_0, %get3A_1] : memref<2x1000x1xf32, #tpu.memory_space<vmem>>, vector<1x1000x1xf32>
    %get3A_3 = vector.shape_cast %get3A_2 : vector<1x1000x1xf32> to vector<1000x1xf32>
    %get3A_4 = arith.constant 1 : index
    %get3A_5 = arith.constant 0 : index
    %get3A_6 = arith.constant 0 : index
    %get3A_7 = vector.load %arg3[%get3A_4, %get3A_5, %get3A_6] : memref<2x1000x1xf32, #tpu.memory_space<vmem>>, vector<1x1000x1xf32>
    %get3A_8 = vector.shape_cast %get3A_7 : vector<1x1000x1xf32> to vector<1000x1xf32>
    %add3A = arith.addf %get3A_3, %get3A_8 : vector<1000x1xf32>
    %max3A = arith.constant 1.000000e+00 : f32
    %max3A_9 = vector.broadcast %max3A : f32 to vector<1000x1xf32>
    %max3A_10 = arith.maximumf %add3A, %max3A_9 : vector<1000x1xf32>
    %div3A = arith.constant 1.000000e+00 : f32
    %div3A_11 = vector.broadcast %div3A : f32 to vector<1000x1xf32>
    %div3A_12 = arith.divf %div3A_11, %max3A_10 : vector<1000x1xf32>
    %get3A_13 = arith.constant 0 : index
    %get3A_14 = arith.constant 0 : index
    %get3A_15 = vector.load %arg1[%get3A_13, %get3A_14] : memref<1000x128xf32, #tpu.memory_space<vmem>>, vector<1000x128xf32>
    %get3A_16 = arith.constant 0 : index
    %get3A_17 = arith.constant 0 : index
    %get3A_18 = arith.constant 0 : index
    %get3A_19 = vector.load %arg2[%get3A_16, %get3A_17, %get3A_18] : memref<2x1000x128xf32, #tpu.memory_space<vmem>>, vector<1x1000x128xf32>
    %get3A_20 = vector.shape_cast %get3A_19 : vector<1x1000x128xf32> to vector<1000x128xf32>
    %get3A_21 = arith.constant 1 : index
    %get3A_22 = arith.constant 0 : index
    %get3A_23 = arith.constant 0 : index
    %get3A_24 = vector.load %arg2[%get3A_21, %get3A_22, %get3A_23] : memref<2x1000x128xf32, #tpu.memory_space<vmem>>, vector<1x1000x128xf32>
    %get3A_25 = vector.shape_cast %get3A_24 : vector<1x1000x128xf32> to vector<1000x128xf32>
    %add3A_26 = arith.addf %get3A_20, %get3A_25 : vector<1000x128xf32>
    %mul3A = vector.broadcast %div3A_12 : vector<1000x1xf32> to vector<1000x128xf32>
    %mul3A_27 = arith.mulf %add3A_26, %mul3A : vector<1000x128xf32>
    %add3A_28 = arith.addf %get3A_15, %mul3A_27 : vector<1000x128xf32>
    %swap3A = arith.constant 0 : index
    %swap3A_29 = arith.constant 0 : index
    %swap3A_30 = vector.load %arg4[%swap3A, %swap3A_29] : memref<1000x128xf32, #tpu.memory_space<vmem>>, vector<1000x128xf32>
    tpu.vector_store %arg4[%swap3A, %swap3A_29], %add3A_28 {strides = array<i32>} : memref<1000x128xf32, #tpu.memory_space<vmem>>, vector<1000x128xf32>,
    return
  }
  func.func @transform_0(%arg0: i32) -> (i32, i32) {
    %c0_i32 = arith.constant 0 : i32
    %c0_i32_0 = arith.constant 0 : i32
    return %arg0, %c0_i32 : i32, i32
  }
  func.func @transform_1(%arg0: i32) -> (i32, i32, i32) {
    %c0_i32 = arith.constant 0 : i32
    %c0_i32_0 = arith.constant 0 : i32
    %c0_i32_1 = arith.constant 0 : i32
    return %c0_i32, %arg0, %c0_i32_0 : i32, i32, i32
  }
  func.func @transform_2(%arg0: i32) -> (i32, i32, i32) {
    %c0_i32 = arith.constant 0 : i32
    %c0_i32_0 = arith.constant 0 : i32
    %c0_i32_1 = arith.constant 0 : i32
    return %c0_i32, %arg0, %c0_i32_0 : i32, i32, i32
  }
  func.func @transform_3(%arg0: i32) -> (i32, i32) {
    %c0_i32 = arith.constant 0 : i32
    %c0_i32_0 = arith.constant 0 : i32
    return %arg0, %c0_i32 : i32, i32
  }
}

</mosaic_0001>

<sc_bundles>
// kernel: kernel.6.cloned.1.call-start
scs
__scs_entry_jumppad:
0x0: {  	(pc) =	sbr.rel $0x88, $3  }
0x1: {  	(tag) =	ssettag $0x0;
	lr =	simm.s32 $0x1  }
0x2: {  	[smem:$0x3F99] =	sst lr;
	_ =	strace $0xD0000000  }
0x3: {  	_ = 	snop  }
0x4: {  	_ = 	snop  }
0x5: {  	_ = 	snop  }
0x6: {  	_ = 	snop  }
0x7: {  	_ = 	snop  }
__scs_overlays_trampoline_lowered:
0x8: {  	[smem:$0x3FA8] =	sst s0  }
0x9: {  	[smem:$0x3FA9] =	sst s1  }
0xa: {  	[smem:$0x3FAA] =	sst s2  }
0xb: {  	[smem:$0x3FAB] =	sst s3  }
0xc: {  	[smem:$0x3FAC] =	sst s4  }
0xd: {  	[smem:$0x3FAD] =	sst s5  }
0xe: {  	[smem:$0x3FAE] =	sst s6  }
0xf: {  	[smem:$0x3FAF] =	sst s7  }
0x10: {  	[smem:$0x3FB0] =	sst s8  }
0x11: {  	[smem:$0x3FB1] =	sst s9;
	s0 =	simm.s32 @!p0 $0x0  }
0x12: {  	s1 =	sld [smem:$0x3F97];
	s0 =	simm.s32 @p0 $0x1  }
0x13: {  	[smem:$0x3FB2] =	sst s0;
	s0 =	simm.s32 @!p1 $0x0  }
0x14: {  	s2 =	sld [smem:$0x3F96];
	s0 =	simm.s32 @p1 $0x1  }
0x15: {  	[smem:$0x3FB3] =	sst s0;
	s0 =	simm.s32 @!p2 $0x0  }
0x16: {  	s3 =	sld [smem:$0x3FDB];
	s0 =	simm.s32 @p2 $0x1  }
0x17: {  	s4 =	simm.s32 $0x1BF5;
	[smem:$0x3FB5] =	sst s0  }
0x18: {  	s0 =	sld [smem:$0x3F98];
	_ =	swait.ge [sflag:s4], $0x0  }
0x19: {  	s7 =	sld [smem:$0x3F99]  }
0x1a: {  	s8 =	sadd.s32 $0xFFFFE003, lr  }
0x1b: {  	s9 =	sadd.s32 $0xFFFFFEF7, lr;
	s5 =	simm.s32 $0xFFFFFFFF;
	p2 =	slt.u32 s8, $0xFFFFF086  }
0x1c: {  	p1 =	slt.u32 s9, $0xF7A;
	s5 =	simm.s32 @!p2 $0x0  }
0x1d: {  	s5 =	simm.s32 @p1 $0x1;
	p0 =	seq.s32 s7, s2  }
0x1e: {  	s7 =	smul.u32 @!p0 $0xF7A, s2;
	p2 =	seq.s32 @!p0 s5, $0x0  }
0x1f: {  	s9 =	smul.u32 $0xF7A, s1;
	s8 =	simm.s32 @!p0 $0x1BF5;
	p2 =	por !p2, p0  }
0x20: {  	[sflag:s8] =	ssyncset.s32 @!p0 $0xFFFFF086;
	s6 =	sadd.s32 @!p0 s3, s7;
	s7 =	simm.s32 @!p0 $0x108  }
0x21: {  	s3 =	sadd.s32 s3, s9;
	s6 =	sadd.s32 @!p0 $0x88, s6;
	s7 =	simm.s32 @p2 $0x1082  }
0x22: {  	[simem:s7], [sflag:s8] =	dma.local @!p0 [hbm:s6], $0xF7A  }
0x23: {  	s9 =	sor.u32 $0xD0000000, s2;
	s6 =	simm.s32 $0x108;
	_ =	swait.ge @!p0 [sflag:s8], $0x0  }
0x24: {  	s3 =	sadd.s32 $0x88, s3;
	s6 =	simm.s32 @!p1 $0x1082;
	[sflag:s4] =	ssyncset.s32 $0xFFFFF086  }
0x25: {  	[simem:s6], [sflag:s4] =	dma.local [hbm:s3], $0xF7A  }
0x26: {  	[smem:$0x3F99] =	sst s1;
	(tag) =	ssettag s2;
	_ =	strace s9  }
0x27: {  	s1 =	sld [smem:$0x3FA9]  }
0x28: {  	s2 =	sld [smem:$0x3FAA]  }
0x29: {  	s4 =	sld [smem:$0x3FAC]  }
0x2a: {  	p0 =	seq.s32 s5, $0x0;
	s5 =	sld [smem:$0x3FAD]  }
0x2b: {  	s6 =	sld [smem:$0x3FAE]  }
0x2c: {  	s7 =	sld [smem:$0x3FAF]  }
0x2d: {  	s3 =	simm.s32 $0x108;
	s8 =	sld [smem:$0x3FB0]  }
0x2e: {  	s3 =	simm.s32 @!p0 $0x1082;
	s9 =	sld [smem:$0x3FB1]  }
0x2f: {  	lr =	sadd.s32 s0, s3;
	s0 =	sld [smem:$0x3FA8]  }
0x30: {  	s3 =	sld [smem:$0x3FAB]  }
0x31: {  	[smem:$0x3FB4] =	sst s10  }
0x32: {  	s10 =	sld [smem:$0x3FB2];
	_ =	sdelay $0x3  }
0x33: {  	p0 =	seq.s32 s10, $0x1;
	s10 =	sld [smem:$0x3FB4];
	_ =	sdelay $0x3  }
0x34: {  	[smem:$0x3FB4] =	sst s10  }
0x35: {  	s10 =	sld [smem:$0x3FB3];
	_ =	sdelay $0x3  }
0x36: {  	p1 =	seq.s32 s10, $0x1;
	s10 =	sld [smem:$0x3FB4];
	_ =	sdelay $0x3  }
0x37: {  	[smem:$0x3FB4] =	sst s10  }
0x38: {  	s10 =	sld [smem:$0x3FB5]  }
0x39: {  	_ = 	snop;
	(pc) =	sbr.ind lr, $3  }
0x3a: {  	_ = 	snop  }
0x3b: {  	_ = 	snop  }
0x3c: {  	p2 =	seq.s32 s10, $0x1;
	s10 =	sld [smem:$0x3FB4]  }
0x3d: {  	_ =	shalt  }
0x3e: {  	_ =	shalt  }
0x3f: {  	_ =	shalt  }
0x40: {  	_ =	shalt  }
0x41: {  	_ =	shalt  }
0x42: {  	_ =	shalt  }
0x43: {  	_ =	shalt  }
0x44: {  	_ =	shalt  }
0x45: {  	_ =	shalt  }
0x46: {  	_ =	shalt  }
0x47: {  	_ =	shalt  }
0x48: {  	_ =	shalt  }
0x49: {  	_ =	shalt  }
0x4a: {  	_ =	shalt  }
0x4b: {  	_ =	shalt  }
0x4c: {  	_ =	shalt  }
0x4d: {  	_ =	shalt  }
0x4e: {  	_ =	shalt  }
0x4f: {  	_ =	shalt  }
0x50: {  	_ =	shalt  }
0x51: {  	_ =	shalt  }
0x52: {  	_ =	shalt  }
0x53: {  	_ =	shalt  }
0x54: {  	_ =	shalt  }
0x55: {  	_ =	shalt  }
0x56: {  	_ =	shalt  }
0x57: {  	_ =	shalt  }
0x58: {  	_ =	shalt  }
0x59: {  	_ =	shalt  }
0x5a: {  	_ =	shalt  }
0x5b: {  	_ =	shalt  }
0x5c: {  	_ =	shalt  }
0x5d: {  	_ =	shalt  }
0x5e: {  	_ =	shalt  }
0x5f: {  	_ =	shalt  }
0x60: {  	_ =	shalt  }
0x61: {  	_ =	shalt  }
0x62: {  	_ =	shalt  }
0x63: {  	_ =	shalt  }
0x64: {  	_ =	shalt  }
0x65: {  	_ =	shalt  }
0x66: {  	_ =	shalt  }
0x67: {  	_ =	shalt  }
0x68: {  	_ =	shalt  }
0x69: {  	_ =	shalt  }
0x6a: {  	_ =	shalt  }
0x6b: {  	_ =	shalt  }
0x6c: {  	_ =	shalt  }
0x6d: {  	_ =	shalt  }
0x6e: {  	_ =	shalt  }
0x6f: {  	_ =	shalt  }
0x70: {  	_ =	shalt  }
0x71: {  	_ =	shalt  }
0x72: {  	_ =	shalt  }
0x73: {  	_ =	shalt  }
0x74: {  	_ =	shalt  }
0x75: {  	_ =	shalt  }
0x76: {  	_ =	shalt  }
0x77: {  	_ =	shalt  }
0x78: {  	_ =	shalt  }
0x79: {  	_ =	shalt  }
0x7a: {  	_ =	shalt  }
0x7b: {  	_ =	shalt  }
0x7c: {  	_ =	shalt  }
0x7d: {  	_ =	shalt  }
0x7e: {  	_ =	shalt  }
0x7f: {  	_ =	shalt  }
0x80: {  	_ =	shalt  }
0x81: {  	_ =	shalt  }
0x82: {  	_ =	shalt  }
0x83: {  	_ =	shalt  }
0x84: {  	_ =	shalt  }
0x85: {  	_ =	shalt  }
0x86: {  	_ =	shalt  }
0x87: {  	_ =	shalt  }
.Lfunc_end0:
.L_simem_size_0:
called_computation_lowered:
.L_overlay_start_0:
0x88: {  	s2 =	sld [smem:$0x3FD9]  }
0x89: {  	s3 =	sld [smem:$0x3FFE];
	_ =	sdelay $0x1  }
0x8a: {  	s1 =	srdreg.scid  }
0x8b: {  	s0 =	sand.u32 $0x1, s1  }
0x8c: {  	s17 =	sshll.u32 s0, $0xA;
	s2 =	sadd.s32 s3, s2  }
0x8d: {  	s2 =	sadd.s32 s2, s17  }
0x8e: {  	[smem:$0x3FC0] =	sst s2  }
0x8f: {  	_ = 	snop  }
0x90: {  	s2 =	sld [smem:$0x3FC9]  }
0x91: {  	s18 =	sld [smem:$0x3FD0];
	(tm) =	ssettm $0x1  }
0x92: {  	s4 =	sld [smem:$0x3FFB];
	_ =	sdelay $0x3  }
0x93: {  	_ =	strace s4  }
0x94: {  	s4 =	sld [smem:$0x3FFC];
	_ =	sdelay $0x3  }
0x95: {  	_ =	strace s4  }
0x96: {  	s4 =	sld [smem:$0x3FFD];
	_ =	sdelay $0x3  }
0x97: {  	_ =	strace s4  }
0x98: {  	_ =	strace $0x8FFFFFFF  }
0x99: {  	s19 =	sld [smem:$0x3FDB];
	_ =	sdelay $0x1  }
0x9a: {  	s5 =	simm.s32 $_scs_section_size  }
0x9b: {  	s6 =	simm.s32 $_size__tile_overlayer_lowered;
	s7 =	simm.s32 $_tile_overlayer_lowered  }
0x9c: {  	s22 =	simm.s32 $0x1BFF;
	s21 =	sshll.u32 s7, $0x1;
	s4 =	sadd.s32 s5, s19  }
0x9d: {  	s8 =	simm.s32 $0x0;
	s20 =	sshll.u32 s6, $0x1;
	s6 =	sadd.s32 s21, s4  }
0x9e: {  	[timem:s8], [sflag:s22] =	dma.local [hbm:s6], s20  }
0x9f: {  	_ =	swait.ge [sflag:s22], s20  }
0xa0: {  	s5 =	ssub.s32 $0x0, s20;
	[sflag:s22] =	ssyncset.done $0x0  }
0xa1: {  	[sflag:s22] =	ssyncadd.s32 s5;
	_ =	sdelay $0x1  }
0xa2: {  	s23 =	simm.s32 $0x1B8B  }
0xa3: {  	_ =	swait.ge [sflag:s23], $0x1  }
0xa4: {  	[sflag:s23] =	ssyncset.done $0x0  }
0xa5: {  	s25 =	simm.s32 $0x1B8E;
	s24 =	sld [smem:$0x3FFE];
	[sflag:s23] =	ssyncadd.s32 $0xFFFFFFFF  }
0xa6: {  	s26 =	simm.s32 $execute0_lowered;
	[smem:$0x3FD2] =	sst s25  }
0xa7: {  	s6 =	sshll.u32 s26, $0x1;
	_ =	strace $0x80000046;
	[dreg:$0x1] =	wrdreg $0xFFFFFFFF  }
0xa8: {  	s28 =	simm.s32 $_size_execute0_lowered;
	s4 =	sadd.s32 s4, s6;
	[dreg:$0x0] =	wrdreg $0x0  }
0xa9: {  	s6 =	sshll.u32 s28, $0x1;
	[dreg:$0x2] =	wrdreg s4  }
0xaa: {  	[dreg:$0x3] =	wrdreg s6  }
0xab: {  	[dreg:$0x4] =	wrdreg $0xC0  }
0xac: {  	_ =	task [dreg:s8], $0x5FFFF  }
0xad: {  	[dreg:$0x1] =	wrdreg $0xFFFFFFFF  }
0xae: {  	[dreg:$0x0] =	wrdreg $0x60  }
0xaf: {  	[dreg:$0x2] =	wrdreg s2  }
0xb0: {  	[dreg:$0x3] =	wrdreg s24  }
0xb1: {  	[dreg:$0x4] =	wrdreg s18  }
0xb2: {  	[dreg:$0x5] =	wrdreg $0xAA800  }
0xb3: {  	[dreg:$0x6] =	wrdreg $0x1EA800  }
0xb4: {  	[dreg:$0x7] =	wrdreg $0x9  }
0xb5: {  	_ =	task.clear_ibuf [dreg:s8], $0x8FFFF;
	_ =	strace $0x90000046  }
0xb6: {  	s29 =	simm.s32 $0x9;
	_ =	strace $0x80000048  }
0xb7: {  	_ =	swait.ge [sflag:s29], $0x1  }
0xb8: {  	[sflag:s29] =	ssyncadd.s32 $0xFFFFFFFF  }
0xb9: {  	_ =	strace $0x90000048  }
0xba: {  	_ =	sfence  }
0xbb: {  	s30 =	sld [smem:$0x0];
	_ =	sdelay $0x2  }
0xbc: {  	s31 =	sshll.u32 s1, $0xD;
	s1 =	sshrl.u32 s1, $0x2  }
0xbd: {  	s3 =	sand.u32 $0x4000, s31;
	s1 =	sadd.s32 s1, s30  }
0xbe: {  	s0 =	sor.u32 s3, s0;
	s1 =	sshll.u32 s1, $0x11  }
0xbf: {  	s0 =	sor.u32 s1, s0  }
0xc0: {  	s0 =	sadd.s32 $0x8F2B, s0  }
0xc1: {  	[sflag:s0] =	ssyncadd.remote.s32 $0x1  }
0xc2: {  	_ =	sfence.sel $0xFFFF  }
0xc3: {  	[dreg:$0x0] =	wrdreg $0xFFFFFFFF;
	(pc) =	sbr.abs _section_cstart, $3  }
0xc4: {  	[dreg:$0x1] =	wrdreg $0xFFFFFFFF  }
0xc5: {  	_ =	task.clear_ibuf [dreg:s8], $0x2FFFF;
	_ =	strace $0x9FFFFFFF  }
0xc6: {  	(tm) =	ssettm $0x7FFFFFFF  }
0xc7: {  	_ =	shalt  }
tec
execute0_lowered:
.L_overlay_start_1:
0x0: {  	(tag) =	ssettag $0x1  }
0x1: {  	s1 =	rddreg [dreg:$0x0]  }
0x2: {  	s0 =	rddreg [dreg:$0x1]  }
0x3: {  	s4 =	rddreg [dreg:$0x2]  }
0x4: {  	s2 =	rddreg [dreg:$0x3]  }
0x5: {  	s3 =	rddreg [dreg:$0x4]  }
0x6: {  	s5 =	srdreg.scid;
	s10 =	stileid.u32;
	s20 =	simm.s32 $0x5  }
0x7: {  	s21 =	simm.s32 $0xA800;
	s22 =	simm.s32 $0x1400;
	s28 =	simm.s32 $0x1480  }
0x8: {  	s29 =	simm.s32 $0x3;
	s30 =	simm.s32 $0x4;
	s7 =	smul.u32 $0x14000, s10  }
0x9: {  	s31 =	simm.s32 $0x0;
	s11 =	sand.u32 $0x1, s5;
	s8 =	smul.u32 $0x50000, s10  }
0xa: {  	s5 =	simm.s32 $0x0;
	s14 =	sadd.s32 $0xC000, s0;
	s16 =	smul.u32 $0x280, s10  }
0xb: {  	s15 =	sadd.s32 $0x2000, s0;
	s6 =	smul.u32 $0x140000, s11;
	[smem:$0x7FF] =	sst s5  }
0xc: {  	s23 =	ssub.s32 $0x2, s11;
	s9 =	sshll.u32 s11, $0x4;
	s19 =	smul.u32 $0x2800, s11  }
0xd: {  	_ =	strace $0x80000047;
	s24 =	sshrl.u32 s23, $0x1;
	s9 =	sor.u32 s10, s9  }
0xe: {  	s8 =	sshrl.u32 s8, $0x2;
	s11 =	sadd.s32 s16, s3;
	s13 =	smul.u32 $0x500, s9  }
0xf: {  	s6 =	sadd.s32 s7, s6;
	s18 =	ssub.s32 s23, s24;
	s17 =	smul.u32 $0x2800, s9  }
0x10: {  	s16 =	sadd.s32 s16, s19;
	s19 =	simm.s32 $0x2800;
	s23 =	simm.s32 $0x80  }
0x11: {  	s24 =	simm.s32 $0x6800;
	s6 =	sshrl.u32 s6, $0x3;
	s26 =	sshrl.u32 s16, $0x3  }
0x12: {  	s18 =	smax.u32 s18, $0x1;
	s0 =	sadd.s32 s6, s0;
	s6 =	sadd.s32 s8, s2  }
0x13: {  	s12 =	sadd.s32 s14, s13;
	s17 =	sshrl.u32 s17, $0x3;
	s13 =	sadd.s32 s15, s13  }
0x14: {  	s25 =	sadd.s32 $0x4000, s6;
	s8 =	sadd.s32 $0x8000, s6;
	s9 =	sadd.s32 $0xC000, s6  }
0x15: {  	s10 =	sadd.s32 $0x10000, s6;
	s17 =	sadd.s32 $0x280, s17;
	s16 =	sadd.s32 $0x16000, s0  }
0x16: {  	[dreg:$0x6] =	wrdreg s25;
	s14 =	sadd.s32 s14, s17;
	s15 =	sadd.s32 s15, s17  }
0x17: {  	v0 =	vimm.f32 $0.0e+00;
	v1 =	vimm.f32 $1.000000000e+00;
	s17 =	sadd.s32 s4, s26;
	s25 =	simm.s32 $0x1;
	s26 =	simm.s32 $0x2  }
.LBB2_1:
0x18: {  	s0 =	simm.s32 $0x0;
	s4 =	simm.s32 $0x200  }
.LBB2_2:
0x19: {  	p0 =	sne.s32 s4, $0xFE00;
	[tilespmem:s0+$0x2870] =	vst v0  }
0x1a: {  	[tilespmem:s0+$0x2800] =	vst v0  }
0x1b: {  	[tilespmem:s0+$0x2810] =	vst v0  }
.Ltmp0:
0x1c: {  	[tilespmem:s0+$0x2820] =	vst v0;
	(pc) =	sbr.rel @p0 .LBB2_2-.Ltmp0, $4  }
0x1d: {  	[tilespmem:s0+$0x2830] =	vst v0  }
0x1e: {  	[tilespmem:s0+$0x2840] =	vst v0  }
0x1f: {  	[tilespmem:s0+$0x2850] =	vst v0  }
0x20: {  	[tilespmem:s0+$0x2860] =	vst v0;
	s0 =	sshra.s32 s4, $0x2;
	s4 =	sadd.s32 $0x200, s4  }
0x21: {  	[tilespmem:s0+$0x2870] =	vst v0  }
0x22: {  	[tilespmem:s0+$0x2800] =	vst v0  }
0x23: {  	[tilespmem:s0+$0x2810] =	vst v0  }
0x24: {  	[tilespmem:s0+$0x2820] =	vst v0  }
0x25: {  	[tilespmem:s0+$0x2830] =	vst v0  }
0x26: {  	[tilespmem:s0+$0x2840] =	vst v0  }
0x27: {  	[tilespmem:s0+$0x2850] =	vst v0  }
0x28: {  	[tilespmem:s0+$0x2860] =	vst v0  }
0x29: {  	[spmem:s6] =	stream.linear.scatter [tilespmem:s19], [sflag:$0x5], $0x4000, $0x38;
	[tilespmem:$0x1ED00] =	vst v63  }
0x2a: {  	_ =	swait.ge [sflag:s20], $0x4000  }
0x2b: {  	[sflag:s20] =	ssyncset.done $0x0  }
0x2c: {  	s7 =	rddreg [dreg:$0x6];
	[sflag:s20] =	ssyncadd.s32 $0xFFFFC000  }
0x2d: {  	[spmem:s7] =	stream.linear.scatter [tilespmem:s19], [sflag:$0x5], $0x4000, $0x38;
	[tilespmem:$0x1ED00] =	vst v63  }
0x2e: {  	_ =	swait.ge [sflag:s20], $0x4000  }
0x2f: {  	[sflag:s20] =	ssyncset.done $0x0  }
0x30: {  	[sflag:s20] =	ssyncadd.s32 $0xFFFFC000  }
0x31: {  	[spmem:s8] =	stream.linear.scatter [tilespmem:s19], [sflag:$0x5], $0x4000, $0x38;
	[tilespmem:$0x1ED00] =	vst v63  }
0x32: {  	_ =	swait.ge [sflag:s20], $0x4000  }
0x33: {  	[sflag:s20] =	ssyncset.done $0x0  }
0x34: {  	[sflag:s20] =	ssyncadd.s32 $0xFFFFC000  }
0x35: {  	[spmem:s9] =	stream.linear.scatter [tilespmem:s19], [sflag:$0x5], $0x4000, $0x38;
	[tilespmem:$0x1ED00] =	vst v63  }
0x36: {  	_ =	swait.ge [sflag:s20], $0x4000  }
0x37: {  	[sflag:s20] =	ssyncset.done $0x0  }
0x38: {  	[sflag:s20] =	ssyncadd.s32 $0xFFFFC000  }
0x39: {  	[spmem:s10] =	stream.linear.scatter [tilespmem:s19], [sflag:$0x5], $0x4000, $0x38;
	[tilespmem:$0x1ED00] =	vst v63  }
0x3a: {  	_ =	swait.ge [sflag:s20], $0x4000  }
0x3b: {  	[sflag:s20] =	ssyncset.done $0x0  }
0x3c: {  	[sflag:s20] =	ssyncadd.s32 $0xFFFFC000  }
0x3d: {  	[tilespmem:$0xA800] =	vst v0  }
0x3e: {  	[tilespmem:$0xA810] =	vst v0  }
0x3f: {  	[tilespmem:$0xA820] =	vst v0  }
0x40: {  	[tilespmem:$0xA830] =	vst v0  }
0x41: {  	[tilespmem:$0xA840] =	vst v0  }
0x42: {  	[tilespmem:$0xA850] =	vst v0  }
0x43: {  	[tilespmem:$0xA860] =	vst v0  }
0x44: {  	[tilespmem:$0xA870] =	vst v0  }
0x45: {  	[tilespmem:$0xA880] =	vst v0  }
0x46: {  	[tilespmem:$0xA890] =	vst v0  }
0x47: {  	[tilespmem:$0xA8A0] =	vst v0  }
0x48: {  	[tilespmem:$0xA8B0] =	vst v0  }
0x49: {  	[tilespmem:$0xA8C0] =	vst v0  }
0x4a: {  	[tilespmem:$0xA8D0] =	vst v0  }
0x4b: {  	[tilespmem:$0xA8E0] =	vst v0  }
0x4c: {  	[tilespmem:$0xA8F0] =	vst v0  }
0x4d: {  	[tilespmem:$0xA900] =	vst v0  }
0x4e: {  	[tilespmem:$0xA910] =	vst v0  }
0x4f: {  	[tilespmem:$0xA920] =	vst v0  }
0x50: {  	[tilespmem:$0xA930] =	vst v0  }
0x51: {  	[tilespmem:$0xA940] =	vst v0  }
0x52: {  	[tilespmem:$0xA950] =	vst v0  }
0x53: {  	[tilespmem:$0xA960] =	vst v0  }
0x54: {  	[tilespmem:$0xA970] =	vst v0  }
0x55: {  	[tilespmem:$0xA980] =	vst v0  }
0x56: {  	[tilespmem:$0xA990] =	vst v0  }
0x57: {  	[tilespmem:$0xA9A0] =	vst v0  }
0x58: {  	[tilespmem:$0xA9B0] =	vst v0  }
0x59: {  	[tilespmem:$0xA9C0] =	vst v0  }
0x5a: {  	[tilespmem:$0xA9D0] =	vst v0  }
0x5b: {  	[tilespmem:$0xA9E0] =	vst v0  }
0x5c: {  	[tilespmem:$0xA9F0] =	vst v0  }
0x5d: {  	[tilespmem:$0xAA00] =	vst v0  }
0x5e: {  	[tilespmem:$0xAA10] =	vst v0  }
0x5f: {  	[tilespmem:$0xAA20] =	vst v0  }
0x60: {  	[tilespmem:$0xAA30] =	vst v0  }
0x61: {  	[tilespmem:$0xAA40] =	vst v0  }
0x62: {  	[tilespmem:$0xAA50] =	vst v0  }
0x63: {  	[tilespmem:$0xAA60] =	vst v0  }
0x64: {  	[tilespmem:$0xAA70] =	vst v0  }
0x65: {  	[spmem:s11] =	stream.linear.scatter [tilespmem:s21], [sflag:$0x5], $0x280, $0x38;
	[tilespmem:$0x1ED00] =	vst v63  }
0x66: {  	_ =	swait.ge [sflag:s20], $0x280  }
0x67: {  	[sflag:s20] =	ssyncset.done $0x0  }
0x68: {  	[sflag:s20] =	ssyncadd.s32 $0xFFFFFD80  }
0x69: {  	[tilespmem:$0xA800] =	vst v1  }
0x6a: {  	[tilespmem:$0xA810] =	vst v1  }
0x6b: {  	[tilespmem:$0xA820] =	vst v1  }
0x6c: {  	[tilespmem:$0xA830] =	vst v1  }
0x6d: {  	[tilespmem:$0xA840] =	vst v1  }
0x6e: {  	[tilespmem:$0xA850] =	vst v1  }
0x6f: {  	[tilespmem:$0xA860] =	vst v1  }
0x70: {  	[tilespmem:$0xA870] =	vst v1  }
0x71: {  	[bflag:$0x0] =	sbarrier.arrive $0xFFFF  }
0x72: {  	[tilespmem:s5], [sflag:$0x5] =	stream.linear.gather [hbm4b:s12+s5], $0x1400, $0x38;
	[tilespmem:$0x1ED00] =	vst v63  }
0x73: {  	_ =	swait.ge [sflag:s20], $0x1400  }
0x74: {  	[sflag:s20] =	ssyncset.done $0x0  }
0x75: {  	[sflag:s20] =	ssyncadd.s32 $0xFFFFEC00  }
0x76: {  	[tilespmem:s22], [sflag:$0x5] =	stream.linear.gather [hbm4b:s13+s5], $0x1400, $0x38;
	[tilespmem:$0x1ED00] =	vst v63  }
0x77: {  	_ =	swait.ge [sflag:s20], $0x1400  }
0x78: {  	[sflag:s20] =	ssyncset.done $0x0  }
0x79: {  	[sflag:s20] =	ssyncadd.s32 $0xFFFFEC00  }
0x7a: {  	[tilespmem:s19], [sflag:$0x1] =	stream.indirect.gather [hbm4b:s1+s23], $0x80, s5, s23, $0xb8;
	[tilespmem:$0x1ED00] =	vst v63  }
0x7b: {  	_ = 	snop  }
0x7c: {  	[tilespmem:s24], [sflag:$0x2] =	stream.indirect.gather [hbm4b:s1+s23], $0x80, s23, s23, $0xb8;
	[tilespmem:$0x1ED00] =	vst v63  }
0x7d: {  	_ =	swait.ge [sflag:s25], $0x4000  }
0x7e: {  	[sflag:s25] =	ssyncset.done $0x0  }
0x7f: {  	[sflag:s25] =	ssyncadd.s32 $0xFFFFC000  }
0x80: {  	[spmem:s2] =	stream.indirect.scatter.add.f32 [tilespmem:s19], [sflag:$0x3], $0x80, s22, s23, $0xb8;
	[tilespmem:$0x1ED00] =	vst v63  }
0x81: {  	_ = 	snop  }
0x82: {  	[spmem:s3] =	stream.indirect.scatter.add.f32 [tilespmem:s21], [sflag:$0x5], $0x1, s22, s23, $0xb8;
	[tilespmem:$0x1ED00] =	vst v63  }
0x83: {  	_ =	swait.ge [sflag:s20], $0x80  }
0x84: {  	[sflag:s20] =	ssyncset.done $0x0  }
0x85: {  	[sflag:s20] =	ssyncadd.s32 $0xFFFFFF80  }
0x86: {  	_ =	swait.ge [sflag:s26], $0x4000  }
0x87: {  	[sflag:s26] =	ssyncset.done $0x0  }
0x88: {  	[sflag:s26] =	ssyncadd.s32 $0xFFFFC000  }
0x89: {  	[spmem:s2] =	stream.indirect.scatter.add.f32 [tilespmem:s24], [sflag:$0x4], $0x80, s28, s23, $0xb8;
	[tilespmem:$0x1ED00] =	vst v63  }
0x8a: {  	_ = 	snop  }
0x8b: {  	[spmem:s3] =	stream.indirect.scatter.add.f32 [tilespmem:s21], [sflag:$0x5], $0x1, s28, s23, $0xb8;
	[tilespmem:$0x1ED00] =	vst v63  }
0x8c: {  	_ =	swait.ge [sflag:s20], $0x80  }
0x8d: {  	[sflag:s20] =	ssyncset.done $0x0  }
0x8e: {  	[sflag:s20] =	ssyncadd.s32 $0xFFFFFF80  }
0x8f: {  	_ =	swait.ge [sflag:s29], $0x4000  }
0x90: {  	[sflag:s29] =	ssyncset.done $0x0  }
0x91: {  	s4 =	simm.s32 $0x100;
	[sflag:s29] =	ssyncadd.s32 $0xFFFFC000  }
0x92: {  	[tilespmem:s19], [sflag:$0x1] =	stream.indirect.gather [hbm4b:s1+s23], $0x80, s4, s23, $0xb8;
	[tilespmem:$0x1ED00] =	vst v63  }
0x93: {  	_ =	swait.ge [sflag:s30], $0x4000  }
0x94: {  	[sflag:s30] =	ssyncset.done $0x0  }
0x95: {  	s7 =	simm.s32 $0x180;
	[sflag:s30] =	ssyncadd.s32 $0xFFFFC000  }
0x96: {  	[tilespmem:s24], [sflag:$0x2] =	stream.indirect.gather [hbm4b:s1+s23], $0x80, s7, s23, $0xb8;
	[tilespmem:$0x1ED00] =	vst v63  }
0x97: {  	_ =	swait.ge [sflag:s25], $0x4000  }
0x98: {  	[sflag:s25] =	ssyncset.done $0x0  }
0x99: {  	s4 =	simm.s32 $0x1500;
	[sflag:s25] =	ssyncadd.s32 $0xFFFFC000  }
0x9a: {  	[spmem:s2] =	stream.indirect.scatter.add.f32 [tilespmem:s19], [sflag:$0x3], $0x80, s4, s23, $0xb8;
	[tilespmem:$0x1ED00] =	vst v63  }
0x9b: {  	_ = 	snop  }
0x9c: {  	[spmem:s3] =	stream.indirect.scatter.add.f32 [tilespmem:s21], [sflag:$0x5], $0x1, s4, s23, $0xb8;
	[tilespmem:$0x1ED00] =	vst v63  }
0x9d: {  	_ =	swait.ge [sflag:s20], $0x80  }
0x9e: {  	[sflag:s20] =	ssyncset.done $0x0  }
0x9f: {  	[sflag:s20] =	ssyncadd.s32 $0xFFFFFF80  }
0xa0: {  	_ =	swait.ge [sflag:s26], $0x4000  }
0xa1: {  	[sflag:s26] =	ssyncset.done $0x0  }
0xa2: {  	s7 =	simm.s32 $0x1580;
	[sflag:s26] =	ssyncadd.s32 $0xFFFFC000  }
0xa3: {  	[spmem:s2] =	stream.indirect.scatter.add.f32 [tilespmem:s24], [sflag:$0x4], $0x80, s7, s23, $0xb8;
	[tilespmem:$0x1ED00] =	vst v63  }
0xa4: {  	_ = 	snop  }
0xa5: {  	[spmem:s3] =	stream.indirect.scatter.add.f32 [tilespmem:s21], [sflag:$0x5], $0x1, s7, s23, $0xb8;
	[tilespmem:$0x1ED00] =	vst v63  }
0xa6: {  	_ =	swait.ge [sflag:s20], $0x80  }
0xa7: {  	s0 =	simm.s32 $0xFFFFB800;
	[sflag:s20] =	ssyncset.done $0x0  }
.LBB2_4:
0xa8: {  	p0 =	sne.s32 s0, $0xFFFFFC00  }
0xa9: {  	[sflag:s20] =	ssyncadd.s32 $0xFFFFFF80;
	s4 =	smov.u32 s0;
	s0 =	sadd.s32 $0x400, s0  }
0xaa: {  	_ = 	snop  }
0xab: {  	_ =	swait.ge [sflag:s29], $0x4000  }
0xac: {  	s4 =	sshra.s32 s4, $0x2;
	[sflag:s29] =	ssyncset.done $0x0  }
0xad: {  	s7 =	sadd.s32 $0x1400, s4;
	[sflag:s29] =	ssyncadd.s32 $0xFFFFC000  }
0xae: {  	[tilespmem:s19], [sflag:$0x1] =	stream.indirect.gather [hbm4b:s1+s23], $0x80, s7, s23, $0xb8;
	[tilespmem:$0x1ED00] =	vst v63  }
0xaf: {  	_ =	swait.ge [sflag:s30], $0x4000  }
0xb0: {  	[sflag:s30] =	ssyncset.done $0x0  }
0xb1: {  	s7 =	sadd.s32 $0x1480, s4;
	[sflag:s30] =	ssyncadd.s32 $0xFFFFC000  }
0xb2: {  	[tilespmem:s24], [sflag:$0x2] =	stream.indirect.gather [hbm4b:s1+s23], $0x80, s7, s23, $0xb8;
	[tilespmem:$0x1ED00] =	vst v63  }
0xb3: {  	_ =	swait.ge [sflag:s25], $0x4000  }
0xb4: {  	[sflag:s25] =	ssyncset.done $0x0  }
0xb5: {  	s7 =	sadd.s32 $0x2800, s4;
	[sflag:s25] =	ssyncadd.s32 $0xFFFFC000  }
0xb6: {  	[spmem:s2] =	stream.indirect.scatter.add.f32 [tilespmem:s19], [sflag:$0x3], $0x80, s7, s23, $0xb8;
	[tilespmem:$0x1ED00] =	vst v63  }
0xb7: {  	_ = 	snop  }
0xb8: {  	[spmem:s3] =	stream.indirect.scatter.add.f32 [tilespmem:s21], [sflag:$0x5], $0x1, s7, s23, $0xb8;
	[tilespmem:$0x1ED00] =	vst v63  }
0xb9: {  	_ =	swait.ge [sflag:s20], $0x80  }
0xba: {  	[sflag:s20] =	ssyncset.done $0x0  }
0xbb: {  	[sflag:s20] =	ssyncadd.s32 $0xFFFFFF80  }
0xbc: {  	_ =	swait.ge [sflag:s26], $0x4000  }
0xbd: {  	[sflag:s26] =	ssyncset.done $0x0  }
0xbe: {  	s4 =	sadd.s32 $0x2880, s4;
	[sflag:s26] =	ssyncadd.s32 $0xFFFFC000  }
0xbf: {  	[spmem:s2] =	stream.indirect.scatter.add.f32 [tilespmem:s24], [sflag:$0x4], $0x80, s4, s23, $0xb8;
	[tilespmem:$0x1ED00] =	vst v63  }
.Ltmp1:
0xc0: {  	_ = 	snop;
	(pc) =	sbr.rel @p0 .LBB2_4-.Ltmp1, $4  }
0xc1: {  	_ = 	snop  }
0xc2: {  	[spmem:s3] =	stream.indirect.scatter.add.f32 [tilespmem:s21], [sflag:$0x5], $0x1, s4, s23, $0xb8;
	[tilespmem:$0x1ED00] =	vst v63  }
0xc3: {  	_ =	swait.ge [sflag:s20], $0x80  }
0xc4: {  	[sflag:s20] =	ssyncset.done $0x0  }
0xc5: {  	[sflag:s20] =	ssyncadd.s32 $0xFFFFFF80  }
0xc6: {  	_ =	swait.ge [sflag:s29], $0x4000  }
0xc7: {  	[sflag:s29] =	ssyncset.done $0x0  }
0xc8: {  	[sflag:s29] =	ssyncadd.s32 $0xFFFFC000  }
0xc9: {  	_ =	swait.ge [sflag:s30], $0x4000  }
0xca: {  	[sflag:s30] =	ssyncset.done $0x0  }
0xcb: {  	[sflag:s30] =	ssyncadd.s32 $0xFFFFC000  }
0xcc: {  	[tilespmem:s5], [sflag:$0x5] =	stream.linear.gather [hbm4b:s14+s5], $0x1400, $0x38;
	[tilespmem:$0x1ED00] =	vst v63  }
0xcd: {  	_ =	swait.ge [sflag:s20], $0x1400  }
0xce: {  	[sflag:s20] =	ssyncset.done $0x0  }
0xcf: {  	[sflag:s20] =	ssyncadd.s32 $0xFFFFEC00  }
0xd0: {  	[tilespmem:s22], [sflag:$0x5] =	stream.linear.gather [hbm4b:s15+s5], $0x1400, $0x38;
	[tilespmem:$0x1ED00] =	vst v63  }
0xd1: {  	_ =	swait.ge [sflag:s20], $0x1400  }
0xd2: {  	[sflag:s20] =	ssyncset.done $0x0  }
0xd3: {  	[sflag:s20] =	ssyncadd.s32 $0xFFFFEC00  }
0xd4: {  	[tilespmem:s19], [sflag:$0x1] =	stream.indirect.gather [hbm4b:s1+s23], $0x80, s5, s23, $0xb8;
	[tilespmem:$0x1ED00] =	vst v63  }
0xd5: {  	_ = 	snop  }
0xd6: {  	[tilespmem:s24], [sflag:$0x2] =	stream.indirect.gather [hbm4b:s1+s23], $0x80, s23, s23, $0xb8;
	[tilespmem:$0x1ED00] =	vst v63  }
0xd7: {  	_ =	swait.ge [sflag:s25], $0x4000  }
0xd8: {  	[sflag:s25] =	ssyncset.done $0x0  }
0xd9: {  	[sflag:s25] =	ssyncadd.s32 $0xFFFFC000  }
0xda: {  	[spmem:s2] =	stream.indirect.scatter.add.f32 [tilespmem:s19], [sflag:$0x3], $0x80, s22, s23, $0xb8;
	[tilespmem:$0x1ED00] =	vst v63  }
0xdb: {  	_ = 	snop  }
0xdc: {  	[spmem:s3] =	stream.indirect.scatter.add.f32 [tilespmem:s21], [sflag:$0x5], $0x1, s22, s23, $0xb8;
	[tilespmem:$0x1ED00] =	vst v63  }
0xdd: {  	_ =	swait.ge [sflag:s20], $0x80  }
0xde: {  	[sflag:s20] =	ssyncset.done $0x0  }
0xdf: {  	[sflag:s20] =	ssyncadd.s32 $0xFFFFFF80  }
0xe0: {  	_ =	swait.ge [sflag:s26], $0x4000  }
0xe1: {  	[sflag:s26] =	ssyncset.done $0x0  }
0xe2: {  	[sflag:s26] =	ssyncadd.s32 $0xFFFFC000  }
0xe3: {  	[spmem:s2] =	stream.indirect.scatter.add.f32 [tilespmem:s24], [sflag:$0x4], $0x80, s28, s23, $0xb8;
	[tilespmem:$0x1ED00] =	vst v63  }
0xe4: {  	_ = 	snop  }
0xe5: {  	[spmem:s3] =	stream.indirect.scatter.add.f32 [tilespmem:s21], [sflag:$0x5], $0x1, s28, s23, $0xb8;
	[tilespmem:$0x1ED00] =	vst v63  }
0xe6: {  	_ =	swait.ge [sflag:s20], $0x80  }
0xe7: {  	[sflag:s20] =	ssyncset.done $0x0  }
0xe8: {  	[sflag:s20] =	ssyncadd.s32 $0xFFFFFF80  }
0xe9: {  	_ =	swait.ge [sflag:s29], $0x4000  }
0xea: {  	[sflag:s29] =	ssyncset.done $0x0  }
0xeb: {  	s0 =	simm.s32 $0x100;
	[sflag:s29] =	ssyncadd.s32 $0xFFFFC000  }
0xec: {  	[tilespmem:s19], [sflag:$0x1] =	stream.indirect.gather [hbm4b:s1+s23], $0x80, s0, s23, $0xb8;
	[tilespmem:$0x1ED00] =	vst v63  }
0xed: {  	_ =	swait.ge [sflag:s30], $0x4000  }
0xee: {  	[sflag:s30] =	ssyncset.done $0x0  }
0xef: {  	s7 =	simm.s32 $0x180;
	[sflag:s30] =	ssyncadd.s32 $0xFFFFC000  }
0xf0: {  	[tilespmem:s24], [sflag:$0x2] =	stream.indirect.gather [hbm4b:s1+s23], $0x80, s7, s23, $0xb8;
	[tilespmem:$0x1ED00] =	vst v63  }
0xf1: {  	_ =	swait.ge [sflag:s25], $0x4000  }
0xf2: {  	[sflag:s25] =	ssyncset.done $0x0  }
0xf3: {  	s4 =	simm.s32 $0x1500;
	[sflag:s25] =	ssyncadd.s32 $0xFFFFC000  }
0xf4: {  	[spmem:s2] =	stream.indirect.scatter.add.f32 [tilespmem:s19], [sflag:$0x3], $0x80, s4, s23, $0xb8;
	[tilespmem:$0x1ED00] =	vst v63  }
0xf5: {  	_ = 	snop  }
0xf6: {  	[spmem:s3] =	stream.indirect.scatter.add.f32 [tilespmem:s21], [sflag:$0x5], $0x1, s4, s23, $0xb8;
	[tilespmem:$0x1ED00] =	vst v63  }
0xf7: {  	_ =	swait.ge [sflag:s20], $0x80  }
0xf8: {  	[sflag:s20] =	ssyncset.done $0x0  }
0xf9: {  	[sflag:s20] =	ssyncadd.s32 $0xFFFFFF80  }
0xfa: {  	_ =	swait.ge [sflag:s26], $0x4000  }
0xfb: {  	[sflag:s26] =	ssyncset.done $0x0  }
0xfc: {  	s7 =	simm.s32 $0x1580;
	[sflag:s26] =	ssyncadd.s32 $0xFFFFC000  }
0xfd: {  	[spmem:s2] =	stream.indirect.scatter.add.f32 [tilespmem:s24], [sflag:$0x4], $0x80, s7, s23, $0xb8;
	[tilespmem:$0x1ED00] =	vst v63  }
0xfe: {  	_ = 	snop  }
0xff: {  	[spmem:s3] =	stream.indirect.scatter.add.f32 [tilespmem:s21], [sflag:$0x5], $0x1, s7, s23, $0xb8;
	[tilespmem:$0x1ED00] =	vst v63  }
0x100: {  	_ =	swait.ge [sflag:s20], $0x80  }
0x101: {  	s0 =	simm.s32 $0xFFFFB800;
	[sflag:s20] =	ssyncset.done $0x0  }
.LBB2_6:
0x102: {  	p0 =	sne.s32 s0, $0xFFFFFC00  }
0x103: {  	[sflag:s20] =	ssyncadd.s32 $0xFFFFFF80;
	s4 =	smov.u32 s0;
	s0 =	sadd.s32 $0x400, s0  }
0x104: {  	_ = 	snop  }
0x105: {  	_ =	swait.ge [sflag:s29], $0x4000  }
0x106: {  	s4 =	sshra.s32 s4, $0x2;
	[sflag:s29] =	ssyncset.done $0x0  }
0x107: {  	s7 =	sadd.s32 $0x1400, s4;
	[sflag:s29] =	ssyncadd.s32 $0xFFFFC000  }
0x108: {  	[tilespmem:s19], [sflag:$0x1] =	stream.indirect.gather [hbm4b:s1+s23], $0x80, s7, s23, $0xb8;
	[tilespmem:$0x1ED00] =	vst v63  }
0x109: {  	_ =	swait.ge [sflag:s30], $0x4000  }
0x10a: {  	[sflag:s30] =	ssyncset.done $0x0  }
0x10b: {  	s7 =	sadd.s32 $0x1480, s4;
	[sflag:s30] =	ssyncadd.s32 $0xFFFFC000  }
0x10c: {  	[tilespmem:s24], [sflag:$0x2] =	stream.indirect.gather [hbm4b:s1+s23], $0x80, s7, s23, $0xb8;
	[tilespmem:$0x1ED00] =	vst v63  }
0x10d: {  	_ =	swait.ge [sflag:s25], $0x4000  }
0x10e: {  	[sflag:s25] =	ssyncset.done $0x0  }
0x10f: {  	s7 =	sadd.s32 $0x2800, s4;
	[sflag:s25] =	ssyncadd.s32 $0xFFFFC000  }
0x110: {  	[spmem:s2] =	stream.indirect.scatter.add.f32 [tilespmem:s19], [sflag:$0x3], $0x80, s7, s23, $0xb8;
	[tilespmem:$0x1ED00] =	vst v63  }
0x111: {  	_ = 	snop  }
0x112: {  	[spmem:s3] =	stream.indirect.scatter.add.f32 [tilespmem:s21], [sflag:$0x5], $0x1, s7, s23, $0xb8;
	[tilespmem:$0x1ED00] =	vst v63  }
0x113: {  	_ =	swait.ge [sflag:s20], $0x80  }
0x114: {  	[sflag:s20] =	ssyncset.done $0x0  }
0x115: {  	[sflag:s20] =	ssyncadd.s32 $0xFFFFFF80  }
0x116: {  	_ =	swait.ge [sflag:s26], $0x4000  }
0x117: {  	[sflag:s26] =	ssyncset.done $0x0  }
0x118: {  	s4 =	sadd.s32 $0x2880, s4;
	[sflag:s26] =	ssyncadd.s32 $0xFFFFC000  }
0x119: {  	[spmem:s2] =	stream.indirect.scatter.add.f32 [tilespmem:s24], [sflag:$0x4], $0x80, s4, s23, $0xb8;
	[tilespmem:$0x1ED00] =	vst v63  }
.Ltmp2:
0x11a: {  	_ = 	snop;
	(pc) =	sbr.rel @p0 .LBB2_6-.Ltmp2, $4  }
0x11b: {  	_ = 	snop  }
0x11c: {  	[spmem:s3] =	stream.indirect.scatter.add.f32 [tilespmem:s21], [sflag:$0x5], $0x1, s4, s23, $0xb8;
	[tilespmem:$0x1ED00] =	vst v63  }
0x11d: {  	_ =	swait.ge [sflag:s20], $0x80  }
0x11e: {  	[sflag:s20] =	ssyncset.done $0x0  }
0x11f: {  	[sflag:s20] =	ssyncadd.s32 $0xFFFFFF80  }
0x120: {  	_ =	swait.ge [sflag:s29], $0x4000  }
0x121: {  	[sflag:s29] =	ssyncset.done $0x0  }
0x122: {  	[sflag:s29] =	ssyncadd.s32 $0xFFFFC000  }
0x123: {  	_ =	swait.ge [sflag:s30], $0x4000  }
0x124: {  	s0 =	stileid.u32;
	[sflag:s30] =	ssyncset.done $0x0  }
0x125: {  	s0 =	sshll.u32 s0, $0x6;
	[sflag:s30] =	ssyncadd.s32 $0xFFFFC000  }
0x126: {  	s4 =	sshrl.u32 s6, $0x3;
	s0 =	sor.u32 $0x1C05, s0;
	[bflag:$0x0] =	sbarrier.arrive $0xFFFF  }
0x127: {  	[hbm:s16], [sflag:s0] =	dma.local [spmem:s4], $0x2800  }
0x128: {  	s31 =	sadd.s32 $0x1, s31;
	_ =	swait.ge [sflag:s20], $0x2800  }
0x129: {  	p0 =	sne.s32 s31, s18;
	[sflag:s20] =	ssyncset.done $0x0  }
.Ltmp3:
0x12a: {  	s7 =	sshrl.u32 s11, $0x3;
	[sflag:s20] =	ssyncadd.s32 $0xFFFFD800;
	(pc) =	sbr.rel @p0 .LBB2_1-.Ltmp3, $4  }
0x12b: {  	[hbm:s17], [sflag:s0] =	dma.local [spmem:s7], $0x50  }
0x12c: {  	_ =	swait.ge [sflag:s20], $0x50  }
0x12d: {  	[sflag:s20] =	ssyncset.done $0x0  }
0x12e: {  	[sflag:s20] =	ssyncadd.s32 $0xFFFFFFB0  }
0x12f: {  	_ =	sfence.sel $0x180000  }
0x130: {  	[bflag:$0x0] =	sbarrier.arrive $0xFFFF  }
0x131: {  	_ =	strace $0x90000047  }
0x132: {  	s0 =	stileid.u32;
	[bflag:$0x2] =	sbarrier.arrive $0xFFFF  }
0x133: {  	p0 =	sne.s32 s0, $0x0;
	s0 =	rddreg [dreg:$0x5]  }
0x134: {  	s0 =	sadd.s32 @!p0 $0x100000, s0  }
0x135: {  	[sflag:s0] =	ssyncadd.tile.s32 @!p0 $0x1;
	_ =	shalt  }
.Lfunc_end2:
_tile_overlayer_lowered:
.L_overlay_start_2:
0x136: {  	(tag) =	ssettag $0x2  }
0x137: {  	s0 =	rddreg [dreg:$0x0];
	s2 =	stileid.u32  }
0x138: {  	s1 =	rddreg [dreg:$0x1];
	p0 =	sne.s32 s2, $0x0  }
0x139: {  	s3 =	rddreg [dreg:$0x2];
	[bflag:$0x3] =	sbarrier.arrive $0xFFFF;
	s2 =	simm.s32 @!p0 $0x1C05  }
0x13a: {  	[timem:s3], [sflag:s2] =	dma.local @!p0 [hbm:s0], s1  }
0x13b: {  	s0 =	simm.s32 @!p0 $0x5  }
0x13c: {  	_ =	swait.ge @!p0 [sflag:s0], s1  }
0x13d: {  	s1 =	ssub.s32 @!p0 $0x0, s1;
	[sflag:s0] =	ssyncset.done @!p0 $0x0  }
0x13e: {  	[sflag:s0] =	ssyncadd.s32 @!p0 s1  }
0x13f: {  	[bflag:$0x3] =	sbarrier.arrive $0xFFFF  }
0x140: {  	_ =	shalt  }

// kernel: kernel.9.cloned.1.call-start
scs
__scs_entry_jumppad:
0x0: {  	(pc) =	sbr.rel $0x88, $3  }
0x1: {  	(tag) =	ssettag $0x0;
	lr =	simm.s32 $0x1  }
0x2: {  	[smem:$0x3F99] =	sst lr;
	_ =	strace $0xD0000000  }
0x3: {  	_ = 	snop  }
0x4: {  	_ = 	snop  }
0x5: {  	_ = 	snop  }
0x6: {  	_ = 	snop  }
0x7: {  	_ = 	snop  }
__scs_overlays_trampoline_lowered:
0x8: {  	[smem:$0x3FA8] =	sst s0  }
0x9: {  	[smem:$0x3FA9] =	sst s1  }
0xa: {  	[smem:$0x3FAA] =	sst s2  }
0xb: {  	[smem:$0x3FAB] =	sst s3  }
0xc: {  	[smem:$0x3FAC] =	sst s4  }
0xd: {  	[smem:$0x3FAD] =	sst s5  }
0xe: {  	[smem:$0x3FAE] =	sst s6  }
0xf: {  	[smem:$0x3FAF] =	sst s7  }
0x10: {  	[smem:$0x3FB0] =	sst s8  }
0x11: {  	[smem:$0x3FB1] =	sst s9;
	s0 =	simm.s32 @!p0 $0x0  }
0x12: {  	s1 =	sld [smem:$0x3F97];
	s0 =	simm.s32 @p0 $0x1  }
0x13: {  	[smem:$0x3FB2] =	sst s0;
	s0 =	simm.s32 @!p1 $0x0  }
0x14: {  	s2 =	sld [smem:$0x3F96];
	s0 =	simm.s32 @p1 $0x1  }
0x15: {  	[smem:$0x3FB3] =	sst s0;
	s0 =	simm.s32 @!p2 $0x0  }
0x16: {  	s3 =	sld [smem:$0x3FDB];
	s0 =	simm.s32 @p2 $0x1  }
0x17: {  	s4 =	simm.s32 $0x1BF5;
	[smem:$0x3FB5] =	sst s0  }
0x18: {  	s0 =	sld [smem:$0x3F98];
	_ =	swait.ge [sflag:s4], $0x0  }
0x19: {  	s7 =	sld [smem:$0x3F99]  }
0x1a: {  	s8 =	sadd.s32 $0xFFFFE003, lr  }
0x1b: {  	s9 =	sadd.s32 $0xFFFFFEF7, lr;
	s5 =	simm.s32 $0xFFFFFFFF;
	p2 =	slt.u32 s8, $0xFFFFF086  }
0x1c: {  	p1 =	slt.u32 s9, $0xF7A;
	s5 =	simm.s32 @!p2 $0x0  }
0x1d: {  	s5 =	simm.s32 @p1 $0x1;
	p0 =	seq.s32 s7, s2  }
0x1e: {  	s7 =	smul.u32 @!p0 $0xF7A, s2;
	p2 =	seq.s32 @!p0 s5, $0x0  }
0x1f: {  	s9 =	smul.u32 $0xF7A, s1;
	s8 =	simm.s32 @!p0 $0x1BF5;
	p2 =	por !p2, p0  }
0x20: {  	[sflag:s8] =	ssyncset.s32 @!p0 $0xFFFFF086;
	s6 =	sadd.s32 @!p0 s3, s7;
	s7 =	simm.s32 @!p0 $0x108  }
0x21: {  	s3 =	sadd.s32 s3, s9;
	s6 =	sadd.s32 @!p0 $0x88, s6;
	s7 =	simm.s32 @p2 $0x1082  }
0x22: {  	[simem:s7], [sflag:s8] =	dma.local @!p0 [hbm:s6], $0xF7A  }
0x23: {  	s9 =	sor.u32 $0xD0000000, s2;
	s6 =	simm.s32 $0x108;
	_ =	swait.ge @!p0 [sflag:s8], $0x0  }
0x24: {  	s3 =	sadd.s32 $0x88, s3;
	s6 =	simm.s32 @!p1 $0x1082;
	[sflag:s4] =	ssyncset.s32 $0xFFFFF086  }
0x25: {  	[simem:s6], [sflag:s4] =	dma.local [hbm:s3], $0xF7A  }
0x26: {  	[smem:$0x3F99] =	sst s1;
	(tag) =	ssettag s2;
	_ =	strace s9  }
0x27: {  	s1 =	sld [smem:$0x3FA9]  }
0x28: {  	s2 =	sld [smem:$0x3FAA]  }
0x29: {  	s4 =	sld [smem:$0x3FAC]  }
0x2a: {  	p0 =	seq.s32 s5, $0x0;
	s5 =	sld [smem:$0x3FAD]  }
0x2b: {  	s6 =	sld [smem:$0x3FAE]  }
0x2c: {  	s7 =	sld [smem:$0x3FAF]  }
0x2d: {  	s3 =	simm.s32 $0x108;
	s8 =	sld [smem:$0x3FB0]  }
0x2e: {  	s3 =	simm.s32 @!p0 $0x1082;
	s9 =	sld [smem:$0x3FB1]  }
0x2f: {  	lr =	sadd.s32 s0, s3;
	s0 =	sld [smem:$0x3FA8]  }
0x30: {  	s3 =	sld [smem:$0x3FAB]  }
0x31: {  	[smem:$0x3FB4] =	sst s10  }
0x32: {  	s10 =	sld [smem:$0x3FB2];
	_ =	sdelay $0x3  }
0x33: {  	p0 =	seq.s32 s10, $0x1;
	s10 =	sld [smem:$0x3FB4];
	_ =	sdelay $0x3  }
0x34: {  	[smem:$0x3FB4] =	sst s10  }
0x35: {  	s10 =	sld [smem:$0x3FB3];
	_ =	sdelay $0x3  }
0x36: {  	p1 =	seq.s32 s10, $0x1;
	s10 =	sld [smem:$0x3FB4];
	_ =	sdelay $0x3  }
0x37: {  	[smem:$0x3FB4] =	sst s10  }
0x38: {  	s10 =	sld [smem:$0x3FB5]  }
0x39: {  	_ = 	snop;
	(pc) =	sbr.ind lr, $3  }
0x3a: {  	_ = 	snop  }
0x3b: {  	_ = 	snop  }
0x3c: {  	p2 =	seq.s32 s10, $0x1;
	s10 =	sld [smem:$0x3FB4]  }
0x3d: {  	_ =	shalt  }
0x3e: {  	_ =	shalt  }
0x3f: {  	_ =	shalt  }
0x40: {  	_ =	shalt  }
0x41: {  	_ =	shalt  }
0x42: {  	_ =	shalt  }
0x43: {  	_ =	shalt  }
0x44: {  	_ =	shalt  }
0x45: {  	_ =	shalt  }
0x46: {  	_ =	shalt  }
0x47: {  	_ =	shalt  }
0x48: {  	_ =	shalt  }
0x49: {  	_ =	shalt  }
0x4a: {  	_ =	shalt  }
0x4b: {  	_ =	shalt  }
0x4c: {  	_ =	shalt  }
0x4d: {  	_ =	shalt  }
0x4e: {  	_ =	shalt  }
0x4f: {  	_ =	shalt  }
0x50: {  	_ =	shalt  }
0x51: {  	_ =	shalt  }
0x52: {  	_ =	shalt  }
0x53: {  	_ =	shalt  }
0x54: {  	_ =	shalt  }
0x55: {  	_ =	shalt  }
0x56: {  	_ =	shalt  }
0x57: {  	_ =	shalt  }
0x58: {  	_ =	shalt  }
0x59: {  	_ =	shalt  }
0x5a: {  	_ =	shalt  }
0x5b: {  	_ =	shalt  }
0x5c: {  	_ =	shalt  }
0x5d: {  	_ =	shalt  }
0x5e: {  	_ =	shalt  }
0x5f: {  	_ =	shalt  }
0x60: {  	_ =	shalt  }
0x61: {  	_ =	shalt  }
0x62: {  	_ =	shalt  }
0x63: {  	_ =	shalt  }
0x64: {  	_ =	shalt  }
0x65: {  	_ =	shalt  }
0x66: {  	_ =	shalt  }
0x67: {  	_ =	shalt  }
0x68: {  	_ =	shalt  }
0x69: {  	_ =	shalt  }
0x6a: {  	_ =	shalt  }
0x6b: {  	_ =	shalt  }
0x6c: {  	_ =	shalt  }
0x6d: {  	_ =	shalt  }
0x6e: {  	_ =	shalt  }
0x6f: {  	_ =	shalt  }
0x70: {  	_ =	shalt  }
0x71: {  	_ =	shalt  }
0x72: {  	_ =	shalt  }
0x73: {  	_ =	shalt  }
0x74: {  	_ =	shalt  }
0x75: {  	_ =	shalt  }
0x76: {  	_ =	shalt  }
0x77: {  	_ =	shalt  }
0x78: {  	_ =	shalt  }
0x79: {  	_ =	shalt  }
0x7a: {  	_ =	shalt  }
0x7b: {  	_ =	shalt  }
0x7c: {  	_ =	shalt  }
0x7d: {  	_ =	shalt  }
0x7e: {  	_ =	shalt  }
0x7f: {  	_ =	shalt  }
0x80: {  	_ =	shalt  }
0x81: {  	_ =	shalt  }
0x82: {  	_ =	shalt  }
0x83: {  	_ =	shalt  }
0x84: {  	_ =	shalt  }
0x85: {  	_ =	shalt  }
0x86: {  	_ =	shalt  }
0x87: {  	_ =	shalt  }
.Lfunc_end0:
.L_simem_size_0:
called_computation.1_lowered:
.L_overlay_start_0:
0x88: {  	s2 =	sld [smem:$0x3FD9]  }
0x89: {  	s3 =	sld [smem:$0x3FFE];
	_ =	sdelay $0x1  }
0x8a: {  	s1 =	srdreg.scid  }
0x8b: {  	s0 =	sand.u32 $0x1, s1  }
0x8c: {  	s17 =	sshll.u32 s0, $0xA;
	s2 =	sadd.s32 s3, s2  }
0x8d: {  	s2 =	sadd.s32 s2, s17  }
0x8e: {  	[smem:$0x3FC0] =	sst s2  }
0x8f: {  	_ = 	snop  }
0x90: {  	s2 =	sld [smem:$0x3FD0];
	(tm) =	ssettm $0x1  }
0x91: {  	s18 =	sld [smem:$0x3FFB];
	_ =	sdelay $0x3  }
0x92: {  	_ =	strace s18  }
0x93: {  	s3 =	sld [smem:$0x3FFC];
	_ =	sdelay $0x3  }
0x94: {  	_ =	strace s3  }
0x95: {  	s3 =	sld [smem:$0x3FFD];
	_ =	sdelay $0x3  }
0x96: {  	_ =	strace s3  }
0x97: {  	_ =	strace $0x8FFFFFFF  }
0x98: {  	s19 =	sld [smem:$0x3FDB];
	_ =	sdelay $0x1  }
0x99: {  	s4 =	simm.s32 $_scs_section_size  }
0x9a: {  	s5 =	simm.s32 $_size__tile_overlayer_lowered;
	s6 =	simm.s32 $_tile_overlayer_lowered  }
0x9b: {  	s22 =	simm.s32 $0x1BFF;
	s21 =	sshll.u32 s6, $0x1;
	s3 =	sadd.s32 s4, s19  }
0x9c: {  	s7 =	simm.s32 $0x0;
	s20 =	sshll.u32 s5, $0x1;
	s5 =	sadd.s32 s21, s3  }
0x9d: {  	[timem:s7], [sflag:s22] =	dma.local [hbm:s5], s20  }
0x9e: {  	_ =	swait.ge [sflag:s22], s20  }
0x9f: {  	s4 =	ssub.s32 $0x0, s20;
	[sflag:s22] =	ssyncset.done $0x0  }
0xa0: {  	[sflag:s22] =	ssyncadd.s32 s4;
	_ =	sdelay $0x1  }
0xa1: {  	s23 =	simm.s32 $0x1B8B  }
0xa2: {  	_ =	swait.ge [sflag:s23], $0x1  }
0xa3: {  	[sflag:s23] =	ssyncset.done $0x0  }
0xa4: {  	s25 =	simm.s32 $0x1B8E;
	s24 =	sld [smem:$0x3FFE];
	[sflag:s23] =	ssyncadd.s32 $0xFFFFFFFF  }
0xa5: {  	s26 =	simm.s32 $execute0_lowered;
	[smem:$0x3FD2] =	sst s25  }
0xa6: {  	s5 =	sshll.u32 s26, $0x1;
	_ =	strace $0x80000049;
	[dreg:$0x1] =	wrdreg $0xFFFFFFFF  }
0xa7: {  	s28 =	simm.s32 $_size_execute0_lowered;
	s3 =	sadd.s32 s3, s5;
	[dreg:$0x0] =	wrdreg $0x0  }
0xa8: {  	s5 =	sshll.u32 s28, $0x1;
	[dreg:$0x2] =	wrdreg s3  }
0xa9: {  	[dreg:$0x3] =	wrdreg s5  }
0xaa: {  	[dreg:$0x4] =	wrdreg $0xC0  }
0xab: {  	_ =	task [dreg:s7], $0x5FFFF  }
0xac: {  	[dreg:$0x1] =	wrdreg $0xFFFFFFFF  }
0xad: {  	[dreg:$0x0] =	wrdreg $0x60  }
0xae: {  	[dreg:$0x2] =	wrdreg s2  }
0xaf: {  	[dreg:$0x3] =	wrdreg s24  }
0xb0: {  	[dreg:$0x4] =	wrdreg $0xAA800  }
0xb1: {  	[dreg:$0x5] =	wrdreg $0x1EA800  }
0xb2: {  	[dreg:$0x6] =	wrdreg $0x9  }
0xb3: {  	_ =	task.clear_ibuf [dreg:s7], $0x7FFFF;
	_ =	strace $0x90000049  }
0xb4: {  	s29 =	simm.s32 $0x9;
	_ =	strace $0x8000004B  }
0xb5: {  	_ =	swait.ge [sflag:s29], $0x1  }
0xb6: {  	[sflag:s29] =	ssyncadd.s32 $0xFFFFFFFF  }
0xb7: {  	_ =	strace $0x9000004B  }
0xb8: {  	_ =	sfence  }
0xb9: {  	s30 =	sld [smem:$0x0];
	_ =	sdelay $0x2  }
0xba: {  	s31 =	sshll.u32 s1, $0xD;
	s1 =	sshrl.u32 s1, $0x2  }
0xbb: {  	s3 =	sand.u32 $0x4000, s31;
	s1 =	sadd.s32 s1, s30  }
0xbc: {  	s0 =	sor.u32 s3, s0;
	s1 =	sshll.u32 s1, $0x11  }
0xbd: {  	s0 =	sor.u32 s1, s0  }
0xbe: {  	s0 =	sadd.s32 $0x8F2B, s0  }
0xbf: {  	[sflag:s0] =	ssyncadd.remote.s32 $0x1  }
0xc0: {  	_ =	sfence.sel $0xFFFF  }
0xc1: {  	[dreg:$0x0] =	wrdreg $0xFFFFFFFF;
	(pc) =	sbr.abs _section_cstart, $3  }
0xc2: {  	[dreg:$0x1] =	wrdreg $0xFFFFFFFF  }
0xc3: {  	_ =	task.clear_ibuf [dreg:s7], $0x2FFFF;
	_ =	strace $0x9FFFFFFF  }
0xc4: {  	(tm) =	ssettm $0x7FFFFFFF  }
0xc5: {  	_ =	shalt  }
tec
execute0_lowered:
.L_overlay_start_1:
0x0: {  	(tag) =	ssettag $0x1  }
0x1: {  	s1 =	rddreg [dreg:$0x0]  }
0x2: {  	s5 =	rddreg [dreg:$0x1]  }
0x3: {  	s2 =	rddreg [dreg:$0x2]  }
0x4: {  	s10 =	rddreg [dreg:$0x3];
	s3 =	srdreg.scid;
	s4 =	simm.s32 $0x0  }
0x5: {  	s19 =	simm.s32 $0xA800;
	s20 =	simm.s32 $0x1400;
	s21 =	simm.s32 $0x80  }
0x6: {  	s22 =	simm.s32 $0x6800;
	s28 =	simm.s32 $0x4;
	s6 =	sand.u32 $0x1, s3  }
0x7: {  	s29 =	simm.s32 $0x0;
	s3 =	stileid.u32;
	s7 =	smul.u32 $0x140000, s6  }
0x8: {  	[smem:$0x7FF] =	sst s4;
	s13 =	sadd.s32 $0xC000, s5;
	s8 =	smul.u32 $0x14000, s3  }
0x9: {  	s14 =	sadd.s32 $0x2000, s5;
	_ =	strace $0x8000004A;
	s9 =	smul.u32 $0x50000, s3  }
0xa: {  	s23 =	ssub.s32 $0x2, s6;
	s6 =	sshll.u32 s6, $0x4;
	s26 =	smul.u32 $0xA00, s3  }
0xb: {  	s24 =	sshrl.u32 s23, $0x1;
	s11 =	sor.u32 s3, s6;
	s7 =	sadd.s32 s8, s7  }
0xc: {  	s25 =	sshrl.u32 s9, $0x2;
	s16 =	ssub.s32 s23, s24;
	s12 =	smul.u32 $0x2800, s11  }
0xd: {  	s17 =	sshrl.u32 s26, $0x2;
	s18 =	smul.u32 $0x500, s11;
	s23 =	simm.s32 $0x1  }
0xe: {  	s24 =	simm.s32 $0x2;
	s26 =	simm.s32 $0x3;
	s7 =	sshrl.u32 s7, $0x3  }
0xf: {  	s10 =	sadd.s32 s17, s10;
	s16 =	smax.u32 s16, $0x1;
	s17 =	simm.s32 $0x2800  }
0x10: {  	s15 =	sadd.s32 s7, s5;
	s5 =	sadd.s32 s25, s2;
	s30 =	sshrl.u32 s12, $0x3  }
0x11: {  	s11 =	sadd.s32 s13, s18;
	s12 =	sadd.s32 s14, s18;
	s18 =	simm.s32 $0x5  }
0x12: {  	s25 =	simm.s32 $0x1480;
	s6 =	sadd.s32 $0x4000, s5;
	s7 =	sadd.s32 $0x8000, s5  }
0x13: {  	s8 =	sadd.s32 $0xC000, s5;
	s9 =	sadd.s32 $0x10000, s5;
	s31 =	sadd.s32 $0x280, s30  }
0x14: {  	v0 =	vimm.f32 $0.0e+00;
	s15 =	sadd.s32 $0x16000, s15;
	s13 =	sadd.s32 s13, s31;
	s14 =	sadd.s32 s14, s31  }
.LBB2_1:
0x15: {  	s30 =	simm.s32 $0x0;
	s31 =	simm.s32 $0x200  }
.LBB2_2:
0x16: {  	p0 =	sne.s32 s31, $0xFE00;
	[tilespmem:s30+$0x2870] =	vst v0  }
0x17: {  	[tilespmem:s30+$0x2800] =	vst v0  }
0x18: {  	[tilespmem:s30+$0x2810] =	vst v0  }
.Ltmp0:
0x19: {  	[tilespmem:s30+$0x2820] =	vst v0;
	(pc) =	sbr.rel @p0 .LBB2_2-.Ltmp0, $4  }
0x1a: {  	[tilespmem:s30+$0x2830] =	vst v0  }
0x1b: {  	[tilespmem:s30+$0x2840] =	vst v0  }
0x1c: {  	[tilespmem:s30+$0x2850] =	vst v0  }
0x1d: {  	[tilespmem:s30+$0x2860] =	vst v0;
	s30 =	sshra.s32 s31, $0x2;
	s31 =	sadd.s32 $0x200, s31  }
0x1e: {  	[tilespmem:s30+$0x2870] =	vst v0  }
0x1f: {  	[tilespmem:s30+$0x2800] =	vst v0  }
0x20: {  	[tilespmem:s30+$0x2810] =	vst v0  }
0x21: {  	[tilespmem:s30+$0x2820] =	vst v0  }
0x22: {  	[tilespmem:s30+$0x2830] =	vst v0  }
0x23: {  	[tilespmem:s30+$0x2840] =	vst v0  }
0x24: {  	[tilespmem:s30+$0x2850] =	vst v0  }
0x25: {  	[tilespmem:s30+$0x2860] =	vst v0  }
0x26: {  	[spmem:s5] =	stream.linear.scatter [tilespmem:s17], [sflag:$0x5], $0x4000, $0x38;
	[tilespmem:$0x1ED00] =	vst v63  }
0x27: {  	_ =	swait.ge [sflag:s18], $0x4000  }
0x28: {  	[sflag:s18] =	ssyncset.done $0x0  }
0x29: {  	[sflag:s18] =	ssyncadd.s32 $0xFFFFC000  }
0x2a: {  	[spmem:s6] =	stream.linear.scatter [tilespmem:s17], [sflag:$0x5], $0x4000, $0x38;
	[tilespmem:$0x1ED00] =	vst v63  }
0x2b: {  	_ =	swait.ge [sflag:s18], $0x4000  }
0x2c: {  	[sflag:s18] =	ssyncset.done $0x0  }
0x2d: {  	[sflag:s18] =	ssyncadd.s32 $0xFFFFC000  }
0x2e: {  	[spmem:s7] =	stream.linear.scatter [tilespmem:s17], [sflag:$0x5], $0x4000, $0x38;
	[tilespmem:$0x1ED00] =	vst v63  }
0x2f: {  	_ =	swait.ge [sflag:s18], $0x4000  }
0x30: {  	[sflag:s18] =	ssyncset.done $0x0  }
0x31: {  	[sflag:s18] =	ssyncadd.s32 $0xFFFFC000  }
0x32: {  	[spmem:s8] =	stream.linear.scatter [tilespmem:s17], [sflag:$0x5], $0x4000, $0x38;
	[tilespmem:$0x1ED00] =	vst v63  }
0x33: {  	_ =	swait.ge [sflag:s18], $0x4000  }
0x34: {  	[sflag:s18] =	ssyncset.done $0x0  }
0x35: {  	[sflag:s18] =	ssyncadd.s32 $0xFFFFC000  }
0x36: {  	[spmem:s9] =	stream.linear.scatter [tilespmem:s17], [sflag:$0x5], $0x4000, $0x38;
	[tilespmem:$0x1ED00] =	vst v63  }
0x37: {  	_ =	swait.ge [sflag:s18], $0x4000  }
0x38: {  	[sflag:s18] =	ssyncset.done $0x0  }
0x39: {  	[sflag:s18] =	ssyncadd.s32 $0xFFFFC000  }
0x3a: {  	[tilespmem:$0xA800] =	vst v0  }
0x3b: {  	[tilespmem:$0xA810] =	vst v0  }
0x3c: {  	[tilespmem:$0xA820] =	vst v0  }
0x3d: {  	[tilespmem:$0xA830] =	vst v0  }
0x3e: {  	[tilespmem:$0xA840] =	vst v0  }
0x3f: {  	[tilespmem:$0xA850] =	vst v0  }
0x40: {  	[tilespmem:$0xA860] =	vst v0  }
0x41: {  	[tilespmem:$0xA870] =	vst v0  }
0x42: {  	[tilespmem:$0xA880] =	vst v0  }
0x43: {  	[tilespmem:$0xA890] =	vst v0  }
0x44: {  	[tilespmem:$0xA8A0] =	vst v0  }
0x45: {  	[tilespmem:$0xA8B0] =	vst v0  }
0x46: {  	[tilespmem:$0xA8C0] =	vst v0  }
0x47: {  	[tilespmem:$0xA8D0] =	vst v0  }
0x48: {  	[tilespmem:$0xA8E0] =	vst v0  }
0x49: {  	[tilespmem:$0xA8F0] =	vst v0  }
0x4a: {  	[tilespmem:$0xA900] =	vst v0  }
0x4b: {  	[tilespmem:$0xA910] =	vst v0  }
0x4c: {  	[tilespmem:$0xA920] =	vst v0  }
0x4d: {  	[tilespmem:$0xA930] =	vst v0  }
0x4e: {  	[tilespmem:$0xA940] =	vst v0  }
0x4f: {  	[tilespmem:$0xA950] =	vst v0  }
0x50: {  	[tilespmem:$0xA960] =	vst v0  }
0x51: {  	[tilespmem:$0xA970] =	vst v0  }
0x52: {  	[tilespmem:$0xA980] =	vst v0  }
0x53: {  	[tilespmem:$0xA990] =	vst v0  }
0x54: {  	[tilespmem:$0xA9A0] =	vst v0  }
0x55: {  	[tilespmem:$0xA9B0] =	vst v0  }
0x56: {  	[tilespmem:$0xA9C0] =	vst v0  }
0x57: {  	[tilespmem:$0xA9D0] =	vst v0  }
0x58: {  	[tilespmem:$0xA9E0] =	vst v0  }
0x59: {  	[tilespmem:$0xA9F0] =	vst v0  }
0x5a: {  	[tilespmem:$0xAA00] =	vst v0  }
0x5b: {  	[tilespmem:$0xAA10] =	vst v0  }
0x5c: {  	[tilespmem:$0xAA20] =	vst v0  }
0x5d: {  	[tilespmem:$0xAA30] =	vst v0  }
0x5e: {  	[tilespmem:$0xAA40] =	vst v0  }
0x5f: {  	[tilespmem:$0xAA50] =	vst v0  }
0x60: {  	[tilespmem:$0xAA60] =	vst v0  }
0x61: {  	[tilespmem:$0xAA70] =	vst v0  }
0x62: {  	[spmem:s10] =	stream.linear.scatter [tilespmem:s19], [sflag:$0x5], $0x280, $0x38;
	[tilespmem:$0x1ED00] =	vst v63  }
0x63: {  	_ =	swait.ge [sflag:s18], $0x280  }
0x64: {  	[sflag:s18] =	ssyncset.done $0x0  }
0x65: {  	[sflag:s18] =	ssyncadd.s32 $0xFFFFFD80  }
0x66: {  	[bflag:$0x0] =	sbarrier.arrive $0xFFFF  }
0x67: {  	[tilespmem:s4], [sflag:$0x5] =	stream.linear.gather [hbm4b:s11+s4], $0x1400, $0x38;
	[tilespmem:$0x1ED00] =	vst v63  }
0x68: {  	_ =	swait.ge [sflag:s18], $0x1400  }
0x69: {  	[sflag:s18] =	ssyncset.done $0x0  }
0x6a: {  	[sflag:s18] =	ssyncadd.s32 $0xFFFFEC00  }
0x6b: {  	[tilespmem:s20], [sflag:$0x5] =	stream.linear.gather [hbm4b:s12+s4], $0x1400, $0x38;
	[tilespmem:$0x1ED00] =	vst v63  }
0x6c: {  	_ =	swait.ge [sflag:s18], $0x1400  }
0x6d: {  	[sflag:s18] =	ssyncset.done $0x0  }
0x6e: {  	[sflag:s18] =	ssyncadd.s32 $0xFFFFEC00  }
0x6f: {  	[tilespmem:s17], [sflag:$0x1] =	stream.indirect.gather [hbm4b:s1+s21], $0x80, s4, s21, $0xb8;
	[tilespmem:$0x1ED00] =	vst v63  }
0x70: {  	_ = 	snop  }
0x71: {  	[tilespmem:s22], [sflag:$0x2] =	stream.indirect.gather [hbm4b:s1+s21], $0x80, s21, s21, $0xb8;
	[tilespmem:$0x1ED00] =	vst v63  }
0x72: {  	_ =	swait.ge [sflag:s23], $0x4000  }
0x73: {  	[sflag:s23] =	ssyncset.done $0x0  }
0x74: {  	[sflag:s23] =	ssyncadd.s32 $0xFFFFC000  }
0x75: {  	[spmem:s2] =	stream.indirect.scatter.add.f32 [tilespmem:s17], [sflag:$0x3], $0x80, s20, s21, $0xb8;
	[tilespmem:$0x1ED00] =	vst v63  }
0x76: {  	_ =	swait.ge [sflag:s24], $0x4000  }
0x77: {  	[sflag:s24] =	ssyncset.done $0x0  }
0x78: {  	[sflag:s24] =	ssyncadd.s32 $0xFFFFC000  }
0x79: {  	[spmem:s2] =	stream.indirect.scatter.add.f32 [tilespmem:s22], [sflag:$0x4], $0x80, s25, s21, $0xb8;
	[tilespmem:$0x1ED00] =	vst v63  }
0x7a: {  	_ =	swait.ge [sflag:s26], $0x4000  }
0x7b: {  	[sflag:s26] =	ssyncset.done $0x0  }
0x7c: {  	s30 =	simm.s32 $0x100;
	[sflag:s26] =	ssyncadd.s32 $0xFFFFC000  }
0x7d: {  	[tilespmem:s17], [sflag:$0x1] =	stream.indirect.gather [hbm4b:s1+s21], $0x80, s30, s21, $0xb8;
	[tilespmem:$0x1ED00] =	vst v63  }
0x7e: {  	_ =	swait.ge [sflag:s28], $0x4000  }
0x7f: {  	[sflag:s28] =	ssyncset.done $0x0  }
0x80: {  	s30 =	simm.s32 $0x180;
	[sflag:s28] =	ssyncadd.s32 $0xFFFFC000  }
0x81: {  	[tilespmem:s22], [sflag:$0x2] =	stream.indirect.gather [hbm4b:s1+s21], $0x80, s30, s21, $0xb8;
	[tilespmem:$0x1ED00] =	vst v63  }
0x82: {  	_ =	swait.ge [sflag:s23], $0x4000  }
0x83: {  	[sflag:s23] =	ssyncset.done $0x0  }
0x84: {  	s30 =	simm.s32 $0x1500;
	[sflag:s23] =	ssyncadd.s32 $0xFFFFC000  }
0x85: {  	[spmem:s2] =	stream.indirect.scatter.add.f32 [tilespmem:s17], [sflag:$0x3], $0x80, s30, s21, $0xb8;
	[tilespmem:$0x1ED00] =	vst v63  }
0x86: {  	_ =	swait.ge [sflag:s24], $0x4000  }
0x87: {  	[sflag:s24] =	ssyncset.done $0x0  }
0x88: {  	s31 =	simm.s32 $0x1580;
	s30 =	simm.s32 $0xFFFFB800;
	[sflag:s24] =	ssyncadd.s32 $0xFFFFC000  }
.LBB2_4:
0x89: {  	[spmem:s2] =	stream.indirect.scatter.add.f32 [tilespmem:s22], [sflag:$0x4], $0x80, s31, s21, $0xb8;
	[tilespmem:$0x1ED00] =	vst v63  }
0x8a: {  	s31 =	smov.u32 s30  }
0x8b: {  	p0 =	sne.s32 s30, $0xFFFFFC00;
	s30 =	sadd.s32 $0x400, s30;
	_ =	swait.ge [sflag:s26], $0x4000  }
0x8c: {  	s31 =	sshra.s32 s31, $0x2;
	[sflag:s26] =	ssyncset.done $0x0  }
0x8d: {  	s0 =	sadd.s32 $0x1400, s31;
	[sflag:s26] =	ssyncadd.s32 $0xFFFFC000  }
0x8e: {  	[tilespmem:s17], [sflag:$0x1] =	stream.indirect.gather [hbm4b:s1+s21], $0x80, s0, s21, $0xb8;
	[tilespmem:$0x1ED00] =	vst v63  }
0x8f: {  	_ =	swait.ge [sflag:s28], $0x4000  }
0x90: {  	[sflag:s28] =	ssyncset.done $0x0  }
0x91: {  	s0 =	sadd.s32 $0x1480, s31;
	[sflag:s28] =	ssyncadd.s32 $0xFFFFC000  }
0x92: {  	[tilespmem:s22], [sflag:$0x2] =	stream.indirect.gather [hbm4b:s1+s21], $0x80, s0, s21, $0xb8;
	[tilespmem:$0x1ED00] =	vst v63  }
0x93: {  	_ =	swait.ge [sflag:s23], $0x4000  }
0x94: {  	[sflag:s23] =	ssyncset.done $0x0  }
.Ltmp1:
0x95: {  	s0 =	sadd.s32 $0x2800, s31;
	[sflag:s23] =	ssyncadd.s32 $0xFFFFC000;
	(pc) =	sbr.rel @p0 .LBB2_4-.Ltmp1, $4  }
0x96: {  	[spmem:s2] =	stream.indirect.scatter.add.f32 [tilespmem:s17], [sflag:$0x3], $0x80, s0, s21, $0xb8;
	[tilespmem:$0x1ED00] =	vst v63  }
0x97: {  	_ =	swait.ge [sflag:s24], $0x4000  }
0x98: {  	[sflag:s24] =	ssyncset.done $0x0  }
0x99: {  	s31 =	sadd.s32 $0x2880, s31;
	[sflag:s24] =	ssyncadd.s32 $0xFFFFC000  }
0x9a: {  	[spmem:s2] =	stream.indirect.scatter.add.f32 [tilespmem:s22], [sflag:$0x4], $0x80, s31, s21, $0xb8;
	[tilespmem:$0x1ED00] =	vst v63  }
0x9b: {  	_ =	swait.ge [sflag:s26], $0x4000  }
0x9c: {  	[sflag:s26] =	ssyncset.done $0x0  }
0x9d: {  	[sflag:s26] =	ssyncadd.s32 $0xFFFFC000  }
0x9e: {  	_ =	swait.ge [sflag:s28], $0x4000  }
0x9f: {  	[sflag:s28] =	ssyncset.done $0x0  }
0xa0: {  	[sflag:s28] =	ssyncadd.s32 $0xFFFFC000  }
0xa1: {  	[tilespmem:s4], [sflag:$0x5] =	stream.linear.gather [hbm4b:s13+s4], $0x1400, $0x38;
	[tilespmem:$0x1ED00] =	vst v63  }
0xa2: {  	_ =	swait.ge [sflag:s18], $0x1400  }
0xa3: {  	[sflag:s18] =	ssyncset.done $0x0  }
0xa4: {  	[sflag:s18] =	ssyncadd.s32 $0xFFFFEC00  }
0xa5: {  	[tilespmem:s20], [sflag:$0x5] =	stream.linear.gather [hbm4b:s14+s4], $0x1400, $0x38;
	[tilespmem:$0x1ED00] =	vst v63  }
0xa6: {  	_ =	swait.ge [sflag:s18], $0x1400  }
0xa7: {  	[sflag:s18] =	ssyncset.done $0x0  }
0xa8: {  	[sflag:s18] =	ssyncadd.s32 $0xFFFFEC00  }
0xa9: {  	[tilespmem:s17], [sflag:$0x1] =	stream.indirect.gather [hbm4b:s1+s21], $0x80, s4, s21, $0xb8;
	[tilespmem:$0x1ED00] =	vst v63  }
0xaa: {  	_ = 	snop  }
0xab: {  	[tilespmem:s22], [sflag:$0x2] =	stream.indirect.gather [hbm4b:s1+s21], $0x80, s21, s21, $0xb8;
	[tilespmem:$0x1ED00] =	vst v63  }
0xac: {  	_ =	swait.ge [sflag:s23], $0x4000  }
0xad: {  	[sflag:s23] =	ssyncset.done $0x0  }
0xae: {  	[sflag:s23] =	ssyncadd.s32 $0xFFFFC000  }
0xaf: {  	[spmem:s2] =	stream.indirect.scatter.add.f32 [tilespmem:s17], [sflag:$0x3], $0x80, s20, s21, $0xb8;
	[tilespmem:$0x1ED00] =	vst v63  }
0xb0: {  	_ =	swait.ge [sflag:s24], $0x4000  }
0xb1: {  	[sflag:s24] =	ssyncset.done $0x0  }
0xb2: {  	[sflag:s24] =	ssyncadd.s32 $0xFFFFC000  }
0xb3: {  	[spmem:s2] =	stream.indirect.scatter.add.f32 [tilespmem:s22], [sflag:$0x4], $0x80, s25, s21, $0xb8;
	[tilespmem:$0x1ED00] =	vst v63  }
0xb4: {  	_ =	swait.ge [sflag:s26], $0x4000  }
0xb5: {  	[sflag:s26] =	ssyncset.done $0x0  }
0xb6: {  	s0 =	simm.s32 $0x100;
	[sflag:s26] =	ssyncadd.s32 $0xFFFFC000  }
0xb7: {  	[tilespmem:s17], [sflag:$0x1] =	stream.indirect.gather [hbm4b:s1+s21], $0x80, s0, s21, $0xb8;
	[tilespmem:$0x1ED00] =	vst v63  }
0xb8: {  	_ =	swait.ge [sflag:s28], $0x4000  }
0xb9: {  	[sflag:s28] =	ssyncset.done $0x0  }
0xba: {  	s0 =	simm.s32 $0x180;
	[sflag:s28] =	ssyncadd.s32 $0xFFFFC000  }
0xbb: {  	[tilespmem:s22], [sflag:$0x2] =	stream.indirect.gather [hbm4b:s1+s21], $0x80, s0, s21, $0xb8;
	[tilespmem:$0x1ED00] =	vst v63  }
0xbc: {  	_ =	swait.ge [sflag:s23], $0x4000  }
0xbd: {  	[sflag:s23] =	ssyncset.done $0x0  }
0xbe: {  	s0 =	simm.s32 $0x1500;
	[sflag:s23] =	ssyncadd.s32 $0xFFFFC000  }
0xbf: {  	[spmem:s2] =	stream.indirect.scatter.add.f32 [tilespmem:s17], [sflag:$0x3], $0x80, s0, s21, $0xb8;
	[tilespmem:$0x1ED00] =	vst v63  }
0xc0: {  	_ =	swait.ge [sflag:s24], $0x4000  }
0xc1: {  	[sflag:s24] =	ssyncset.done $0x0  }
0xc2: {  	s30 =	simm.s32 $0xFFFFB800;
	s31 =	simm.s32 $0x1580;
	[sflag:s24] =	ssyncadd.s32 $0xFFFFC000  }
.LBB2_6:
0xc3: {  	[spmem:s2] =	stream.indirect.scatter.add.f32 [tilespmem:s22], [sflag:$0x4], $0x80, s31, s21, $0xb8;
	[tilespmem:$0x1ED00] =	vst v63  }
0xc4: {  	s0 =	smov.u32 s30  }
0xc5: {  	p0 =	sne.s32 s30, $0xFFFFFC00;
	s30 =	sadd.s32 $0x400, s30;
	_ =	swait.ge [sflag:s26], $0x4000  }
0xc6: {  	s0 =	sshra.s32 s0, $0x2;
	[sflag:s26] =	ssyncset.done $0x0  }
0xc7: {  	s31 =	sadd.s32 $0x1400, s0;
	[sflag:s26] =	ssyncadd.s32 $0xFFFFC000  }
0xc8: {  	[tilespmem:s17], [sflag:$0x1] =	stream.indirect.gather [hbm4b:s1+s21], $0x80, s31, s21, $0xb8;
	[tilespmem:$0x1ED00] =	vst v63  }
0xc9: {  	_ =	swait.ge [sflag:s28], $0x4000  }
0xca: {  	[sflag:s28] =	ssyncset.done $0x0  }
0xcb: {  	s31 =	sadd.s32 $0x1480, s0;
	[sflag:s28] =	ssyncadd.s32 $0xFFFFC000  }
0xcc: {  	[tilespmem:s22], [sflag:$0x2] =	stream.indirect.gather [hbm4b:s1+s21], $0x80, s31, s21, $0xb8;
	[tilespmem:$0x1ED00] =	vst v63  }
0xcd: {  	_ =	swait.ge [sflag:s23], $0x4000  }
0xce: {  	[sflag:s23] =	ssyncset.done $0x0  }
.Ltmp2:
0xcf: {  	s31 =	sadd.s32 $0x2800, s0;
	[sflag:s23] =	ssyncadd.s32 $0xFFFFC000;
	(pc) =	sbr.rel @p0 .LBB2_6-.Ltmp2, $4  }
0xd0: {  	[spmem:s2] =	stream.indirect.scatter.add.f32 [tilespmem:s17], [sflag:$0x3], $0x80, s31, s21, $0xb8;
	[tilespmem:$0x1ED00] =	vst v63  }
0xd1: {  	_ =	swait.ge [sflag:s24], $0x4000  }
0xd2: {  	[sflag:s24] =	ssyncset.done $0x0  }
0xd3: {  	s31 =	sadd.s32 $0x2880, s0;
	[sflag:s24] =	ssyncadd.s32 $0xFFFFC000  }
0xd4: {  	[spmem:s2] =	stream.indirect.scatter.add.f32 [tilespmem:s22], [sflag:$0x4], $0x80, s31, s21, $0xb8;
	[tilespmem:$0x1ED00] =	vst v63  }
0xd5: {  	_ =	swait.ge [sflag:s26], $0x4000  }
0xd6: {  	[sflag:s26] =	ssyncset.done $0x0  }
0xd7: {  	[sflag:s26] =	ssyncadd.s32 $0xFFFFC000  }
0xd8: {  	_ =	swait.ge [sflag:s28], $0x4000  }
0xd9: {  	s0 =	sshll.u32 s3, $0x6;
	s29 =	sadd.s32 $0x1, s29;
	[sflag:s28] =	ssyncset.done $0x0  }
0xda: {  	s30 =	sshrl.u32 s5, $0x3;
	p0 =	sne.s32 s29, s16;
	[sflag:s28] =	ssyncadd.s32 $0xFFFFC000  }
.Ltmp3:
0xdb: {  	s0 =	sor.u32 $0x1C05, s0;
	[bflag:$0x0] =	sbarrier.arrive $0xFFFF;
	(pc) =	sbr.rel @p0 .LBB2_1-.Ltmp3, $4  }
0xdc: {  	[hbm:s15], [sflag:s0] =	dma.local [spmem:s30], $0x2800  }
0xdd: {  	_ =	swait.ge [sflag:s18], $0x2800  }
0xde: {  	[sflag:s18] =	ssyncset.done $0x0  }
0xdf: {  	[sflag:s18] =	ssyncadd.s32 $0xFFFFD800  }
0xe0: {  	_ =	sfence.sel $0x180000  }
0xe1: {  	[bflag:$0x0] =	sbarrier.arrive $0xFFFF  }
0xe2: {  	_ =	strace $0x9000004A  }
0xe3: {  	[bflag:$0x2] =	sbarrier.arrive $0xFFFF  }
0xe4: {  	p0 =	sne.s32 s3, $0x0;
	s0 =	rddreg [dreg:$0x4]  }
0xe5: {  	s0 =	sadd.s32 @!p0 $0x100000, s0  }
0xe6: {  	[sflag:s0] =	ssyncadd.tile.s32 @!p0 $0x1;
	_ =	shalt  }
.Lfunc_end2:
_tile_overlayer_lowered:
.L_overlay_start_2:
0xe7: {  	(tag) =	ssettag $0x2  }
0xe8: {  	s0 =	rddreg [dreg:$0x0];
	s2 =	stileid.u32  }
0xe9: {  	s1 =	rddreg [dreg:$0x1];
	p0 =	sne.s32 s2, $0x0  }
0xea: {  	s3 =	rddreg [dreg:$0x2];
	[bflag:$0x3] =	sbarrier.arrive $0xFFFF;
	s2 =	simm.s32 @!p0 $0x1C05  }
0xeb: {  	[timem:s3], [sflag:s2] =	dma.local @!p0 [hbm:s0], s1  }
0xec: {  	s0 =	simm.s32 @!p0 $0x5  }
0xed: {  	_ =	swait.ge @!p0 [sflag:s0], s1  }
0xee: {  	s1 =	ssub.s32 @!p0 $0x0, s1;
	[sflag:s0] =	ssyncset.done @!p0 $0x0  }
0xef: {  	[sflag:s0] =	ssyncadd.s32 @!p0 s1  }
0xf0: {  	[bflag:$0x3] =	sbarrier.arrive $0xFFFF  }
0xf1: {  	_ =	shalt  }

</sc_bundles>
